<compile_context>
chip_gen: v7x
topology: tpu7x:2x2x1
jax: 0.10.2.dev20260603
libtpu: 0.0.44.dev20260713+nightly
codegen_flags: <defaults>
</compile_context>

<pallas_src>
import functools

import jax
import jax.numpy as jnp
from jax import lax
from jax.experimental import pallas as pl
from jax.experimental.pallas import tpu as pltpu
from jax.experimental.pallas import tpu_sc as plsc

N = 10000
NP = 10240
E = 320000
TILES = 16
CORES = 2
CHUNK = 128
CHUNKS = 159
EPAD = TILES * CHUNKS * CHUNK
STRIPE = NP // TILES
ROWS_BLK = 512
NBLK = NP // ROWS_BLK


def _mesh():
    return plsc.VectorSubcoreMesh(core_axis_name="c", subcore_axis_name="s",
                                  num_cores=CORES, num_subcores=TILES)



def _deg_body(dst_hbm, deg_out, idx_d, ones_v, zbuf, acc):
    c = lax.axis_index("c")
    s = lax.axis_index("s")

    def zb(i, carry):
        zbuf[pl.ds(i * 16, 16)] = jnp.zeros((16,), jnp.float32)
        return carry

    lax.fori_loop(0, STRIPE // 16, zb, 0)
    for i in range(CHUNK // 16):
        ones_v[pl.ds(i * 16, 16)] = jnp.ones((16,), jnp.float32)
    pltpu.sync_copy(zbuf, acc.at[pl.ds(s * STRIPE, STRIPE)])
    pltpu.sync_copy(dst_hbm.at[s], idx_d)
    plsc.subcore_barrier()

    def body(j, carry):
        pltpu.sync_copy(ones_v, acc.at[idx_d.at[j]], add=True)
        return carry

    lax.fori_loop(c * (CHUNKS // 2 + 1), (CHUNKS // 2 + 1) + c * (CHUNKS // 2),
                  body, 0)
    plsc.subcore_barrier()
    pltpu.sync_copy(acc.at[pl.ds(s * STRIPE, STRIPE)],
                    deg_out.at[c, pl.ds(s * STRIPE, STRIPE)])


def _make_deg():
    return pl.kernel(
        _deg_body,
        out_type=jax.ShapeDtypeStruct((CORES, NP), jnp.float32),
        mesh=_mesh(),
        scratch_types=[
            pltpu.VMEM((CHUNKS, CHUNK), jnp.int32),
            pltpu.VMEM((CHUNK,), jnp.float32),
            pltpu.VMEM((STRIPE,), jnp.float32),
            pltpu.VMEM_SHARED((NP,), jnp.float32),
        ],
        compiler_params=pltpu.CompilerParams(use_tc_tiling_on_sc=False),
    )


def _agg_body(fh, passes, y_hbm, srcoff_hbm, dst_hbm, agg_out,
              idx_s, idx_d, r0, r1, r2, zbuf, acc,
              g0, g1, g2, s0, s1, s2):
    rows = [r0, r1, r2]
    gsem = [g0, g1, g2]
    ssem = [s0, s1, s2]
    c = lax.axis_index("c")
    s = lax.axis_index("s")
    zr = zbuf.shape[0]
    ngrp = CHUNKS // 3

    def zb(i, carry):
        for k in range(fh // 16):
            zbuf[i, pl.ds(k * 16, 16)] = jnp.zeros((16,), jnp.float32)
        return carry

    lax.fori_loop(0, zr, zb, 0)
    pltpu.sync_copy(srcoff_hbm.at[c, s], idx_s)
    pltpu.sync_copy(dst_hbm.at[s], idx_d)

    def _gat(j, b):
        pltpu.async_copy(y_hbm.at[idx_s.at[j]], rows[b], gsem[b])

    def _gwait(j, b):
        pltpu.make_async_copy(y_hbm.at[idx_s.at[j]], rows[b], gsem[b]).wait()

    def _sstart(j, b):
        pltpu.async_copy(rows[b], acc.at[idx_d.at[j]], ssem[b], add=True)

    def _swait(j, b):
        pltpu.make_async_copy(rows[b], acc.at[idx_d.at[j]], ssem[b]).wait()

    for p in range(passes):
        if p > 0:
            def shift(i, carry):
                for k in range(CHUNK // 16):
                    idx_s[i, pl.ds(k * 16, 16)] = (
                        idx_s[i, pl.ds(k * 16, 16)] + CORES * NP)
                return carry

            lax.fori_loop(0, CHUNKS, shift, 0)

        _gat(0, 0)
        _gat(1, 1)

        def zs(j, carry):
            pltpu.sync_copy(zbuf, acc.at[pl.ds(s * STRIPE + j * zr, zr)])
            return carry

        lax.fori_loop(0, STRIPE // zr, zs, 0)
        plsc.subcore_barrier()

        def body(g, carry):
            for t in range(3):
                j = g * 3 + t
                _gwait(j, t)
                _sstart(j, t)
                bn = (t + 2) % 3
                if t == 0:
                    @pl.when(g > 0)
                    def _():
                        _swait(g * 3 - 1, bn)

                    _gat(j + 2, bn)
                else:
                    @pl.when(g < ngrp - 1)
                    def _():
                        _swait(j - 1, bn)
                        _gat(j + 2, bn)
            return carry

        lax.fori_loop(0, ngrp, body, 0)
        _swait(CHUNKS - 3, 0)
        _swait(CHUNKS - 2, 1)
        _swait(CHUNKS - 1, 2)
        plsc.subcore_barrier()
        pltpu.sync_copy(acc.at[pl.ds(s * STRIPE, STRIPE)],
                        agg_out.at[CORES * p + c, pl.ds(s * STRIPE, STRIPE)])


def _make_agg(fh, passes):
    return pl.kernel(
        functools.partial(_agg_body, fh, passes),
        out_type=jax.ShapeDtypeStruct((CORES * passes, NP, fh), jnp.float32),
        mesh=_mesh(),
        scratch_types=[
            pltpu.VMEM((CHUNKS, CHUNK), jnp.int32),
            pltpu.VMEM((CHUNKS, CHUNK), jnp.int32),
            pltpu.VMEM((CHUNK, fh), jnp.float32),
            pltpu.VMEM((CHUNK, fh), jnp.float32),
            pltpu.VMEM((CHUNK, fh), jnp.float32),
            pltpu.VMEM((64, fh), jnp.float32),
            pltpu.VMEM_SHARED((NP, fh), jnp.float32),
            pltpu.SemaphoreType.DMA,
            pltpu.SemaphoreType.DMA,
            pltpu.SemaphoreType.DMA,
            pltpu.SemaphoreType.DMA,
            pltpu.SemaphoreType.DMA,
            pltpu.SemaphoreType.DMA,
        ],
        compiler_params=pltpu.CompilerParams(use_tc_tiling_on_sc=False),
    )


_SC_KERNELS = {}


def _sc_kernel(name, maker):
    if name not in _SC_KERNELS:
        _SC_KERNELS[name] = maker()
    return _SC_KERNELS[name]



def _split_store(o_ref, y):
    ns = o_ref.shape[0]
    fh = y.shape[1] // ns
    for q in range(ns):
        o_ref[q] = y[:, q * fh:(q + 1) * fh]


def _merge(agg_ref, y_ref, dis):
    ns = agg_ref.shape[0]
    return jnp.concatenate(
        [(agg_ref[q] + y_ref[q]) * dis for q in range(ns)], axis=1)


def _xd_body(x_ref, d0_ref, d1_ref, o_ref):
    dis = lax.rsqrt(d0_ref[...] + d1_ref[...] + 1.0)
    _split_store(o_ref, x_ref[...] * dis)


def _mid1_body(aggx_ref, x_ref, d0_ref, d1_ref, b_ref, w1_ref, w2_ref, o_ref):
    dis = lax.rsqrt(d0_ref[...] + d1_ref[...] + 1.0)
    ns = aggx_ref.shape[0]
    u = jnp.concatenate([aggx_ref[q] for q in range(ns)], axis=1)
    u = u + x_ref[...] * dis
    h = jnp.dot(u, w1_ref[...], preferred_element_type=jnp.float32)
    h = jnp.maximum(h * dis + b_ref[...], 0.0)
    y = jnp.dot(h, w2_ref[...], preferred_element_type=jnp.float32) * dis
    _split_store(o_ref, y)


def _mid_body(agg_ref, y_ref, d0_ref, d1_ref, b_ref, w_ref, o_ref):
    dis = lax.rsqrt(d0_ref[...] + d1_ref[...] + 1.0)
    h = jnp.maximum(_merge(agg_ref, y_ref, dis) + b_ref[...], 0.0)
    y = jnp.dot(h, w_ref[...], preferred_element_type=jnp.float32) * dis
    _split_store(o_ref, y)


def _fin_body(agg_ref, y_ref, d0_ref, d1_ref, b_ref, o_ref):
    dis = lax.rsqrt(d0_ref[...] + d1_ref[...] + 1.0)
    z = _merge(agg_ref, y_ref, dis) + b_ref[...]
    z = z - jnp.max(z, axis=1, keepdims=True)
    e = jnp.exp(z)
    o_ref[...] = e / jnp.sum(e, axis=1, keepdims=True)


def _col_spec():
    return pl.BlockSpec((ROWS_BLK, 1), lambda i: (i, 0))


def _split_spec(ns, fh):
    return pl.BlockSpec((ns, ROWS_BLK, fh), lambda i: (0, i, 0))


def _xd(xp, d0, d1, osplit):
    fin = xp.shape[1]
    return pl.pallas_call(
        _xd_body,
        grid=(NBLK,),
        in_specs=[
            pl.BlockSpec((ROWS_BLK, fin), lambda i: (i, 0)),
            _col_spec(), _col_spec(),
        ],
        out_specs=_split_spec(osplit, fin // osplit),
        out_shape=jax.ShapeDtypeStruct((osplit, NP, fin // osplit), jnp.float32),
    )(xp, d0, d1)


def _mid1(aggx, xp, d0, d1, b, w1, w2, osplit):
    fin = xp.shape[1]
    fout = w2.shape[1]
    ins = aggx.shape[0]
    return pl.pallas_call(
        _mid1_body,
        grid=(NBLK,),
        in_specs=[
            _split_spec(ins, fin // ins),
            pl.BlockSpec((ROWS_BLK, fin), lambda i: (i, 0)),
            _col_spec(), _col_spec(),
            pl.BlockSpec((1, w1.shape[1]), lambda i: (0, 0)),
            pl.BlockSpec(w1.shape, lambda i: (0, 0)),
            pl.BlockSpec(w2.shape, lambda i: (0, 0)),
        ],
        out_specs=_split_spec(osplit, fout // osplit),
        out_shape=jax.ShapeDtypeStruct((osplit, NP, fout // osplit), jnp.float32),
    )(aggx, xp, d0, d1, b, w1, w2)


def _mid(agg, y, d0, d1, b, w, osplit):
    fin, fout = w.shape
    ins = agg.shape[0]
    return pl.pallas_call(
        _mid_body,
        grid=(NBLK,),
        in_specs=[
            _split_spec(ins, fin // ins),
            _split_spec(ins, fin // ins),
            _col_spec(), _col_spec(),
            pl.BlockSpec((1, fin), lambda i: (0, 0)),
            pl.BlockSpec((fin, fout), lambda i: (0, 0)),
        ],
        out_specs=_split_spec(osplit, fout // osplit),
        out_shape=jax.ShapeDtypeStruct((osplit, NP, fout // osplit), jnp.float32),
    )(agg, y, d0, d1, b, w)


def _fin(agg, y, d0, d1, b):
    fout = b.shape[1]
    ins = agg.shape[0]
    return pl.pallas_call(
        _fin_body,
        grid=(NBLK,),
        in_specs=[
            _split_spec(ins, fout // ins),
            _split_spec(ins, fout // ins),
            _col_spec(), _col_spec(),
            pl.BlockSpec((1, fout), lambda i: (0, 0)),
        ],
        out_specs=pl.BlockSpec((ROWS_BLK, fout), lambda i: (i, 0)),
        out_shape=jax.ShapeDtypeStruct((NP, fout), jnp.float32),
    )(agg, y, d0, d1, b)



def kernel(x, edge_index, W1, b1, W2, b2, W3, b3):
    src = edge_index[0].astype(jnp.int32)
    dst = edge_index[1].astype(jnp.int32)
    npad = EPAD - E
    fill = jnp.arange(npad, dtype=jnp.int32) % 8
    src_t = jnp.concatenate([src, fill]).reshape(TILES, CHUNKS, CHUNK)
    dst_t = jnp.concatenate([dst, N + fill]).reshape(TILES, CHUNKS, CHUNK)
    srcoff = jnp.stack([src_t, src_t + NP])

    xp = jnp.pad(x, ((0, NP - N), (0, 0)))

    _deg_k = _sc_kernel("deg", _make_deg)
    _aggx_k = _sc_kernel("aggx", lambda: _make_agg(64, 1))
    _agg64_k = _sc_kernel("agg64", lambda: _make_agg(64, 2))
    _agg32_k = _sc_kernel("agg32", lambda: _make_agg(32, 1))

    deg = _deg_k(dst_t)
    d0 = deg[0].reshape(NP, 1)
    d1 = deg[1].reshape(NP, 1)

    xd = _xd(xp, d0, d1, 2)
    aggx = _aggx_k(xd.reshape(2 * NP, 64), srcoff, dst_t)
    y2 = _mid1(aggx, xp, d0, d1, b1.reshape(1, -1), W1, W2, 4)
    agg2 = _agg64_k(y2.reshape(4 * NP, 64), srcoff, dst_t)
    y3 = _mid(agg2, y2, d0, d1, b2.reshape(1, -1), W3, 2)
    agg3 = _agg32_k(y3.reshape(2 * NP, 32), srcoff, dst_t)
    out = _fin(agg3, y3, d0, d1, b3.reshape(1, -1))
    return out[:N]

# --- scband reference (transcript-rebuilt; emitter-appended) ---
"""Pipeline reference for scband-policy-gnn-45801531245228 (READ-ONLY COPY).

The authoritative reference and input builder live on the scoring server;
editing this copy changes nothing except your own understanding.
"""

import jax, jax.numpy as jnp
import numpy as np

N_NODES = 10000
N_EDGES = 320000
IN_FEATURES = 128
HIDDEN_DIM = 256
OUT_FEATURES = 64


def setup_inputs(seed: int = 0) -> dict:
    key = jax.random.key(seed)
    ks = jax.random.split(key, 8)
    x = jax.random.normal(ks[0], (N_NODES, IN_FEATURES), dtype=jnp.float32)
    edge_index = jax.random.randint(ks[1], (2, N_EDGES), 0, N_NODES, dtype=jnp.int64)
    def glorot(k, fan_in, fan_out):
        limit = jnp.sqrt(6.0 / (fan_in + fan_out))
        return jax.random.uniform(k, (fan_in, fan_out), dtype=jnp.float32, minval=-limit, maxval=limit)
    W1 = glorot(ks[2], IN_FEATURES, HIDDEN_DIM)
    b1 = jnp.zeros((HIDDEN_DIM,), dtype=jnp.float32)
    W2 = glorot(ks[3], HIDDEN_DIM, HIDDEN_DIM)
    b2 = jnp.zeros((HIDDEN_DIM,), dtype=jnp.float32)
    W3 = glorot(ks[4], HIDDEN_DIM, OUT_FEATURES)
    b3 = jnp.zeros((OUT_FEATURES,), dtype=jnp.float32)
    return {"x": x, "edge_index": edge_index, "W1": W1, "b1": b1, "W2": W2, "b2": b2, "W3": W3, "b3": b3}


def _gcn_conv(x, edge_index, W, b):
    # PyG-style GCNConv: add self-loops, symmetric normalization D^-1/2 (A+I) D^-1/2 X W + b
    N = x.shape[0]
    loop = jnp.arange(N, dtype=edge_index.dtype)
    src = jnp.concatenate([edge_index[0], loop])
    dst = jnp.concatenate([edge_index[1], loop])
    deg = jnp.zeros((N,), dtype=x.dtype).at[dst].add(jnp.ones_like(dst, dtype=x.dtype))
    deg_inv_sqrt = jnp.where(deg > 0, jax.lax.rsqrt(deg), 0.0)
    norm = deg_inv_sqrt[src] * deg_inv_sqrt[dst]
    xw = x @ W
    msgs = xw[src] * norm[:, None]
    out = jnp.zeros((N, W.shape[1]), dtype=x.dtype).at[dst].add(msgs)
    return out + b


def reference(x, edge_index, W1, b1, W2, b2, W3, b3):
    h = jax.nn.relu(_gcn_conv(x, edge_index, W1, b1))
    h = jax.nn.relu(_gcn_conv(h, edge_index, W2, b2))
    h = _gcn_conv(h, edge_index, W3, b3)
    return jax.nn.softmax(h, axis=-1)

if __name__ == "__main__":
    import jax
    _d = setup_inputs()
    print(jax.jit(kernel)(*tuple(_d.values())))

</pallas_src>

<mosaic_0001>
#map = affine_map<(d0, d1) -> (0, 0)>
#map1 = affine_map<(d0, d1) -> (0, 0, 0, 0)>
#map2 = affine_map<(d0, d1) -> (0, 0, 0)>
module attributes {stable_mosaic.version = 14 : i64} {
  func.func @_agg_body(%arg0: i32, %arg1: i32, %arg2: memref<20480x64xf32, #tpu.memory_space<hbm>>, %arg3: memref<2x16x159x128xi32, #tpu.memory_space<hbm>>, %arg4: memref<16x159x128xi32, #tpu.memory_space<hbm>>, %arg5: memref<2x10240x64xf32, #tpu.memory_space<hbm>>, %arg6: memref<159x128xi32, #tpu.memory_space<vmem>>, %arg7: memref<159x128xi32, #tpu.memory_space<vmem>>, %arg8: memref<128x64xf32, #tpu.memory_space<vmem>>, %arg9: memref<128x64xf32, #tpu.memory_space<vmem>>, %arg10: memref<128x64xf32, #tpu.memory_space<vmem>>, %arg11: memref<64x64xf32, #tpu.memory_space<vmem>>, %arg12: memref<10240x64xf32, #tpu.memory_space<vmem_shared>>, %arg13: memref<!tpu.dma_semaphore, #tpu.memory_space<semaphore_mem>>, %arg14: memref<!tpu.dma_semaphore, #tpu.memory_space<semaphore_mem>>, %arg15: memref<!tpu.dma_semaphore, #tpu.memory_space<semaphore_mem>>, %arg16: memref<!tpu.dma_semaphore, #tpu.memory_space<semaphore_mem>>, %arg17: memref<!tpu.dma_semaphore, #tpu.memory_space<semaphore_mem>>, %arg18: memref<!tpu.dma_semaphore, #tpu.memory_space<semaphore_mem>>) attributes {dimension_semantics = [#tpu.dimension_semantics<core_parallel>, #tpu.dimension_semantics<subcore_parallel>], iteration_bounds = array<i64: 2, 16>, scalar_prefetch = 0 : i64, scratch_operands = 13 : i64, tpu.core_type = #tpu.core_type<sc_vector_subcore>, window_params = [{transform_indices = #map}, {transform_indices = #map1}, {transform_indices = #map2}, {transform_indices = #map2}]} {
    %scan3A = arith.constant 0 : i32
    %scan3A_0 = arith.constant 0 : i32
    %scan3A_1 = arith.constant 64 : i32
    %scan3A_2 = arith.addi %scan3A_0, %scan3A_1 : i32
    %scan3A_3 = arith.constant 1 : i32
    scf.for %scan3A_55 = %scan3A_0 to %scan3A_2 step %scan3A_3  : i32 {
      %broadcast_in_dim3A = arith.constant 0.000000e+00 : f32
      %broadcast_in_dim3A_56 = vector.broadcast %broadcast_in_dim3A : f32 to vector<16xf32>
      %swap3A = arith.index_cast %scan3A_55 : i32 to index
      %swap3A_57 = arith.constant 0 : index
      %swap3A_58 = tpu.vector_load %arg11[%swap3A, %swap3A_57] {strides = array<i32>} : memref<64x64xf32, #tpu.memory_space<vmem>>, vector<1x16xf32>,
      %swap3A_59 = vector.shape_cast %swap3A_58 : vector<1x16xf32> to vector<16xf32>
      %swap3A_60 = vector.shape_cast %broadcast_in_dim3A_56 : vector<16xf32> to vector<1x16xf32>
      tpu.vector_store %arg11[%swap3A, %swap3A_57], %swap3A_60 {strides = array<i32>} : memref<64x64xf32, #tpu.memory_space<vmem>>, vector<1x16xf32>,
      %broadcast_in_dim3A_61 = arith.constant 0.000000e+00 : f32
      %broadcast_in_dim3A_62 = vector.broadcast %broadcast_in_dim3A_61 : f32 to vector<16xf32>
      %swap3A_63 = arith.index_cast %scan3A_55 : i32 to index
      %swap3A_64 = arith.constant 16 : index
      %swap3A_65 = tpu.vector_load %arg11[%swap3A_63, %swap3A_64] {strides = array<i32>} : memref<64x64xf32, #tpu.memory_space<vmem>>, vector<1x16xf32>,
      %swap3A_66 = vector.shape_cast %swap3A_65 : vector<1x16xf32> to vector<16xf32>
      %swap3A_67 = vector.shape_cast %broadcast_in_dim3A_62 : vector<16xf32> to vector<1x16xf32>
      tpu.vector_store %arg11[%swap3A_63, %swap3A_64], %swap3A_67 {strides = array<i32>} : memref<64x64xf32, #tpu.memory_space<vmem>>, vector<1x16xf32>,
      %broadcast_in_dim3A_68 = arith.constant 0.000000e+00 : f32
      %broadcast_in_dim3A_69 = vector.broadcast %broadcast_in_dim3A_68 : f32 to vector<16xf32>
      %swap3A_70 = arith.index_cast %scan3A_55 : i32 to index
      %swap3A_71 = arith.constant 32 : index
      %swap3A_72 = tpu.vector_load %arg11[%swap3A_70, %swap3A_71] {strides = array<i32>} : memref<64x64xf32, #tpu.memory_space<vmem>>, vector<1x16xf32>,
      %swap3A_73 = vector.shape_cast %swap3A_72 : vector<1x16xf32> to vector<16xf32>
      %swap3A_74 = vector.shape_cast %broadcast_in_dim3A_69 : vector<16xf32> to vector<1x16xf32>
      tpu.vector_store %arg11[%swap3A_70, %swap3A_71], %swap3A_74 {strides = array<i32>} : memref<64x64xf32, #tpu.memory_space<vmem>>, vector<1x16xf32>,
      %broadcast_in_dim3A_75 = arith.constant 0.000000e+00 : f32
      %broadcast_in_dim3A_76 = vector.broadcast %broadcast_in_dim3A_75 : f32 to vector<16xf32>
      %swap3A_77 = arith.index_cast %scan3A_55 : i32 to index
      %swap3A_78 = arith.constant 48 : index
      %swap3A_79 = tpu.vector_load %arg11[%swap3A_77, %swap3A_78] {strides = array<i32>} : memref<64x64xf32, #tpu.memory_space<vmem>>, vector<1x16xf32>,
      %swap3A_80 = vector.shape_cast %swap3A_79 : vector<1x16xf32> to vector<16xf32>
      %swap3A_81 = vector.shape_cast %broadcast_in_dim3A_76 : vector<16xf32> to vector<1x16xf32>
      tpu.vector_store %arg11[%swap3A_77, %swap3A_78], %swap3A_81 {strides = array<i32>} : memref<64x64xf32, #tpu.memory_space<vmem>>, vector<1x16xf32>,
    }
    %scan3A_4 = arith.constant 64 : i32
    "tpu.region"() ({
      %run_scoped3A = tpu.sem_alloc : memref<!tpu.dma_semaphore, #tpu.memory_space<semaphore_mem>>
      %dma_start3A_55 = arith.constant 0 : i32
      %dma_start3A_56 = arith.constant 0 : i32
      %dma_start3A_57 = tpu.memref_slice %arg3[%arg0, %arg1, %dma_start3A_55, %dma_start3A_56] : memref<2x16x159x128xi32, #tpu.memory_space<hbm>> -> memref<1x1x159x128xi32, #tpu.memory_space<hbm>>
      %dma_start3A_58 = tpu.memref_squeeze %dma_start3A_57 : memref<1x1x159x128xi32, #tpu.memory_space<hbm>> -> memref<159x128xi32, #tpu.memory_space<hbm>>
      %dma_start3A_59 = arith.constant 0 : i32
      %dma_start3A_60 = arith.constant 0 : i32
      %dma_start3A_61 = tpu.memref_slice %arg3[%arg0, %arg1, %dma_start3A_59, %dma_start3A_60] : memref<2x16x159x128xi32, #tpu.memory_space<hbm>> -> memref<1x1x159x128xi32, #tpu.memory_space<hbm>>
      %dma_start3A_62 = tpu.memref_squeeze %dma_start3A_61 : memref<1x1x159x128xi32, #tpu.memory_space<hbm>> -> memref<159x128xi32, #tpu.memory_space<hbm>>
      tpu.enqueue_dma source(%dma_start3A_62 : memref<159x128xi32, #tpu.memory_space<hbm>>) target(%arg6 : memref<159x128xi32, #tpu.memory_space<vmem>>) target_semaphore(%run_scoped3A : memref<!tpu.dma_semaphore, #tpu.memory_space<semaphore_mem>>)
      %dma_wait3A_63 = arith.constant 0 : i32
      %dma_wait3A_64 = arith.constant 0 : i32
      %dma_wait3A_65 = tpu.memref_slice %arg3[%arg0, %arg1, %dma_wait3A_63, %dma_wait3A_64] : memref<2x16x159x128xi32, #tpu.memory_space<hbm>> -> memref<1x1x159x128xi32, #tpu.memory_space<hbm>>
      %dma_wait3A_66 = tpu.memref_squeeze %dma_wait3A_65 : memref<1x1x159x128xi32, #tpu.memory_space<hbm>> -> memref<159x128xi32, #tpu.memory_space<hbm>>
      %dma_wait3A_67 = arith.constant 0 : i32
      %dma_wait3A_68 = arith.constant 0 : i32
      %dma_wait3A_69 = tpu.memref_slice %arg3[%arg0, %arg1, %dma_wait3A_67, %dma_wait3A_68] : memref<2x16x159x128xi32, #tpu.memory_space<hbm>> -> memref<1x1x159x128xi32, #tpu.memory_space<hbm>>
      %dma_wait3A_70 = tpu.memref_squeeze %dma_wait3A_69 : memref<1x1x159x128xi32, #tpu.memory_space<hbm>> -> memref<159x128xi32, #tpu.memory_space<hbm>>
      tpu.wait_dma2 semaphore(%run_scoped3A : memref<!tpu.dma_semaphore, #tpu.memory_space<semaphore_mem>>) src(%dma_wait3A_70 : memref<159x128xi32, #tpu.memory_space<hbm>>) dst(%arg6 : memref<159x128xi32, #tpu.memory_space<vmem>>)
      tpu.yield
    }) : () -> ()
    "tpu.region"() ({
      %run_scoped3A = tpu.sem_alloc : memref<!tpu.dma_semaphore, #tpu.memory_space<semaphore_mem>>
      %dma_start3A_55 = arith.constant 0 : i32
      %dma_start3A_56 = arith.constant 0 : i32
      %dma_start3A_57 = tpu.memref_slice %arg4[%arg1, %dma_start3A_55, %dma_start3A_56] : memref<16x159x128xi32, #tpu.memory_space<hbm>> -> memref<1x159x128xi32, #tpu.memory_space<hbm>>
      %dma_start3A_58 = tpu.memref_squeeze %dma_start3A_57 : memref<1x159x128xi32, #tpu.memory_space<hbm>> -> memref<159x128xi32, #tpu.memory_space<hbm>>
      %dma_start3A_59 = arith.constant 0 : i32
      %dma_start3A_60 = arith.constant 0 : i32
      %dma_start3A_61 = tpu.memref_slice %arg4[%arg1, %dma_start3A_59, %dma_start3A_60] : memref<16x159x128xi32, #tpu.memory_space<hbm>> -> memref<1x159x128xi32, #tpu.memory_space<hbm>>
      %dma_start3A_62 = tpu.memref_squeeze %dma_start3A_61 : memref<1x159x128xi32, #tpu.memory_space<hbm>> -> memref<159x128xi32, #tpu.memory_space<hbm>>
      tpu.enqueue_dma source(%dma_start3A_62 : memref<159x128xi32, #tpu.memory_space<hbm>>) target(%arg7 : memref<159x128xi32, #tpu.memory_space<vmem>>) target_semaphore(%run_scoped3A : memref<!tpu.dma_semaphore, #tpu.memory_space<semaphore_mem>>)
      %dma_wait3A_63 = arith.constant 0 : i32
      %dma_wait3A_64 = arith.constant 0 : i32
      %dma_wait3A_65 = tpu.memref_slice %arg4[%arg1, %dma_wait3A_63, %dma_wait3A_64] : memref<16x159x128xi32, #tpu.memory_space<hbm>> -> memref<1x159x128xi32, #tpu.memory_space<hbm>>
      %dma_wait3A_66 = tpu.memref_squeeze %dma_wait3A_65 : memref<1x159x128xi32, #tpu.memory_space<hbm>> -> memref<159x128xi32, #tpu.memory_space<hbm>>
      %dma_wait3A_67 = arith.constant 0 : i32
      %dma_wait3A_68 = arith.constant 0 : i32
      %dma_wait3A_69 = tpu.memref_slice %arg4[%arg1, %dma_wait3A_67, %dma_wait3A_68] : memref<16x159x128xi32, #tpu.memory_space<hbm>> -> memref<1x159x128xi32, #tpu.memory_space<hbm>>
      %dma_wait3A_70 = tpu.memref_squeeze %dma_wait3A_69 : memref<1x159x128xi32, #tpu.memory_space<hbm>> -> memref<159x128xi32, #tpu.memory_space<hbm>>
      tpu.wait_dma2 semaphore(%run_scoped3A : memref<!tpu.dma_semaphore, #tpu.memory_space<semaphore_mem>>) src(%dma_wait3A_70 : memref<159x128xi32, #tpu.memory_space<hbm>>) dst(%arg7 : memref<159x128xi32, #tpu.memory_space<vmem>>)
      tpu.yield
    }) : () -> ()
    %dma_start3A = arith.constant 0 : i32
    %dma_start3A_5 = arith.constant 0 : i32
    %dma_start3A_6 = tpu.memref_slice %arg6[%dma_start3A, %dma_start3A_5] : memref<159x128xi32, #tpu.memory_space<vmem>> -> memref<1x128xi32, #tpu.memory_space<vmem>>
    %dma_start3A_7 = tpu.memref_squeeze %dma_start3A_6 : memref<1x128xi32, #tpu.memory_space<vmem>> -> memref<128xi32, #tpu.memory_space<vmem>>
    %dma_start3A_8 = arith.constant 0 : i32
    %dma_start3A_9 = arith.constant 0 : i32
    %dma_start3A_10 = tpu.memref_slice %arg2[%dma_start3A_8, %dma_start3A_9] : memref<20480x64xf32, #tpu.memory_space<hbm>> -> memref<20480x64xf32, #tpu.memory_space<hbm>>
    tpu.enqueue_indirect_dma source(%dma_start3A_10 : memref<20480x64xf32, #tpu.memory_space<hbm>>) target(%arg8 : memref<128x64xf32, #tpu.memory_space<vmem>>) offsets(%dma_start3A_7 : memref<128xi32, #tpu.memory_space<vmem>>) semaphore(%arg13 : memref<!tpu.dma_semaphore, #tpu.memory_space<semaphore_mem>>)
    %dma_start3A_11 = arith.constant 1 : i32
    %dma_start3A_12 = arith.constant 0 : i32
    %dma_start3A_13 = tpu.memref_slice %arg6[%dma_start3A_11, %dma_start3A_12] : memref<159x128xi32, #tpu.memory_space<vmem>> -> memref<1x128xi32, #tpu.memory_space<vmem>>
    %dma_start3A_14 = tpu.memref_squeeze %dma_start3A_13 : memref<1x128xi32, #tpu.memory_space<vmem>> -> memref<128xi32, #tpu.memory_space<vmem>>
    %dma_start3A_15 = arith.constant 0 : i32
    %dma_start3A_16 = arith.constant 0 : i32
    %dma_start3A_17 = tpu.memref_slice %arg2[%dma_start3A_15, %dma_start3A_16] : memref<20480x64xf32, #tpu.memory_space<hbm>> -> memref<20480x64xf32, #tpu.memory_space<hbm>>
    tpu.enqueue_indirect_dma source(%dma_start3A_17 : memref<20480x64xf32, #tpu.memory_space<hbm>>) target(%arg9 : memref<128x64xf32, #tpu.memory_space<vmem>>) offsets(%dma_start3A_14 : memref<128xi32, #tpu.memory_space<vmem>>) semaphore(%arg14 : memref<!tpu.dma_semaphore, #tpu.memory_space<semaphore_mem>>)
    %scan3A_18 = arith.constant 0 : i32
    %scan3A_19 = arith.constant 0 : i32
    %scan3A_20 = arith.constant 10 : i32
    %scan3A_21 = arith.addi %scan3A_19, %scan3A_20 : i32
    %scan3A_22 = arith.constant 1 : i32
    scf.for %scan3A_55 = %scan3A_19 to %scan3A_21 step %scan3A_22  : i32 {
      %mul3A_56 = arith.constant 640 : i32
      %mul3A_57 = arith.muli %arg1, %mul3A_56 : i32
      %mul3A_58 = arith.constant 64 : i32
      %mul3A_59 = arith.muli %scan3A_55, %mul3A_58 : i32
      %add3A_60 = arith.addi %mul3A_57, %mul3A_59 : i32
      "tpu.region"() ({
        %run_scoped3A = tpu.sem_alloc : memref<!tpu.dma_semaphore, #tpu.memory_space<semaphore_mem>>
        %dma_start3A_61 = arith.constant 0 : i32
        %dma_start3A_62 = tpu.memref_slice %arg12[%add3A_60, %dma_start3A_61] : memref<10240x64xf32, #tpu.memory_space<vmem_shared>> -> memref<64x64xf32, #tpu.memory_space<vmem_shared>>
        %dma_start3A_63 = arith.constant 0 : i32
        %dma_start3A_64 = tpu.memref_slice %arg12[%add3A_60, %dma_start3A_63] : memref<10240x64xf32, #tpu.memory_space<vmem_shared>> -> memref<64x64xf32, #tpu.memory_space<vmem_shared>>
        tpu.enqueue_dma source(%arg11 : memref<64x64xf32, #tpu.memory_space<vmem>>) target(%dma_start3A_64 : memref<64x64xf32, #tpu.memory_space<vmem_shared>>) target_semaphore(%run_scoped3A : memref<!tpu.dma_semaphore, #tpu.memory_space<semaphore_mem>>)
        %dma_wait3A_65 = arith.constant 0 : i32
        %dma_wait3A_66 = tpu.memref_slice %arg12[%add3A_60, %dma_wait3A_65] : memref<10240x64xf32, #tpu.memory_space<vmem_shared>> -> memref<64x64xf32, #tpu.memory_space<vmem_shared>>
        %dma_wait3A_67 = arith.constant 0 : i32
        %dma_wait3A_68 = tpu.memref_slice %arg12[%add3A_60, %dma_wait3A_67] : memref<10240x64xf32, #tpu.memory_space<vmem_shared>> -> memref<64x64xf32, #tpu.memory_space<vmem_shared>>
        tpu.wait_dma2 semaphore(%run_scoped3A : memref<!tpu.dma_semaphore, #tpu.memory_space<semaphore_mem>>) src(%arg11 : memref<64x64xf32, #tpu.memory_space<vmem>>) dst(%dma_wait3A_68 : memref<64x64xf32, #tpu.memory_space<vmem_shared>>)
        tpu.yield
      }) : () -> ()
    }
    %scan3A_23 = arith.constant 10 : i32
    %barrier3A = arith.constant 0 : index
    tpu.barrier barrier_id(%barrier3A)
    %scan3A_24 = arith.constant 0 : i32
    %scan3A_25 = arith.constant 0 : i32
    %scan3A_26 = arith.constant 53 : i32
    %scan3A_27 = arith.addi %scan3A_25, %scan3A_26 : i32
    %scan3A_28 = arith.constant 1 : i32
    scf.for %scan3A_55 = %scan3A_25 to %scan3A_27 step %scan3A_28  : i32 {
      %mul3A_56 = arith.constant 3 : i32
      %mul3A_57 = arith.muli %scan3A_55, %mul3A_56 : i32
      %add3A_58 = arith.constant 0 : i32
      %add3A_59 = arith.addi %mul3A_57, %add3A_58 : i32
      %dma_wait3A_60 = arith.constant 0 : i32
      %dma_wait3A_61 = tpu.memref_slice %arg6[%add3A_59, %dma_wait3A_60] : memref<159x128xi32, #tpu.memory_space<vmem>> -> memref<1x128xi32, #tpu.memory_space<vmem>>
      %dma_wait3A_62 = tpu.memref_squeeze %dma_wait3A_61 : memref<1x128xi32, #tpu.memory_space<vmem>> -> memref<128xi32, #tpu.memory_space<vmem>>
      %dma_wait3A_63 = arith.constant 0 : i32
      %dma_wait3A_64 = arith.constant 0 : i32
      %dma_wait3A_65 = tpu.memref_slice %arg2[%dma_wait3A_63, %dma_wait3A_64] : memref<20480x64xf32, #tpu.memory_space<hbm>> -> memref<20480x64xf32, #tpu.memory_space<hbm>>
      tpu.wait_indirect_dma semaphore(%arg13 : memref<!tpu.dma_semaphore, #tpu.memory_space<semaphore_mem>>) src(%dma_wait3A_65 : memref<20480x64xf32, #tpu.memory_space<hbm>>) dst(%arg8 : memref<128x64xf32, #tpu.memory_space<vmem>>)
      %dma_start3A_66 = arith.constant 0 : i32
      %dma_start3A_67 = tpu.memref_slice %arg7[%add3A_59, %dma_start3A_66] : memref<159x128xi32, #tpu.memory_space<vmem>> -> memref<1x128xi32, #tpu.memory_space<vmem>>
      %dma_start3A_68 = tpu.memref_squeeze %dma_start3A_67 : memref<1x128xi32, #tpu.memory_space<vmem>> -> memref<128xi32, #tpu.memory_space<vmem>>
      %dma_start3A_69 = arith.constant 0 : i32
      %dma_start3A_70 = arith.constant 0 : i32
      %dma_start3A_71 = tpu.memref_slice %arg12[%dma_start3A_69, %dma_start3A_70] : memref<10240x64xf32, #tpu.memory_space<vmem_shared>> -> memref<10240x64xf32, #tpu.memory_space<vmem_shared>>
      tpu.enqueue_indirect_dma source(%arg8 : memref<128x64xf32, #tpu.memory_space<vmem>>) target(%dma_start3A_71 : memref<10240x64xf32, #tpu.memory_space<vmem_shared>>) offsets(%dma_start3A_68 : memref<128xi32, #tpu.memory_space<vmem>>) semaphore(%arg16 : memref<!tpu.dma_semaphore, #tpu.memory_space<semaphore_mem>>) {add = true}
      %gt3A = arith.constant 0 : i32
      %gt3A_72 = arith.cmpi sgt, %scan3A_55, %gt3A : i32
      %convert_element_type3A = arith.extui %gt3A_72 : i1 to i32
      %cond3A = arith.constant 0 : i32
      %cond3A_73 = arith.cmpi ne, %convert_element_type3A, %cond3A : i32
      scf.if %cond3A_73 {
        %mul3A_123 = arith.constant 3 : i32
        %mul3A_124 = arith.muli %scan3A_55, %mul3A_123 : i32
        %sub3A = arith.constant 1 : i32
        %sub3A_125 = arith.subi %mul3A_124, %sub3A : i32
        %dma_wait3A_126 = arith.constant 0 : i32
        %dma_wait3A_127 = tpu.memref_slice %arg7[%sub3A_125, %dma_wait3A_126] : memref<159x128xi32, #tpu.memory_space<vmem>> -> memref<1x128xi32, #tpu.memory_space<vmem>>
        %dma_wait3A_128 = tpu.memref_squeeze %dma_wait3A_127 : memref<1x128xi32, #tpu.memory_space<vmem>> -> memref<128xi32, #tpu.memory_space<vmem>>
        %dma_wait3A_129 = arith.constant 0 : i32
        %dma_wait3A_130 = arith.constant 0 : i32
        %dma_wait3A_131 = tpu.memref_slice %arg12[%dma_wait3A_129, %dma_wait3A_130] : memref<10240x64xf32, #tpu.memory_space<vmem_shared>> -> memref<10240x64xf32, #tpu.memory_space<vmem_shared>>
        tpu.wait_indirect_dma semaphore(%arg18 : memref<!tpu.dma_semaphore, #tpu.memory_space<semaphore_mem>>) src(%arg10 : memref<128x64xf32, #tpu.memory_space<vmem>>) dst(%dma_wait3A_131 : memref<10240x64xf32, #tpu.memory_space<vmem_shared>>)
      } else {
      }
      %add3A_74 = arith.constant 2 : i32
      %add3A_75 = arith.addi %add3A_59, %add3A_74 : i32
      %dma_start3A_76 = arith.constant 0 : i32
      %dma_start3A_77 = tpu.memref_slice %arg6[%add3A_75, %dma_start3A_76] : memref<159x128xi32, #tpu.memory_space<vmem>> -> memref<1x128xi32, #tpu.memory_space<vmem>>
      %dma_start3A_78 = tpu.memref_squeeze %dma_start3A_77 : memref<1x128xi32, #tpu.memory_space<vmem>> -> memref<128xi32, #tpu.memory_space<vmem>>
      %dma_start3A_79 = arith.constant 0 : i32
      %dma_start3A_80 = arith.constant 0 : i32
      %dma_start3A_81 = tpu.memref_slice %arg2[%dma_start3A_79, %dma_start3A_80] : memref<20480x64xf32, #tpu.memory_space<hbm>> -> memref<20480x64xf32, #tpu.memory_space<hbm>>
      tpu.enqueue_indirect_dma source(%dma_start3A_81 : memref<20480x64xf32, #tpu.memory_space<hbm>>) target(%arg10 : memref<128x64xf32, #tpu.memory_space<vmem>>) offsets(%dma_start3A_78 : memref<128xi32, #tpu.memory_space<vmem>>) semaphore(%arg15 : memref<!tpu.dma_semaphore, #tpu.memory_space<semaphore_mem>>)
      %mul3A_82 = arith.constant 3 : i32
      %mul3A_83 = arith.muli %scan3A_55, %mul3A_82 : i32
      %add3A_84 = arith.constant 1 : i32
      %add3A_85 = arith.addi %mul3A_83, %add3A_84 : i32
      %dma_wait3A_86 = arith.constant 0 : i32
      %dma_wait3A_87 = tpu.memref_slice %arg6[%add3A_85, %dma_wait3A_86] : memref<159x128xi32, #tpu.memory_space<vmem>> -> memref<1x128xi32, #tpu.memory_space<vmem>>
      %dma_wait3A_88 = tpu.memref_squeeze %dma_wait3A_87 : memref<1x128xi32, #tpu.memory_space<vmem>> -> memref<128xi32, #tpu.memory_space<vmem>>
      %dma_wait3A_89 = arith.constant 0 : i32
      %dma_wait3A_90 = arith.constant 0 : i32
      %dma_wait3A_91 = tpu.memref_slice %arg2[%dma_wait3A_89, %dma_wait3A_90] : memref<20480x64xf32, #tpu.memory_space<hbm>> -> memref<20480x64xf32, #tpu.memory_space<hbm>>
      tpu.wait_indirect_dma semaphore(%arg14 : memref<!tpu.dma_semaphore, #tpu.memory_space<semaphore_mem>>) src(%dma_wait3A_91 : memref<20480x64xf32, #tpu.memory_space<hbm>>) dst(%arg9 : memref<128x64xf32, #tpu.memory_space<vmem>>)
      %dma_start3A_92 = arith.constant 0 : i32
      %dma_start3A_93 = tpu.memref_slice %arg7[%add3A_85, %dma_start3A_92] : memref<159x128xi32, #tpu.memory_space<vmem>> -> memref<1x128xi32, #tpu.memory_space<vmem>>
      %dma_start3A_94 = tpu.memref_squeeze %dma_start3A_93 : memref<1x128xi32, #tpu.memory_space<vmem>> -> memref<128xi32, #tpu.memory_space<vmem>>
      %dma_start3A_95 = arith.constant 0 : i32
      %dma_start3A_96 = arith.constant 0 : i32
      %dma_start3A_97 = tpu.memref_slice %arg12[%dma_start3A_95, %dma_start3A_96] : memref<10240x64xf32, #tpu.memory_space<vmem_shared>> -> memref<10240x64xf32, #tpu.memory_space<vmem_shared>>
      tpu.enqueue_indirect_dma source(%arg9 : memref<128x64xf32, #tpu.memory_space<vmem>>) target(%dma_start3A_97 : memref<10240x64xf32, #tpu.memory_space<vmem_shared>>) offsets(%dma_start3A_94 : memref<128xi32, #tpu.memory_space<vmem>>) semaphore(%arg17 : memref<!tpu.dma_semaphore, #tpu.memory_space<semaphore_mem>>) {add = true}
      %lt3A = arith.constant 52 : i32
      %lt3A_98 = arith.cmpi slt, %scan3A_55, %lt3A : i32
      %convert_element_type3A_99 = arith.extui %lt3A_98 : i1 to i32
      %cond3A_100 = arith.constant 0 : i32
      %cond3A_101 = arith.cmpi ne, %convert_element_type3A_99, %cond3A_100 : i32
      scf.if %cond3A_101 {
        %sub3A = arith.constant 1 : i32
        %sub3A_123 = arith.subi %add3A_85, %sub3A : i32
        %dma_wait3A_124 = arith.constant 0 : i32
        %dma_wait3A_125 = tpu.memref_slice %arg7[%sub3A_123, %dma_wait3A_124] : memref<159x128xi32, #tpu.memory_space<vmem>> -> memref<1x128xi32, #tpu.memory_space<vmem>>
        %dma_wait3A_126 = tpu.memref_squeeze %dma_wait3A_125 : memref<1x128xi32, #tpu.memory_space<vmem>> -> memref<128xi32, #tpu.memory_space<vmem>>
        %dma_wait3A_127 = arith.constant 0 : i32
        %dma_wait3A_128 = arith.constant 0 : i32
        %dma_wait3A_129 = tpu.memref_slice %arg12[%dma_wait3A_127, %dma_wait3A_128] : memref<10240x64xf32, #tpu.memory_space<vmem_shared>> -> memref<10240x64xf32, #tpu.memory_space<vmem_shared>>
        tpu.wait_indirect_dma semaphore(%arg16 : memref<!tpu.dma_semaphore, #tpu.memory_space<semaphore_mem>>) src(%arg8 : memref<128x64xf32, #tpu.memory_space<vmem>>) dst(%dma_wait3A_129 : memref<10240x64xf32, #tpu.memory_space<vmem_shared>>)
        %add3A_130 = arith.constant 2 : i32
        %add3A_131 = arith.addi %add3A_85, %add3A_130 : i32
        %dma_start3A_132 = arith.constant 0 : i32
        %dma_start3A_133 = tpu.memref_slice %arg6[%add3A_131, %dma_start3A_132] : memref<159x128xi32, #tpu.memory_space<vmem>> -> memref<1x128xi32, #tpu.memory_space<vmem>>
        %dma_start3A_134 = tpu.memref_squeeze %dma_start3A_133 : memref<1x128xi32, #tpu.memory_space<vmem>> -> memref<128xi32, #tpu.memory_space<vmem>>
        %dma_start3A_135 = arith.constant 0 : i32
        %dma_start3A_136 = arith.constant 0 : i32
        %dma_start3A_137 = tpu.memref_slice %arg2[%dma_start3A_135, %dma_start3A_136] : memref<20480x64xf32, #tpu.memory_space<hbm>> -> memref<20480x64xf32, #tpu.memory_space<hbm>>
        tpu.enqueue_indirect_dma source(%dma_start3A_137 : memref<20480x64xf32, #tpu.memory_space<hbm>>) target(%arg8 : memref<128x64xf32, #tpu.memory_space<vmem>>) offsets(%dma_start3A_134 : memref<128xi32, #tpu.memory_space<vmem>>) semaphore(%arg13 : memref<!tpu.dma_semaphore, #tpu.memory_space<semaphore_mem>>)
      } else {
      }
      %mul3A_102 = arith.constant 3 : i32
      %mul3A_103 = arith.muli %scan3A_55, %mul3A_102 : i32
      %add3A_104 = arith.constant 2 : i32
      %add3A_105 = arith.addi %mul3A_103, %add3A_104 : i32
      %dma_wait3A_106 = arith.constant 0 : i32
      %dma_wait3A_107 = tpu.memref_slice %arg6[%add3A_105, %dma_wait3A_106] : memref<159x128xi32, #tpu.memory_space<vmem>> -> memref<1x128xi32, #tpu.memory_space<vmem>>
      %dma_wait3A_108 = tpu.memref_squeeze %dma_wait3A_107 : memref<1x128xi32, #tpu.memory_space<vmem>> -> memref<128xi32, #tpu.memory_space<vmem>>
      %dma_wait3A_109 = arith.constant 0 : i32
      %dma_wait3A_110 = arith.constant 0 : i32
      %dma_wait3A_111 = tpu.memref_slice %arg2[%dma_wait3A_109, %dma_wait3A_110] : memref<20480x64xf32, #tpu.memory_space<hbm>> -> memref<20480x64xf32, #tpu.memory_space<hbm>>
      tpu.wait_indirect_dma semaphore(%arg15 : memref<!tpu.dma_semaphore, #tpu.memory_space<semaphore_mem>>) src(%dma_wait3A_111 : memref<20480x64xf32, #tpu.memory_space<hbm>>) dst(%arg10 : memref<128x64xf32, #tpu.memory_space<vmem>>)
      %dma_start3A_112 = arith.constant 0 : i32
      %dma_start3A_113 = tpu.memref_slice %arg7[%add3A_105, %dma_start3A_112] : memref<159x128xi32, #tpu.memory_space<vmem>> -> memref<1x128xi32, #tpu.memory_space<vmem>>
      %dma_start3A_114 = tpu.memref_squeeze %dma_start3A_113 : memref<1x128xi32, #tpu.memory_space<vmem>> -> memref<128xi32, #tpu.memory_space<vmem>>
      %dma_start3A_115 = arith.constant 0 : i32
      %dma_start3A_116 = arith.constant 0 : i32
      %dma_start3A_117 = tpu.memref_slice %arg12[%dma_start3A_115, %dma_start3A_116] : memref<10240x64xf32, #tpu.memory_space<vmem_shared>> -> memref<10240x64xf32, #tpu.memory_space<vmem_shared>>
      tpu.enqueue_indirect_dma source(%arg10 : memref<128x64xf32, #tpu.memory_space<vmem>>) target(%dma_start3A_117 : memref<10240x64xf32, #tpu.memory_space<vmem_shared>>) offsets(%dma_start3A_114 : memref<128xi32, #tpu.memory_space<vmem>>) semaphore(%arg18 : memref<!tpu.dma_semaphore, #tpu.memory_space<semaphore_mem>>) {add = true}
      %lt3A_118 = arith.constant 52 : i32
      %lt3A_119 = arith.cmpi slt, %scan3A_55, %lt3A_118 : i32
      %convert_element_type3A_120 = arith.extui %lt3A_119 : i1 to i32
      %cond3A_121 = arith.constant 0 : i32
      %cond3A_122 = arith.cmpi ne, %convert_element_type3A_120, %cond3A_121 : i32
      scf.if %cond3A_122 {
        %sub3A = arith.constant 1 : i32
        %sub3A_123 = arith.subi %add3A_105, %sub3A : i32
        %dma_wait3A_124 = arith.constant 0 : i32
        %dma_wait3A_125 = tpu.memref_slice %arg7[%sub3A_123, %dma_wait3A_124] : memref<159x128xi32, #tpu.memory_space<vmem>> -> memref<1x128xi32, #tpu.memory_space<vmem>>
        %dma_wait3A_126 = tpu.memref_squeeze %dma_wait3A_125 : memref<1x128xi32, #tpu.memory_space<vmem>> -> memref<128xi32, #tpu.memory_space<vmem>>
        %dma_wait3A_127 = arith.constant 0 : i32
        %dma_wait3A_128 = arith.constant 0 : i32
        %dma_wait3A_129 = tpu.memref_slice %arg12[%dma_wait3A_127, %dma_wait3A_128] : memref<10240x64xf32, #tpu.memory_space<vmem_shared>> -> memref<10240x64xf32, #tpu.memory_space<vmem_shared>>
        tpu.wait_indirect_dma semaphore(%arg17 : memref<!tpu.dma_semaphore, #tpu.memory_space<semaphore_mem>>) src(%arg9 : memref<128x64xf32, #tpu.memory_space<vmem>>) dst(%dma_wait3A_129 : memref<10240x64xf32, #tpu.memory_space<vmem_shared>>)
        %add3A_130 = arith.constant 2 : i32
        %add3A_131 = arith.addi %add3A_105, %add3A_130 : i32
        %dma_start3A_132 = arith.constant 0 : i32
        %dma_start3A_133 = tpu.memref_slice %arg6[%add3A_131, %dma_start3A_132] : memref<159x128xi32, #tpu.memory_space<vmem>> -> memref<1x128xi32, #tpu.memory_space<vmem>>
        %dma_start3A_134 = tpu.memref_squeeze %dma_start3A_133 : memref<1x128xi32, #tpu.memory_space<vmem>> -> memref<128xi32, #tpu.memory_space<vmem>>
        %dma_start3A_135 = arith.constant 0 : i32
        %dma_start3A_136 = arith.constant 0 : i32
        %dma_start3A_137 = tpu.memref_slice %arg2[%dma_start3A_135, %dma_start3A_136] : memref<20480x64xf32, #tpu.memory_space<hbm>> -> memref<20480x64xf32, #tpu.memory_space<hbm>>
        tpu.enqueue_indirect_dma source(%dma_start3A_137 : memref<20480x64xf32, #tpu.memory_space<hbm>>) target(%arg9 : memref<128x64xf32, #tpu.memory_space<vmem>>) offsets(%dma_start3A_134 : memref<128xi32, #tpu.memory_space<vmem>>) semaphore(%arg14 : memref<!tpu.dma_semaphore, #tpu.memory_space<semaphore_mem>>)
      } else {
      }
    }
    %scan3A_29 = arith.constant 53 : i32
    %dma_wait3A = arith.constant 156 : i32
    %dma_wait3A_30 = arith.constant 0 : i32
    %dma_wait3A_31 = tpu.memref_slice %arg7[%dma_wait3A, %dma_wait3A_30] : memref<159x128xi32, #tpu.memory_space<vmem>> -> memref<1x128xi32, #tpu.memory_space<vmem>>
    %dma_wait3A_32 = tpu.memref_squeeze %dma_wait3A_31 : memref<1x128xi32, #tpu.memory_space<vmem>> -> memref<128xi32, #tpu.memory_space<vmem>>
    %dma_wait3A_33 = arith.constant 0 : i32
    %dma_wait3A_34 = arith.constant 0 : i32
    %dma_wait3A_35 = tpu.memref_slice %arg12[%dma_wait3A_33, %dma_wait3A_34] : memref<10240x64xf32, #tpu.memory_space<vmem_shared>> -> memref<10240x64xf32, #tpu.memory_space<vmem_shared>>
    tpu.wait_indirect_dma semaphore(%arg16 : memref<!tpu.dma_semaphore, #tpu.memory_space<semaphore_mem>>) src(%arg8 : memref<128x64xf32, #tpu.memory_space<vmem>>) dst(%dma_wait3A_35 : memref<10240x64xf32, #tpu.memory_space<vmem_shared>>)
    %dma_wait3A_36 = arith.constant 157 : i32
    %dma_wait3A_37 = arith.constant 0 : i32
    %dma_wait3A_38 = tpu.memref_slice %arg7[%dma_wait3A_36, %dma_wait3A_37] : memref<159x128xi32, #tpu.memory_space<vmem>> -> memref<1x128xi32, #tpu.memory_space<vmem>>
    %dma_wait3A_39 = tpu.memref_squeeze %dma_wait3A_38 : memref<1x128xi32, #tpu.memory_space<vmem>> -> memref<128xi32, #tpu.memory_space<vmem>>
    %dma_wait3A_40 = arith.constant 0 : i32
    %dma_wait3A_41 = arith.constant 0 : i32
    %dma_wait3A_42 = tpu.memref_slice %arg12[%dma_wait3A_40, %dma_wait3A_41] : memref<10240x64xf32, #tpu.memory_space<vmem_shared>> -> memref<10240x64xf32, #tpu.memory_space<vmem_shared>>
    tpu.wait_indirect_dma semaphore(%arg17 : memref<!tpu.dma_semaphore, #tpu.memory_space<semaphore_mem>>) src(%arg9 : memref<128x64xf32, #tpu.memory_space<vmem>>) dst(%dma_wait3A_42 : memref<10240x64xf32, #tpu.memory_space<vmem_shared>>)
    %dma_wait3A_43 = arith.constant 158 : i32
    %dma_wait3A_44 = arith.constant 0 : i32
    %dma_wait3A_45 = tpu.memref_slice %arg7[%dma_wait3A_43, %dma_wait3A_44] : memref<159x128xi32, #tpu.memory_space<vmem>> -> memref<1x128xi32, #tpu.memory_space<vmem>>
    %dma_wait3A_46 = tpu.memref_squeeze %dma_wait3A_45 : memref<1x128xi32, #tpu.memory_space<vmem>> -> memref<128xi32, #tpu.memory_space<vmem>>
    %dma_wait3A_47 = arith.constant 0 : i32
    %dma_wait3A_48 = arith.constant 0 : i32
    %dma_wait3A_49 = tpu.memref_slice %arg12[%dma_wait3A_47, %dma_wait3A_48] : memref<10240x64xf32, #tpu.memory_space<vmem_shared>> -> memref<10240x64xf32, #tpu.memory_space<vmem_shared>>
    tpu.wait_indirect_dma semaphore(%arg18 : memref<!tpu.dma_semaphore, #tpu.memory_space<semaphore_mem>>) src(%arg10 : memref<128x64xf32, #tpu.memory_space<vmem>>) dst(%dma_wait3A_49 : memref<10240x64xf32, #tpu.memory_space<vmem_shared>>)
    %barrier3A_50 = arith.constant 0 : index
    tpu.barrier barrier_id(%barrier3A_50)
    %mul3A = arith.constant 640 : i32
    %mul3A_51 = arith.muli %arg1, %mul3A : i32
    %add3A = arith.constant 0 : i32
    %add3A_52 = arith.addi %add3A, %arg0 : i32
    %mul3A_53 = arith.constant 640 : i32
    %mul3A_54 = arith.muli %arg1, %mul3A_53 : i32
    "tpu.region"() ({
      %run_scoped3A = tpu.sem_alloc : memref<!tpu.dma_semaphore, #tpu.memory_space<semaphore_mem>>
      %dma_start3A_55 = arith.constant 0 : i32
      %dma_start3A_56 = tpu.memref_slice %arg5[%add3A_52, %mul3A_54, %dma_start3A_55] : memref<2x10240x64xf32, #tpu.memory_space<hbm>> -> memref<1x640x64xf32, #tpu.memory_space<hbm>>
      %dma_start3A_57 = tpu.memref_squeeze %dma_start3A_56 : memref<1x640x64xf32, #tpu.memory_space<hbm>> -> memref<640x64xf32, #tpu.memory_space<hbm>>
      %dma_start3A_58 = arith.constant 0 : i32
      %dma_start3A_59 = tpu.memref_slice %arg12[%mul3A_51, %dma_start3A_58] : memref<10240x64xf32, #tpu.memory_space<vmem_shared>> -> memref<640x64xf32, #tpu.memory_space<vmem_shared>>
      tpu.enqueue_dma source(%dma_start3A_59 : memref<640x64xf32, #tpu.memory_space<vmem_shared>>) target(%dma_start3A_57 : memref<640x64xf32, #tpu.memory_space<hbm>>) target_semaphore(%run_scoped3A : memref<!tpu.dma_semaphore, #tpu.memory_space<semaphore_mem>>)
      %dma_wait3A_60 = arith.constant 0 : i32
      %dma_wait3A_61 = tpu.memref_slice %arg5[%add3A_52, %mul3A_54, %dma_wait3A_60] : memref<2x10240x64xf32, #tpu.memory_space<hbm>> -> memref<1x640x64xf32, #tpu.memory_space<hbm>>
      %dma_wait3A_62 = tpu.memref_squeeze %dma_wait3A_61 : memref<1x640x64xf32, #tpu.memory_space<hbm>> -> memref<640x64xf32, #tpu.memory_space<hbm>>
      %dma_wait3A_63 = arith.constant 0 : i32
      %dma_wait3A_64 = tpu.memref_slice %arg12[%mul3A_51, %dma_wait3A_63] : memref<10240x64xf32, #tpu.memory_space<vmem_shared>> -> memref<640x64xf32, #tpu.memory_space<vmem_shared>>
      tpu.wait_dma2 semaphore(%run_scoped3A : memref<!tpu.dma_semaphore, #tpu.memory_space<semaphore_mem>>) src(%dma_wait3A_64 : memref<640x64xf32, #tpu.memory_space<vmem_shared>>) dst(%dma_wait3A_62 : memref<640x64xf32, #tpu.memory_space<hbm>>)
      tpu.yield
    }) : () -> ()
    return
  }
}

#map = affine_map<(d0, d1) -> (0, 0)>
#map1 = affine_map<(d0, d1) -> (0, 0, 0, 0)>
#map2 = affine_map<(d0, d1) -> (0, 0, 0)>
module attributes {stable_mosaic.version = 14 : i64} {
  func.func @_agg_body(%arg0: i32, %arg1: i32, %arg2: memref<40960x64xf32, #tpu.memory_space<hbm>>, %arg3: memref<2x16x159x128xi32, #tpu.memory_space<hbm>>, %arg4: memref<16x159x128xi32, #tpu.memory_space<hbm>>, %arg5: memref<4x10240x64xf32, #tpu.memory_space<hbm>>, %arg6: memref<159x128xi32, #tpu.memory_space<vmem>>, %arg7: memref<159x128xi32, #tpu.memory_space<vmem>>, %arg8: memref<128x64xf32, #tpu.memory_space<vmem>>, %arg9: memref<128x64xf32, #tpu.memory_space<vmem>>, %arg10: memref<128x64xf32, #tpu.memory_space<vmem>>, %arg11: memref<64x64xf32, #tpu.memory_space<vmem>>, %arg12: memref<10240x64xf32, #tpu.memory_space<vmem_shared>>, %arg13: memref<!tpu.dma_semaphore, #tpu.memory_space<semaphore_mem>>, %arg14: memref<!tpu.dma_semaphore, #tpu.memory_space<semaphore_mem>>, %arg15: memref<!tpu.dma_semaphore, #tpu.memory_space<semaphore_mem>>, %arg16: memref<!tpu.dma_semaphore, #tpu.memory_space<semaphore_mem>>, %arg17: memref<!tpu.dma_semaphore, #tpu.memory_space<semaphore_mem>>, %arg18: memref<!tpu.dma_semaphore, #tpu.memory_space<semaphore_mem>>) attributes {dimension_semantics = [#tpu.dimension_semantics<core_parallel>, #tpu.dimension_semantics<subcore_parallel>], iteration_bounds = array<i64: 2, 16>, scalar_prefetch = 0 : i64, scratch_operands = 13 : i64, tpu.core_type = #tpu.core_type<sc_vector_subcore>, window_params = [{transform_indices = #map}, {transform_indices = #map1}, {transform_indices = #map2}, {transform_indices = #map2}]} {
    %scan3A = arith.constant 0 : i32
    %scan3A_0 = arith.constant 0 : i32
    %scan3A_1 = arith.constant 64 : i32
    %scan3A_2 = arith.addi %scan3A_0, %scan3A_1 : i32
    %scan3A_3 = arith.constant 1 : i32
    scf.for %scan3A_116 = %scan3A_0 to %scan3A_2 step %scan3A_3  : i32 {
      %broadcast_in_dim3A = arith.constant 0.000000e+00 : f32
      %broadcast_in_dim3A_117 = vector.broadcast %broadcast_in_dim3A : f32 to vector<16xf32>
      %swap3A = arith.index_cast %scan3A_116 : i32 to index
      %swap3A_118 = arith.constant 0 : index
      %swap3A_119 = tpu.vector_load %arg11[%swap3A, %swap3A_118] {strides = array<i32>} : memref<64x64xf32, #tpu.memory_space<vmem>>, vector<1x16xf32>,
      %swap3A_120 = vector.shape_cast %swap3A_119 : vector<1x16xf32> to vector<16xf32>
      %swap3A_121 = vector.shape_cast %broadcast_in_dim3A_117 : vector<16xf32> to vector<1x16xf32>
      tpu.vector_store %arg11[%swap3A, %swap3A_118], %swap3A_121 {strides = array<i32>} : memref<64x64xf32, #tpu.memory_space<vmem>>, vector<1x16xf32>,
      %broadcast_in_dim3A_122 = arith.constant 0.000000e+00 : f32
      %broadcast_in_dim3A_123 = vector.broadcast %broadcast_in_dim3A_122 : f32 to vector<16xf32>
      %swap3A_124 = arith.index_cast %scan3A_116 : i32 to index
      %swap3A_125 = arith.constant 16 : index
      %swap3A_126 = tpu.vector_load %arg11[%swap3A_124, %swap3A_125] {strides = array<i32>} : memref<64x64xf32, #tpu.memory_space<vmem>>, vector<1x16xf32>,
      %swap3A_127 = vector.shape_cast %swap3A_126 : vector<1x16xf32> to vector<16xf32>
      %swap3A_128 = vector.shape_cast %broadcast_in_dim3A_123 : vector<16xf32> to vector<1x16xf32>
      tpu.vector_store %arg11[%swap3A_124, %swap3A_125], %swap3A_128 {strides = array<i32>} : memref<64x64xf32, #tpu.memory_space<vmem>>, vector<1x16xf32>,
      %broadcast_in_dim3A_129 = arith.constant 0.000000e+00 : f32
      %broadcast_in_dim3A_130 = vector.broadcast %broadcast_in_dim3A_129 : f32 to vector<16xf32>
      %swap3A_131 = arith.index_cast %scan3A_116 : i32 to index
      %swap3A_132 = arith.constant 32 : index
      %swap3A_133 = tpu.vector_load %arg11[%swap3A_131, %swap3A_132] {strides = array<i32>} : memref<64x64xf32, #tpu.memory_space<vmem>>, vector<1x16xf32>,
      %swap3A_134 = vector.shape_cast %swap3A_133 : vector<1x16xf32> to vector<16xf32>
      %swap3A_135 = vector.shape_cast %broadcast_in_dim3A_130 : vector<16xf32> to vector<1x16xf32>
      tpu.vector_store %arg11[%swap3A_131, %swap3A_132], %swap3A_135 {strides = array<i32>} : memref<64x64xf32, #tpu.memory_space<vmem>>, vector<1x16xf32>,
      %broadcast_in_dim3A_136 = arith.constant 0.000000e+00 : f32
      %broadcast_in_dim3A_137 = vector.broadcast %broadcast_in_dim3A_136 : f32 to vector<16xf32>
      %swap3A_138 = arith.index_cast %scan3A_116 : i32 to index
      %swap3A_139 = arith.constant 48 : index
      %swap3A_140 = tpu.vector_load %arg11[%swap3A_138, %swap3A_139] {strides = array<i32>} : memref<64x64xf32, #tpu.memory_space<vmem>>, vector<1x16xf32>,
      %swap3A_141 = vector.shape_cast %swap3A_140 : vector<1x16xf32> to vector<16xf32>
      %swap3A_142 = vector.shape_cast %broadcast_in_dim3A_137 : vector<16xf32> to vector<1x16xf32>
      tpu.vector_store %arg11[%swap3A_138, %swap3A_139], %swap3A_142 {strides = array<i32>} : memref<64x64xf32, #tpu.memory_space<vmem>>, vector<1x16xf32>,
    }
    %scan3A_4 = arith.constant 64 : i32
    "tpu.region"() ({
      %run_scoped3A = tpu.sem_alloc : memref<!tpu.dma_semaphore, #tpu.memory_space<semaphore_mem>>
      %dma_start3A_116 = arith.constant 0 : i32
      %dma_start3A_117 = arith.constant 0 : i32
      %dma_start3A_118 = tpu.memref_slice %arg3[%arg0, %arg1, %dma_start3A_116, %dma_start3A_117] : memref<2x16x159x128xi32, #tpu.memory_space<hbm>> -> memref<1x1x159x128xi32, #tpu.memory_space<hbm>>
      %dma_start3A_119 = tpu.memref_squeeze %dma_start3A_118 : memref<1x1x159x128xi32, #tpu.memory_space<hbm>> -> memref<159x128xi32, #tpu.memory_space<hbm>>
      %dma_start3A_120 = arith.constant 0 : i32
      %dma_start3A_121 = arith.constant 0 : i32
      %dma_start3A_122 = tpu.memref_slice %arg3[%arg0, %arg1, %dma_start3A_120, %dma_start3A_121] : memref<2x16x159x128xi32, #tpu.memory_space<hbm>> -> memref<1x1x159x128xi32, #tpu.memory_space<hbm>>
      %dma_start3A_123 = tpu.memref_squeeze %dma_start3A_122 : memref<1x1x159x128xi32, #tpu.memory_space<hbm>> -> memref<159x128xi32, #tpu.memory_space<hbm>>
      tpu.enqueue_dma source(%dma_start3A_123 : memref<159x128xi32, #tpu.memory_space<hbm>>) target(%arg6 : memref<159x128xi32, #tpu.memory_space<vmem>>) target_semaphore(%run_scoped3A : memref<!tpu.dma_semaphore, #tpu.memory_space<semaphore_mem>>)
      %dma_wait3A_124 = arith.constant 0 : i32
      %dma_wait3A_125 = arith.constant 0 : i32
      %dma_wait3A_126 = tpu.memref_slice %arg3[%arg0, %arg1, %dma_wait3A_124, %dma_wait3A_125] : memref<2x16x159x128xi32, #tpu.memory_space<hbm>> -> memref<1x1x159x128xi32, #tpu.memory_space<hbm>>
      %dma_wait3A_127 = tpu.memref_squeeze %dma_wait3A_126 : memref<1x1x159x128xi32, #tpu.memory_space<hbm>> -> memref<159x128xi32, #tpu.memory_space<hbm>>
      %dma_wait3A_128 = arith.constant 0 : i32
      %dma_wait3A_129 = arith.constant 0 : i32
      %dma_wait3A_130 = tpu.memref_slice %arg3[%arg0, %arg1, %dma_wait3A_128, %dma_wait3A_129] : memref<2x16x159x128xi32, #tpu.memory_space<hbm>> -> memref<1x1x159x128xi32, #tpu.memory_space<hbm>>
      %dma_wait3A_131 = tpu.memref_squeeze %dma_wait3A_130 : memref<1x1x159x128xi32, #tpu.memory_space<hbm>> -> memref<159x128xi32, #tpu.memory_space<hbm>>
      tpu.wait_dma2 semaphore(%run_scoped3A : memref<!tpu.dma_semaphore, #tpu.memory_space<semaphore_mem>>) src(%dma_wait3A_131 : memref<159x128xi32, #tpu.memory_space<hbm>>) dst(%arg6 : memref<159x128xi32, #tpu.memory_space<vmem>>)
      tpu.yield
    }) : () -> ()
    "tpu.region"() ({
      %run_scoped3A = tpu.sem_alloc : memref<!tpu.dma_semaphore, #tpu.memory_space<semaphore_mem>>
      %dma_start3A_116 = arith.constant 0 : i32
      %dma_start3A_117 = arith.constant 0 : i32
      %dma_start3A_118 = tpu.memref_slice %arg4[%arg1, %dma_start3A_116, %dma_start3A_117] : memref<16x159x128xi32, #tpu.memory_space<hbm>> -> memref<1x159x128xi32, #tpu.memory_space<hbm>>
      %dma_start3A_119 = tpu.memref_squeeze %dma_start3A_118 : memref<1x159x128xi32, #tpu.memory_space<hbm>> -> memref<159x128xi32, #tpu.memory_space<hbm>>
      %dma_start3A_120 = arith.constant 0 : i32
      %dma_start3A_121 = arith.constant 0 : i32
      %dma_start3A_122 = tpu.memref_slice %arg4[%arg1, %dma_start3A_120, %dma_start3A_121] : memref<16x159x128xi32, #tpu.memory_space<hbm>> -> memref<1x159x128xi32, #tpu.memory_space<hbm>>
      %dma_start3A_123 = tpu.memref_squeeze %dma_start3A_122 : memref<1x159x128xi32, #tpu.memory_space<hbm>> -> memref<159x128xi32, #tpu.memory_space<hbm>>
      tpu.enqueue_dma source(%dma_start3A_123 : memref<159x128xi32, #tpu.memory_space<hbm>>) target(%arg7 : memref<159x128xi32, #tpu.memory_space<vmem>>) target_semaphore(%run_scoped3A : memref<!tpu.dma_semaphore, #tpu.memory_space<semaphore_mem>>)
      %dma_wait3A_124 = arith.constant 0 : i32
      %dma_wait3A_125 = arith.constant 0 : i32
      %dma_wait3A_126 = tpu.memref_slice %arg4[%arg1, %dma_wait3A_124, %dma_wait3A_125] : memref<16x159x128xi32, #tpu.memory_space<hbm>> -> memref<1x159x128xi32, #tpu.memory_space<hbm>>
      %dma_wait3A_127 = tpu.memref_squeeze %dma_wait3A_126 : memref<1x159x128xi32, #tpu.memory_space<hbm>> -> memref<159x128xi32, #tpu.memory_space<hbm>>
      %dma_wait3A_128 = arith.constant 0 : i32
      %dma_wait3A_129 = arith.constant 0 : i32
      %dma_wait3A_130 = tpu.memref_slice %arg4[%arg1, %dma_wait3A_128, %dma_wait3A_129] : memref<16x159x128xi32, #tpu.memory_space<hbm>> -> memref<1x159x128xi32, #tpu.memory_space<hbm>>
      %dma_wait3A_131 = tpu.memref_squeeze %dma_wait3A_130 : memref<1x159x128xi32, #tpu.memory_space<hbm>> -> memref<159x128xi32, #tpu.memory_space<hbm>>
      tpu.wait_dma2 semaphore(%run_scoped3A : memref<!tpu.dma_semaphore, #tpu.memory_space<semaphore_mem>>) src(%dma_wait3A_131 : memref<159x128xi32, #tpu.memory_space<hbm>>) dst(%arg7 : memref<159x128xi32, #tpu.memory_space<vmem>>)
      tpu.yield
    }) : () -> ()
    %dma_start3A = arith.constant 0 : i32
    %dma_start3A_5 = arith.constant 0 : i32
    %dma_start3A_6 = tpu.memref_slice %arg6[%dma_start3A, %dma_start3A_5] : memref<159x128xi32, #tpu.memory_space<vmem>> -> memref<1x128xi32, #tpu.memory_space<vmem>>
    %dma_start3A_7 = tpu.memref_squeeze %dma_start3A_6 : memref<1x128xi32, #tpu.memory_space<vmem>> -> memref<128xi32, #tpu.memory_space<vmem>>
    %dma_start3A_8 = arith.constant 0 : i32
    %dma_start3A_9 = arith.constant 0 : i32
    %dma_start3A_10 = tpu.memref_slice %arg2[%dma_start3A_8, %dma_start3A_9] : memref<40960x64xf32, #tpu.memory_space<hbm>> -> memref<40960x64xf32, #tpu.memory_space<hbm>>
    tpu.enqueue_indirect_dma source(%dma_start3A_10 : memref<40960x64xf32, #tpu.memory_space<hbm>>) target(%arg8 : memref<128x64xf32, #tpu.memory_space<vmem>>) offsets(%dma_start3A_7 : memref<128xi32, #tpu.memory_space<vmem>>) semaphore(%arg13 : memref<!tpu.dma_semaphore, #tpu.memory_space<semaphore_mem>>)
    %dma_start3A_11 = arith.constant 1 : i32
    %dma_start3A_12 = arith.constant 0 : i32
    %dma_start3A_13 = tpu.memref_slice %arg6[%dma_start3A_11, %dma_start3A_12] : memref<159x128xi32, #tpu.memory_space<vmem>> -> memref<1x128xi32, #tpu.memory_space<vmem>>
    %dma_start3A_14 = tpu.memref_squeeze %dma_start3A_13 : memref<1x128xi32, #tpu.memory_space<vmem>> -> memref<128xi32, #tpu.memory_space<vmem>>
    %dma_start3A_15 = arith.constant 0 : i32
    %dma_start3A_16 = arith.constant 0 : i32
    %dma_start3A_17 = tpu.memref_slice %arg2[%dma_start3A_15, %dma_start3A_16] : memref<40960x64xf32, #tpu.memory_space<hbm>> -> memref<40960x64xf32, #tpu.memory_space<hbm>>
    tpu.enqueue_indirect_dma source(%dma_start3A_17 : memref<40960x64xf32, #tpu.memory_space<hbm>>) target(%arg9 : memref<128x64xf32, #tpu.memory_space<vmem>>) offsets(%dma_start3A_14 : memref<128xi32, #tpu.memory_space<vmem>>) semaphore(%arg14 : memref<!tpu.dma_semaphore, #tpu.memory_space<semaphore_mem>>)
    %scan3A_18 = arith.constant 0 : i32
    %scan3A_19 = arith.constant 0 : i32
    %scan3A_20 = arith.constant 10 : i32
    %scan3A_21 = arith.addi %scan3A_19, %scan3A_20 : i32
    %scan3A_22 = arith.constant 1 : i32
    scf.for %scan3A_116 = %scan3A_19 to %scan3A_21 step %scan3A_22  : i32 {
      %mul3A_117 = arith.constant 640 : i32
      %mul3A_118 = arith.muli %arg1, %mul3A_117 : i32
      %mul3A_119 = arith.constant 64 : i32
      %mul3A_120 = arith.muli %scan3A_116, %mul3A_119 : i32
      %add3A_121 = arith.addi %mul3A_118, %mul3A_120 : i32
      "tpu.region"() ({
        %run_scoped3A = tpu.sem_alloc : memref<!tpu.dma_semaphore, #tpu.memory_space<semaphore_mem>>
        %dma_start3A_122 = arith.constant 0 : i32
        %dma_start3A_123 = tpu.memref_slice %arg12[%add3A_121, %dma_start3A_122] : memref<10240x64xf32, #tpu.memory_space<vmem_shared>> -> memref<64x64xf32, #tpu.memory_space<vmem_shared>>
        %dma_start3A_124 = arith.constant 0 : i32
        %dma_start3A_125 = tpu.memref_slice %arg12[%add3A_121, %dma_start3A_124] : memref<10240x64xf32, #tpu.memory_space<vmem_shared>> -> memref<64x64xf32, #tpu.memory_space<vmem_shared>>
        tpu.enqueue_dma source(%arg11 : memref<64x64xf32, #tpu.memory_space<vmem>>) target(%dma_start3A_125 : memref<64x64xf32, #tpu.memory_space<vmem_shared>>) target_semaphore(%run_scoped3A : memref<!tpu.dma_semaphore, #tpu.memory_space<semaphore_mem>>)
        %dma_wait3A_126 = arith.constant 0 : i32
        %dma_wait3A_127 = tpu.memref_slice %arg12[%add3A_121, %dma_wait3A_126] : memref<10240x64xf32, #tpu.memory_space<vmem_shared>> -> memref<64x64xf32, #tpu.memory_space<vmem_shared>>
        %dma_wait3A_128 = arith.constant 0 : i32
        %dma_wait3A_129 = tpu.memref_slice %arg12[%add3A_121, %dma_wait3A_128] : memref<10240x64xf32, #tpu.memory_space<vmem_shared>> -> memref<64x64xf32, #tpu.memory_space<vmem_shared>>
        tpu.wait_dma2 semaphore(%run_scoped3A : memref<!tpu.dma_semaphore, #tpu.memory_space<semaphore_mem>>) src(%arg11 : memref<64x64xf32, #tpu.memory_space<vmem>>) dst(%dma_wait3A_129 : memref<64x64xf32, #tpu.memory_space<vmem_shared>>)
        tpu.yield
      }) : () -> ()
    }
    %scan3A_23 = arith.constant 10 : i32
    %barrier3A = arith.constant 0 : index
    tpu.barrier barrier_id(%barrier3A)
    %scan3A_24 = arith.constant 0 : i32
    %scan3A_25 = arith.constant 0 : i32
    %scan3A_26 = arith.constant 53 : i32
    %scan3A_27 = arith.addi %scan3A_25, %scan3A_26 : i32
    %scan3A_28 = arith.constant 1 : i32
    scf.for %scan3A_116 = %scan3A_25 to %scan3A_27 step %scan3A_28  : i32 {
      %mul3A_117 = arith.constant 3 : i32
      %mul3A_118 = arith.muli %scan3A_116, %mul3A_117 : i32
      %add3A_119 = arith.constant 0 : i32
      %add3A_120 = arith.addi %mul3A_118, %add3A_119 : i32
      %dma_wait3A_121 = arith.constant 0 : i32
      %dma_wait3A_122 = tpu.memref_slice %arg6[%add3A_120, %dma_wait3A_121] : memref<159x128xi32, #tpu.memory_space<vmem>> -> memref<1x128xi32, #tpu.memory_space<vmem>>
      %dma_wait3A_123 = tpu.memref_squeeze %dma_wait3A_122 : memref<1x128xi32, #tpu.memory_space<vmem>> -> memref<128xi32, #tpu.memory_space<vmem>>
      %dma_wait3A_124 = arith.constant 0 : i32
      %dma_wait3A_125 = arith.constant 0 : i32
      %dma_wait3A_126 = tpu.memref_slice %arg2[%dma_wait3A_124, %dma_wait3A_125] : memref<40960x64xf32, #tpu.memory_space<hbm>> -> memref<40960x64xf32, #tpu.memory_space<hbm>>
      tpu.wait_indirect_dma semaphore(%arg13 : memref<!tpu.dma_semaphore, #tpu.memory_space<semaphore_mem>>) src(%dma_wait3A_126 : memref<40960x64xf32, #tpu.memory_space<hbm>>) dst(%arg8 : memref<128x64xf32, #tpu.memory_space<vmem>>)
      %dma_start3A_127 = arith.constant 0 : i32
      %dma_start3A_128 = tpu.memref_slice %arg7[%add3A_120, %dma_start3A_127] : memref<159x128xi32, #tpu.memory_space<vmem>> -> memref<1x128xi32, #tpu.memory_space<vmem>>
      %dma_start3A_129 = tpu.memref_squeeze %dma_start3A_128 : memref<1x128xi32, #tpu.memory_space<vmem>> -> memref<128xi32, #tpu.memory_space<vmem>>
      %dma_start3A_130 = arith.constant 0 : i32
      %dma_start3A_131 = arith.constant 0 : i32
      %dma_start3A_132 = tpu.memref_slice %arg12[%dma_start3A_130, %dma_start3A_131] : memref<10240x64xf32, #tpu.memory_space<vmem_shared>> -> memref<10240x64xf32, #tpu.memory_space<vmem_shared>>
      tpu.enqueue_indirect_dma source(%arg8 : memref<128x64xf32, #tpu.memory_space<vmem>>) target(%dma_start3A_132 : memref<10240x64xf32, #tpu.memory_space<vmem_shared>>) offsets(%dma_start3A_129 : memref<128xi32, #tpu.memory_space<vmem>>) semaphore(%arg16 : memref<!tpu.dma_semaphore, #tpu.memory_space<semaphore_mem>>) {add = true}
      %gt3A = arith.constant 0 : i32
      %gt3A_133 = arith.cmpi sgt, %scan3A_116, %gt3A : i32
      %convert_element_type3A = arith.extui %gt3A_133 : i1 to i32
      %cond3A = arith.constant 0 : i32
      %cond3A_134 = arith.cmpi ne, %convert_element_type3A, %cond3A : i32
      scf.if %cond3A_134 {
        %mul3A_184 = arith.constant 3 : i32
        %mul3A_185 = arith.muli %scan3A_116, %mul3A_184 : i32
        %sub3A = arith.constant 1 : i32
        %sub3A_186 = arith.subi %mul3A_185, %sub3A : i32
        %dma_wait3A_187 = arith.constant 0 : i32
        %dma_wait3A_188 = tpu.memref_slice %arg7[%sub3A_186, %dma_wait3A_187] : memref<159x128xi32, #tpu.memory_space<vmem>> -> memref<1x128xi32, #tpu.memory_space<vmem>>
        %dma_wait3A_189 = tpu.memref_squeeze %dma_wait3A_188 : memref<1x128xi32, #tpu.memory_space<vmem>> -> memref<128xi32, #tpu.memory_space<vmem>>
        %dma_wait3A_190 = arith.constant 0 : i32
        %dma_wait3A_191 = arith.constant 0 : i32
        %dma_wait3A_192 = tpu.memref_slice %arg12[%dma_wait3A_190, %dma_wait3A_191] : memref<10240x64xf32, #tpu.memory_space<vmem_shared>> -> memref<10240x64xf32, #tpu.memory_space<vmem_shared>>
        tpu.wait_indirect_dma semaphore(%arg18 : memref<!tpu.dma_semaphore, #tpu.memory_space<semaphore_mem>>) src(%arg10 : memref<128x64xf32, #tpu.memory_space<vmem>>) dst(%dma_wait3A_192 : memref<10240x64xf32, #tpu.memory_space<vmem_shared>>)
      } else {
      }
      %add3A_135 = arith.constant 2 : i32
      %add3A_136 = arith.addi %add3A_120, %add3A_135 : i32
      %dma_start3A_137 = arith.constant 0 : i32
      %dma_start3A_138 = tpu.memref_slice %arg6[%add3A_136, %dma_start3A_137] : memref<159x128xi32, #tpu.memory_space<vmem>> -> memref<1x128xi32, #tpu.memory_space<vmem>>
      %dma_start3A_139 = tpu.memref_squeeze %dma_start3A_138 : memref<1x128xi32, #tpu.memory_space<vmem>> -> memref<128xi32, #tpu.memory_space<vmem>>
      %dma_start3A_140 = arith.constant 0 : i32
      %dma_start3A_141 = arith.constant 0 : i32
      %dma_start3A_142 = tpu.memref_slice %arg2[%dma_start3A_140, %dma_start3A_141] : memref<40960x64xf32, #tpu.memory_space<hbm>> -> memref<40960x64xf32, #tpu.memory_space<hbm>>
      tpu.enqueue_indirect_dma source(%dma_start3A_142 : memref<40960x64xf32, #tpu.memory_space<hbm>>) target(%arg10 : memref<128x64xf32, #tpu.memory_space<vmem>>) offsets(%dma_start3A_139 : memref<128xi32, #tpu.memory_space<vmem>>) semaphore(%arg15 : memref<!tpu.dma_semaphore, #tpu.memory_space<semaphore_mem>>)
      %mul3A_143 = arith.constant 3 : i32
      %mul3A_144 = arith.muli %scan3A_116, %mul3A_143 : i32
      %add3A_145 = arith.constant 1 : i32
      %add3A_146 = arith.addi %mul3A_144, %add3A_145 : i32
      %dma_wait3A_147 = arith.constant 0 : i32
      %dma_wait3A_148 = tpu.memref_slice %arg6[%add3A_146, %dma_wait3A_147] : memref<159x128xi32, #tpu.memory_space<vmem>> -> memref<1x128xi32, #tpu.memory_space<vmem>>
      %dma_wait3A_149 = tpu.memref_squeeze %dma_wait3A_148 : memref<1x128xi32, #tpu.memory_space<vmem>> -> memref<128xi32, #tpu.memory_space<vmem>>
      %dma_wait3A_150 = arith.constant 0 : i32
      %dma_wait3A_151 = arith.constant 0 : i32
      %dma_wait3A_152 = tpu.memref_slice %arg2[%dma_wait3A_150, %dma_wait3A_151] : memref<40960x64xf32, #tpu.memory_space<hbm>> -> memref<40960x64xf32, #tpu.memory_space<hbm>>
      tpu.wait_indirect_dma semaphore(%arg14 : memref<!tpu.dma_semaphore, #tpu.memory_space<semaphore_mem>>) src(%dma_wait3A_152 : memref<40960x64xf32, #tpu.memory_space<hbm>>) dst(%arg9 : memref<128x64xf32, #tpu.memory_space<vmem>>)
      %dma_start3A_153 = arith.constant 0 : i32
      %dma_start3A_154 = tpu.memref_slice %arg7[%add3A_146, %dma_start3A_153] : memref<159x128xi32, #tpu.memory_space<vmem>> -> memref<1x128xi32, #tpu.memory_space<vmem>>
      %dma_start3A_155 = tpu.memref_squeeze %dma_start3A_154 : memref<1x128xi32, #tpu.memory_space<vmem>> -> memref<128xi32, #tpu.memory_space<vmem>>
      %dma_start3A_156 = arith.constant 0 : i32
      %dma_start3A_157 = arith.constant 0 : i32
      %dma_start3A_158 = tpu.memref_slice %arg12[%dma_start3A_156, %dma_start3A_157] : memref<10240x64xf32, #tpu.memory_space<vmem_shared>> -> memref<10240x64xf32, #tpu.memory_space<vmem_shared>>
      tpu.enqueue_indirect_dma source(%arg9 : memref<128x64xf32, #tpu.memory_space<vmem>>) target(%dma_start3A_158 : memref<10240x64xf32, #tpu.memory_space<vmem_shared>>) offsets(%dma_start3A_155 : memref<128xi32, #tpu.memory_space<vmem>>) semaphore(%arg17 : memref<!tpu.dma_semaphore, #tpu.memory_space<semaphore_mem>>) {add = true}
      %lt3A = arith.constant 52 : i32
      %lt3A_159 = arith.cmpi slt, %scan3A_116, %lt3A : i32
      %convert_element_type3A_160 = arith.extui %lt3A_159 : i1 to i32
      %cond3A_161 = arith.constant 0 : i32
      %cond3A_162 = arith.cmpi ne, %convert_element_type3A_160, %cond3A_161 : i32
      scf.if %cond3A_162 {
        %sub3A = arith.constant 1 : i32
        %sub3A_184 = arith.subi %add3A_146, %sub3A : i32
        %dma_wait3A_185 = arith.constant 0 : i32
        %dma_wait3A_186 = tpu.memref_slice %arg7[%sub3A_184, %dma_wait3A_185] : memref<159x128xi32, #tpu.memory_space<vmem>> -> memref<1x128xi32, #tpu.memory_space<vmem>>
        %dma_wait3A_187 = tpu.memref_squeeze %dma_wait3A_186 : memref<1x128xi32, #tpu.memory_space<vmem>> -> memref<128xi32, #tpu.memory_space<vmem>>
        %dma_wait3A_188 = arith.constant 0 : i32
        %dma_wait3A_189 = arith.constant 0 : i32
        %dma_wait3A_190 = tpu.memref_slice %arg12[%dma_wait3A_188, %dma_wait3A_189] : memref<10240x64xf32, #tpu.memory_space<vmem_shared>> -> memref<10240x64xf32, #tpu.memory_space<vmem_shared>>
        tpu.wait_indirect_dma semaphore(%arg16 : memref<!tpu.dma_semaphore, #tpu.memory_space<semaphore_mem>>) src(%arg8 : memref<128x64xf32, #tpu.memory_space<vmem>>) dst(%dma_wait3A_190 : memref<10240x64xf32, #tpu.memory_space<vmem_shared>>)
        %add3A_191 = arith.constant 2 : i32
        %add3A_192 = arith.addi %add3A_146, %add3A_191 : i32
        %dma_start3A_193 = arith.constant 0 : i32
        %dma_start3A_194 = tpu.memref_slice %arg6[%add3A_192, %dma_start3A_193] : memref<159x128xi32, #tpu.memory_space<vmem>> -> memref<1x128xi32, #tpu.memory_space<vmem>>
        %dma_start3A_195 = tpu.memref_squeeze %dma_start3A_194 : memref<1x128xi32, #tpu.memory_space<vmem>> -> memref<128xi32, #tpu.memory_space<vmem>>
        %dma_start3A_196 = arith.constant 0 : i32
        %dma_start3A_197 = arith.constant 0 : i32
        %dma_start3A_198 = tpu.memref_slice %arg2[%dma_start3A_196, %dma_start3A_197] : memref<40960x64xf32, #tpu.memory_space<hbm>> -> memref<40960x64xf32, #tpu.memory_space<hbm>>
        tpu.enqueue_indirect_dma source(%dma_start3A_198 : memref<40960x64xf32, #tpu.memory_space<hbm>>) target(%arg8 : memref<128x64xf32, #tpu.memory_space<vmem>>) offsets(%dma_start3A_195 : memref<128xi32, #tpu.memory_space<vmem>>) semaphore(%arg13 : memref<!tpu.dma_semaphore, #tpu.memory_space<semaphore_mem>>)
      } else {
      }
      %mul3A_163 = arith.constant 3 : i32
      %mul3A_164 = arith.muli %scan3A_116, %mul3A_163 : i32
      %add3A_165 = arith.constant 2 : i32
      %add3A_166 = arith.addi %mul3A_164, %add3A_165 : i32
      %dma_wait3A_167 = arith.constant 0 : i32
      %dma_wait3A_168 = tpu.memref_slice %arg6[%add3A_166, %dma_wait3A_167] : memref<159x128xi32, #tpu.memory_space<vmem>> -> memref<1x128xi32, #tpu.memory_space<vmem>>
      %dma_wait3A_169 = tpu.memref_squeeze %dma_wait3A_168 : memref<1x128xi32, #tpu.memory_space<vmem>> -> memref<128xi32, #tpu.memory_space<vmem>>
      %dma_wait3A_170 = arith.constant 0 : i32
      %dma_wait3A_171 = arith.constant 0 : i32
      %dma_wait3A_172 = tpu.memref_slice %arg2[%dma_wait3A_170, %dma_wait3A_171] : memref<40960x64xf32, #tpu.memory_space<hbm>> -> memref<40960x64xf32, #tpu.memory_space<hbm>>
      tpu.wait_indirect_dma semaphore(%arg15 : memref<!tpu.dma_semaphore, #tpu.memory_space<semaphore_mem>>) src(%dma_wait3A_172 : memref<40960x64xf32, #tpu.memory_space<hbm>>) dst(%arg10 : memref<128x64xf32, #tpu.memory_space<vmem>>)
      %dma_start3A_173 = arith.constant 0 : i32
      %dma_start3A_174 = tpu.memref_slice %arg7[%add3A_166, %dma_start3A_173] : memref<159x128xi32, #tpu.memory_space<vmem>> -> memref<1x128xi32, #tpu.memory_space<vmem>>
      %dma_start3A_175 = tpu.memref_squeeze %dma_start3A_174 : memref<1x128xi32, #tpu.memory_space<vmem>> -> memref<128xi32, #tpu.memory_space<vmem>>
      %dma_start3A_176 = arith.constant 0 : i32
      %dma_start3A_177 = arith.constant 0 : i32
      %dma_start3A_178 = tpu.memref_slice %arg12[%dma_start3A_176, %dma_start3A_177] : memref<10240x64xf32, #tpu.memory_space<vmem_shared>> -> memref<10240x64xf32, #tpu.memory_space<vmem_shared>>
      tpu.enqueue_indirect_dma source(%arg10 : memref<128x64xf32, #tpu.memory_space<vmem>>) target(%dma_start3A_178 : memref<10240x64xf32, #tpu.memory_space<vmem_shared>>) offsets(%dma_start3A_175 : memref<128xi32, #tpu.memory_space<vmem>>) semaphore(%arg18 : memref<!tpu.dma_semaphore, #tpu.memory_space<semaphore_mem>>) {add = true}
      %lt3A_179 = arith.constant 52 : i32
      %lt3A_180 = arith.cmpi slt, %scan3A_116, %lt3A_179 : i32
      %convert_element_type3A_181 = arith.extui %lt3A_180 : i1 to i32
      %cond3A_182 = arith.constant 0 : i32
      %cond3A_183 = arith.cmpi ne, %convert_element_type3A_181, %cond3A_182 : i32
      scf.if %cond3A_183 {
        %sub3A = arith.constant 1 : i32
        %sub3A_184 = arith.subi %add3A_166, %sub3A : i32
        %dma_wait3A_185 = arith.constant 0 : i32
        %dma_wait3A_186 = tpu.memref_slice %arg7[%sub3A_184, %dma_wait3A_185] : memref<159x128xi32, #tpu.memory_space<vmem>> -> memref<1x128xi32, #tpu.memory_space<vmem>>
        %dma_wait3A_187 = tpu.memref_squeeze %dma_wait3A_186 : memref<1x128xi32, #tpu.memory_space<vmem>> -> memref<128xi32, #tpu.memory_space<vmem>>
        %dma_wait3A_188 = arith.constant 0 : i32
        %dma_wait3A_189 = arith.constant 0 : i32
        %dma_wait3A_190 = tpu.memref_slice %arg12[%dma_wait3A_188, %dma_wait3A_189] : memref<10240x64xf32, #tpu.memory_space<vmem_shared>> -> memref<10240x64xf32, #tpu.memory_space<vmem_shared>>
        tpu.wait_indirect_dma semaphore(%arg17 : memref<!tpu.dma_semaphore, #tpu.memory_space<semaphore_mem>>) src(%arg9 : memref<128x64xf32, #tpu.memory_space<vmem>>) dst(%dma_wait3A_190 : memref<10240x64xf32, #tpu.memory_space<vmem_shared>>)
        %add3A_191 = arith.constant 2 : i32
        %add3A_192 = arith.addi %add3A_166, %add3A_191 : i32
        %dma_start3A_193 = arith.constant 0 : i32
        %dma_start3A_194 = tpu.memref_slice %arg6[%add3A_192, %dma_start3A_193] : memref<159x128xi32, #tpu.memory_space<vmem>> -> memref<1x128xi32, #tpu.memory_space<vmem>>
        %dma_start3A_195 = tpu.memref_squeeze %dma_start3A_194 : memref<1x128xi32, #tpu.memory_space<vmem>> -> memref<128xi32, #tpu.memory_space<vmem>>
        %dma_start3A_196 = arith.constant 0 : i32
        %dma_start3A_197 = arith.constant 0 : i32
        %dma_start3A_198 = tpu.memref_slice %arg2[%dma_start3A_196, %dma_start3A_197] : memref<40960x64xf32, #tpu.memory_space<hbm>> -> memref<40960x64xf32, #tpu.memory_space<hbm>>
        tpu.enqueue_indirect_dma source(%dma_start3A_198 : memref<40960x64xf32, #tpu.memory_space<hbm>>) target(%arg9 : memref<128x64xf32, #tpu.memory_space<vmem>>) offsets(%dma_start3A_195 : memref<128xi32, #tpu.memory_space<vmem>>) semaphore(%arg14 : memref<!tpu.dma_semaphore, #tpu.memory_space<semaphore_mem>>)
      } else {
      }
    }
    %scan3A_29 = arith.constant 53 : i32
    %dma_wait3A = arith.constant 156 : i32
    %dma_wait3A_30 = arith.constant 0 : i32
    %dma_wait3A_31 = tpu.memref_slice %arg7[%dma_wait3A, %dma_wait3A_30] : memref<159x128xi32, #tpu.memory_space<vmem>> -> memref<1x128xi32, #tpu.memory_space<vmem>>
    %dma_wait3A_32 = tpu.memref_squeeze %dma_wait3A_31 : memref<1x128xi32, #tpu.memory_space<vmem>> -> memref<128xi32, #tpu.memory_space<vmem>>
    %dma_wait3A_33 = arith.constant 0 : i32
    %dma_wait3A_34 = arith.constant 0 : i32
    %dma_wait3A_35 = tpu.memref_slice %arg12[%dma_wait3A_33, %dma_wait3A_34] : memref<10240x64xf32, #tpu.memory_space<vmem_shared>> -> memref<10240x64xf32, #tpu.memory_space<vmem_shared>>
    tpu.wait_indirect_dma semaphore(%arg16 : memref<!tpu.dma_semaphore, #tpu.memory_space<semaphore_mem>>) src(%arg8 : memref<128x64xf32, #tpu.memory_space<vmem>>) dst(%dma_wait3A_35 : memref<10240x64xf32, #tpu.memory_space<vmem_shared>>)
    %dma_wait3A_36 = arith.constant 157 : i32
    %dma_wait3A_37 = arith.constant 0 : i32
    %dma_wait3A_38 = tpu.memref_slice %arg7[%dma_wait3A_36, %dma_wait3A_37] : memref<159x128xi32, #tpu.memory_space<vmem>> -> memref<1x128xi32, #tpu.memory_space<vmem>>
    %dma_wait3A_39 = tpu.memref_squeeze %dma_wait3A_38 : memref<1x128xi32, #tpu.memory_space<vmem>> -> memref<128xi32, #tpu.memory_space<vmem>>
    %dma_wait3A_40 = arith.constant 0 : i32
    %dma_wait3A_41 = arith.constant 0 : i32
    %dma_wait3A_42 = tpu.memref_slice %arg12[%dma_wait3A_40, %dma_wait3A_41] : memref<10240x64xf32, #tpu.memory_space<vmem_shared>> -> memref<10240x64xf32, #tpu.memory_space<vmem_shared>>
    tpu.wait_indirect_dma semaphore(%arg17 : memref<!tpu.dma_semaphore, #tpu.memory_space<semaphore_mem>>) src(%arg9 : memref<128x64xf32, #tpu.memory_space<vmem>>) dst(%dma_wait3A_42 : memref<10240x64xf32, #tpu.memory_space<vmem_shared>>)
    %dma_wait3A_43 = arith.constant 158 : i32
    %dma_wait3A_44 = arith.constant 0 : i32
    %dma_wait3A_45 = tpu.memref_slice %arg7[%dma_wait3A_43, %dma_wait3A_44] : memref<159x128xi32, #tpu.memory_space<vmem>> -> memref<1x128xi32, #tpu.memory_space<vmem>>
    %dma_wait3A_46 = tpu.memref_squeeze %dma_wait3A_45 : memref<1x128xi32, #tpu.memory_space<vmem>> -> memref<128xi32, #tpu.memory_space<vmem>>
    %dma_wait3A_47 = arith.constant 0 : i32
    %dma_wait3A_48 = arith.constant 0 : i32
    %dma_wait3A_49 = tpu.memref_slice %arg12[%dma_wait3A_47, %dma_wait3A_48] : memref<10240x64xf32, #tpu.memory_space<vmem_shared>> -> memref<10240x64xf32, #tpu.memory_space<vmem_shared>>
    tpu.wait_indirect_dma semaphore(%arg18 : memref<!tpu.dma_semaphore, #tpu.memory_space<semaphore_mem>>) src(%arg10 : memref<128x64xf32, #tpu.memory_space<vmem>>) dst(%dma_wait3A_49 : memref<10240x64xf32, #tpu.memory_space<vmem_shared>>)
    %barrier3A_50 = arith.constant 0 : index
    tpu.barrier barrier_id(%barrier3A_50)
    %mul3A = arith.constant 640 : i32
    %mul3A_51 = arith.muli %arg1, %mul3A : i32
    %add3A = arith.constant 0 : i32
    %add3A_52 = arith.addi %add3A, %arg0 : i32
    %mul3A_53 = arith.constant 640 : i32
    %mul3A_54 = arith.muli %arg1, %mul3A_53 : i32
    "tpu.region"() ({
      %run_scoped3A = tpu.sem_alloc : memref<!tpu.dma_semaphore, #tpu.memory_space<semaphore_mem>>
      %dma_start3A_116 = arith.constant 0 : i32
      %dma_start3A_117 = tpu.memref_slice %arg5[%add3A_52, %mul3A_54, %dma_start3A_116] : memref<4x10240x64xf32, #tpu.memory_space<hbm>> -> memref<1x640x64xf32, #tpu.memory_space<hbm>>
      %dma_start3A_118 = tpu.memref_squeeze %dma_start3A_117 : memref<1x640x64xf32, #tpu.memory_space<hbm>> -> memref<640x64xf32, #tpu.memory_space<hbm>>
      %dma_start3A_119 = arith.constant 0 : i32
      %dma_start3A_120 = tpu.memref_slice %arg12[%mul3A_51, %dma_start3A_119] : memref<10240x64xf32, #tpu.memory_space<vmem_shared>> -> memref<640x64xf32, #tpu.memory_space<vmem_shared>>
      tpu.enqueue_dma source(%dma_start3A_120 : memref<640x64xf32, #tpu.memory_space<vmem_shared>>) target(%dma_start3A_118 : memref<640x64xf32, #tpu.memory_space<hbm>>) target_semaphore(%run_scoped3A : memref<!tpu.dma_semaphore, #tpu.memory_space<semaphore_mem>>)
      %dma_wait3A_121 = arith.constant 0 : i32
      %dma_wait3A_122 = tpu.memref_slice %arg5[%add3A_52, %mul3A_54, %dma_wait3A_121] : memref<4x10240x64xf32, #tpu.memory_space<hbm>> -> memref<1x640x64xf32, #tpu.memory_space<hbm>>
      %dma_wait3A_123 = tpu.memref_squeeze %dma_wait3A_122 : memref<1x640x64xf32, #tpu.memory_space<hbm>> -> memref<640x64xf32, #tpu.memory_space<hbm>>
      %dma_wait3A_124 = arith.constant 0 : i32
      %dma_wait3A_125 = tpu.memref_slice %arg12[%mul3A_51, %dma_wait3A_124] : memref<10240x64xf32, #tpu.memory_space<vmem_shared>> -> memref<640x64xf32, #tpu.memory_space<vmem_shared>>
      tpu.wait_dma2 semaphore(%run_scoped3A : memref<!tpu.dma_semaphore, #tpu.memory_space<semaphore_mem>>) src(%dma_wait3A_125 : memref<640x64xf32, #tpu.memory_space<vmem_shared>>) dst(%dma_wait3A_123 : memref<640x64xf32, #tpu.memory_space<hbm>>)
      tpu.yield
    }) : () -> ()
    %scan3A_55 = arith.constant 0 : i32
    %scan3A_56 = arith.constant 0 : i32
    %scan3A_57 = arith.constant 159 : i32
    %scan3A_58 = arith.addi %scan3A_56, %scan3A_57 : i32
    %scan3A_59 = arith.constant 1 : i32
    scf.for %scan3A_116 = %scan3A_56 to %scan3A_58 step %scan3A_59  : i32 {
      %get3A = arith.index_cast %scan3A_116 : i32 to index
      %get3A_117 = arith.constant 0 : index
      %get3A_118 = tpu.vector_load %arg6[%get3A, %get3A_117] {strides = array<i32>} : memref<159x128xi32, #tpu.memory_space<vmem>>, vector<1x16xi32>,
      %get3A_119 = vector.shape_cast %get3A_118 : vector<1x16xi32> to vector<16xi32>
      %add3A_120 = arith.constant 20480 : i32
      %add3A_121 = vector.broadcast %add3A_120 : i32 to vector<16xi32>
      %add3A_122 = arith.addi %get3A_119, %add3A_121 : vector<16xi32>
      %swap3A = arith.index_cast %scan3A_116 : i32 to index
      %swap3A_123 = arith.constant 0 : index
      %swap3A_124 = tpu.vector_load %arg6[%swap3A, %swap3A_123] {strides = array<i32>} : memref<159x128xi32, #tpu.memory_space<vmem>>, vector<1x16xi32>,
      %swap3A_125 = vector.shape_cast %swap3A_124 : vector<1x16xi32> to vector<16xi32>
      %swap3A_126 = vector.shape_cast %add3A_122 : vector<16xi32> to vector<1x16xi32>
      tpu.vector_store %arg6[%swap3A, %swap3A_123], %swap3A_126 {strides = array<i32>} : memref<159x128xi32, #tpu.memory_space<vmem>>, vector<1x16xi32>,
      %get3A_127 = arith.index_cast %scan3A_116 : i32 to index
      %get3A_128 = arith.constant 16 : index
      %get3A_129 = tpu.vector_load %arg6[%get3A_127, %get3A_128] {strides = array<i32>} : memref<159x128xi32, #tpu.memory_space<vmem>>, vector<1x16xi32>,
      %get3A_130 = vector.shape_cast %get3A_129 : vector<1x16xi32> to vector<16xi32>
      %add3A_131 = arith.constant 20480 : i32
      %add3A_132 = vector.broadcast %add3A_131 : i32 to vector<16xi32>
      %add3A_133 = arith.addi %get3A_130, %add3A_132 : vector<16xi32>
      %swap3A_134 = arith.index_cast %scan3A_116 : i32 to index
      %swap3A_135 = arith.constant 16 : index
      %swap3A_136 = tpu.vector_load %arg6[%swap3A_134, %swap3A_135] {strides = array<i32>} : memref<159x128xi32, #tpu.memory_space<vmem>>, vector<1x16xi32>,
      %swap3A_137 = vector.shape_cast %swap3A_136 : vector<1x16xi32> to vector<16xi32>
      %swap3A_138 = vector.shape_cast %add3A_133 : vector<16xi32> to vector<1x16xi32>
      tpu.vector_store %arg6[%swap3A_134, %swap3A_135], %swap3A_138 {strides = array<i32>} : memref<159x128xi32, #tpu.memory_space<vmem>>, vector<1x16xi32>,
      %get3A_139 = arith.index_cast %scan3A_116 : i32 to index
      %get3A_140 = arith.constant 32 : index
      %get3A_141 = tpu.vector_load %arg6[%get3A_139, %get3A_140] {strides = array<i32>} : memref<159x128xi32, #tpu.memory_space<vmem>>, vector<1x16xi32>,
      %get3A_142 = vector.shape_cast %get3A_141 : vector<1x16xi32> to vector<16xi32>
      %add3A_143 = arith.constant 20480 : i32
      %add3A_144 = vector.broadcast %add3A_143 : i32 to vector<16xi32>
      %add3A_145 = arith.addi %get3A_142, %add3A_144 : vector<16xi32>
      %swap3A_146 = arith.index_cast %scan3A_116 : i32 to index
      %swap3A_147 = arith.constant 32 : index
      %swap3A_148 = tpu.vector_load %arg6[%swap3A_146, %swap3A_147] {strides = array<i32>} : memref<159x128xi32, #tpu.memory_space<vmem>>, vector<1x16xi32>,
      %swap3A_149 = vector.shape_cast %swap3A_148 : vector<1x16xi32> to vector<16xi32>
      %swap3A_150 = vector.shape_cast %add3A_145 : vector<16xi32> to vector<1x16xi32>
      tpu.vector_store %arg6[%swap3A_146, %swap3A_147], %swap3A_150 {strides = array<i32>} : memref<159x128xi32, #tpu.memory_space<vmem>>, vector<1x16xi32>,
      %get3A_151 = arith.index_cast %scan3A_116 : i32 to index
      %get3A_152 = arith.constant 48 : index
      %get3A_153 = tpu.vector_load %arg6[%get3A_151, %get3A_152] {strides = array<i32>} : memref<159x128xi32, #tpu.memory_space<vmem>>, vector<1x16xi32>,
      %get3A_154 = vector.shape_cast %get3A_153 : vector<1x16xi32> to vector<16xi32>
      %add3A_155 = arith.constant 20480 : i32
      %add3A_156 = vector.broadcast %add3A_155 : i32 to vector<16xi32>
      %add3A_157 = arith.addi %get3A_154, %add3A_156 : vector<16xi32>
      %swap3A_158 = arith.index_cast %scan3A_116 : i32 to index
      %swap3A_159 = arith.constant 48 : index
      %swap3A_160 = tpu.vector_load %arg6[%swap3A_158, %swap3A_159] {strides = array<i32>} : memref<159x128xi32, #tpu.memory_space<vmem>>, vector<1x16xi32>,
      %swap3A_161 = vector.shape_cast %swap3A_160 : vector<1x16xi32> to vector<16xi32>
      %swap3A_162 = vector.shape_cast %add3A_157 : vector<16xi32> to vector<1x16xi32>
      tpu.vector_store %arg6[%swap3A_158, %swap3A_159], %swap3A_162 {strides = array<i32>} : memref<159x128xi32, #tpu.memory_space<vmem>>, vector<1x16xi32>,
      %get3A_163 = arith.index_cast %scan3A_116 : i32 to index
      %get3A_164 = arith.constant 64 : index
      %get3A_165 = tpu.vector_load %arg6[%get3A_163, %get3A_164] {strides = array<i32>} : memref<159x128xi32, #tpu.memory_space<vmem>>, vector<1x16xi32>,
      %get3A_166 = vector.shape_cast %get3A_165 : vector<1x16xi32> to vector<16xi32>
      %add3A_167 = arith.constant 20480 : i32
      %add3A_168 = vector.broadcast %add3A_167 : i32 to vector<16xi32>
      %add3A_169 = arith.addi %get3A_166, %add3A_168 : vector<16xi32>
      %swap3A_170 = arith.index_cast %scan3A_116 : i32 to index
      %swap3A_171 = arith.constant 64 : index
      %swap3A_172 = tpu.vector_load %arg6[%swap3A_170, %swap3A_171] {strides = array<i32>} : memref<159x128xi32, #tpu.memory_space<vmem>>, vector<1x16xi32>,
      %swap3A_173 = vector.shape_cast %swap3A_172 : vector<1x16xi32> to vector<16xi32>
      %swap3A_174 = vector.shape_cast %add3A_169 : vector<16xi32> to vector<1x16xi32>
      tpu.vector_store %arg6[%swap3A_170, %swap3A_171], %swap3A_174 {strides = array<i32>} : memref<159x128xi32, #tpu.memory_space<vmem>>, vector<1x16xi32>,
      %get3A_175 = arith.index_cast %scan3A_116 : i32 to index
      %get3A_176 = arith.constant 80 : index
      %get3A_177 = tpu.vector_load %arg6[%get3A_175, %get3A_176] {strides = array<i32>} : memref<159x128xi32, #tpu.memory_space<vmem>>, vector<1x16xi32>,
      %get3A_178 = vector.shape_cast %get3A_177 : vector<1x16xi32> to vector<16xi32>
      %add3A_179 = arith.constant 20480 : i32
      %add3A_180 = vector.broadcast %add3A_179 : i32 to vector<16xi32>
      %add3A_181 = arith.addi %get3A_178, %add3A_180 : vector<16xi32>
      %swap3A_182 = arith.index_cast %scan3A_116 : i32 to index
      %swap3A_183 = arith.constant 80 : index
      %swap3A_184 = tpu.vector_load %arg6[%swap3A_182, %swap3A_183] {strides = array<i32>} : memref<159x128xi32, #tpu.memory_space<vmem>>, vector<1x16xi32>,
      %swap3A_185 = vector.shape_cast %swap3A_184 : vector<1x16xi32> to vector<16xi32>
      %swap3A_186 = vector.shape_cast %add3A_181 : vector<16xi32> to vector<1x16xi32>
      tpu.vector_store %arg6[%swap3A_182, %swap3A_183], %swap3A_186 {strides = array<i32>} : memref<159x128xi32, #tpu.memory_space<vmem>>, vector<1x16xi32>,
      %get3A_187 = arith.index_cast %scan3A_116 : i32 to index
      %get3A_188 = arith.constant 96 : index
      %get3A_189 = tpu.vector_load %arg6[%get3A_187, %get3A_188] {strides = array<i32>} : memref<159x128xi32, #tpu.memory_space<vmem>>, vector<1x16xi32>,
      %get3A_190 = vector.shape_cast %get3A_189 : vector<1x16xi32> to vector<16xi32>
      %add3A_191 = arith.constant 20480 : i32
      %add3A_192 = vector.broadcast %add3A_191 : i32 to vector<16xi32>
      %add3A_193 = arith.addi %get3A_190, %add3A_192 : vector<16xi32>
      %swap3A_194 = arith.index_cast %scan3A_116 : i32 to index
      %swap3A_195 = arith.constant 96 : index
      %swap3A_196 = tpu.vector_load %arg6[%swap3A_194, %swap3A_195] {strides = array<i32>} : memref<159x128xi32, #tpu.memory_space<vmem>>, vector<1x16xi32>,
      %swap3A_197 = vector.shape_cast %swap3A_196 : vector<1x16xi32> to vector<16xi32>
      %swap3A_198 = vector.shape_cast %add3A_193 : vector<16xi32> to vector<1x16xi32>
      tpu.vector_store %arg6[%swap3A_194, %swap3A_195], %swap3A_198 {strides = array<i32>} : memref<159x128xi32, #tpu.memory_space<vmem>>, vector<1x16xi32>,
      %get3A_199 = arith.index_cast %scan3A_116 : i32 to index
      %get3A_200 = arith.constant 112 : index
      %get3A_201 = tpu.vector_load %arg6[%get3A_199, %get3A_200] {strides = array<i32>} : memref<159x128xi32, #tpu.memory_space<vmem>>, vector<1x16xi32>,
      %get3A_202 = vector.shape_cast %get3A_201 : vector<1x16xi32> to vector<16xi32>
      %add3A_203 = arith.constant 20480 : i32
      %add3A_204 = vector.broadcast %add3A_203 : i32 to vector<16xi32>
      %add3A_205 = arith.addi %get3A_202, %add3A_204 : vector<16xi32>
      %swap3A_206 = arith.index_cast %scan3A_116 : i32 to index
      %swap3A_207 = arith.constant 112 : index
      %swap3A_208 = tpu.vector_load %arg6[%swap3A_206, %swap3A_207] {strides = array<i32>} : memref<159x128xi32, #tpu.memory_space<vmem>>, vector<1x16xi32>,
      %swap3A_209 = vector.shape_cast %swap3A_208 : vector<1x16xi32> to vector<16xi32>
      %swap3A_210 = vector.shape_cast %add3A_205 : vector<16xi32> to vector<1x16xi32>
      tpu.vector_store %arg6[%swap3A_206, %swap3A_207], %swap3A_210 {strides = array<i32>} : memref<159x128xi32, #tpu.memory_space<vmem>>, vector<1x16xi32>,
    }
    %scan3A_60 = arith.constant 159 : i32
    %dma_start3A_61 = arith.constant 0 : i32
    %dma_start3A_62 = arith.constant 0 : i32
    %dma_start3A_63 = tpu.memref_slice %arg6[%dma_start3A_61, %dma_start3A_62] : memref<159x128xi32, #tpu.memory_space<vmem>> -> memref<1x128xi32, #tpu.memory_space<vmem>>
    %dma_start3A_64 = tpu.memref_squeeze %dma_start3A_63 : memref<1x128xi32, #tpu.memory_space<vmem>> -> memref<128xi32, #tpu.memory_space<vmem>>
    %dma_start3A_65 = arith.constant 0 : i32
    %dma_start3A_66 = arith.constant 0 : i32
    %dma_start3A_67 = tpu.memref_slice %arg2[%dma_start3A_65, %dma_start3A_66] : memref<40960x64xf32, #tpu.memory_space<hbm>> -> memref<40960x64xf32, #tpu.memory_space<hbm>>
    tpu.enqueue_indirect_dma source(%dma_start3A_67 : memref<40960x64xf32, #tpu.memory_space<hbm>>) target(%arg8 : memref<128x64xf32, #tpu.memory_space<vmem>>) offsets(%dma_start3A_64 : memref<128xi32, #tpu.memory_space<vmem>>) semaphore(%arg13 : memref<!tpu.dma_semaphore, #tpu.memory_space<semaphore_mem>>)
    %dma_start3A_68 = arith.constant 1 : i32
    %dma_start3A_69 = arith.constant 0 : i32
    %dma_start3A_70 = tpu.memref_slice %arg6[%dma_start3A_68, %dma_start3A_69] : memref<159x128xi32, #tpu.memory_space<vmem>> -> memref<1x128xi32, #tpu.memory_space<vmem>>
    %dma_start3A_71 = tpu.memref_squeeze %dma_start3A_70 : memref<1x128xi32, #tpu.memory_space<vmem>> -> memref<128xi32, #tpu.memory_space<vmem>>
    %dma_start3A_72 = arith.constant 0 : i32
    %dma_start3A_73 = arith.constant 0 : i32
    %dma_start3A_74 = tpu.memref_slice %arg2[%dma_start3A_72, %dma_start3A_73] : memref<40960x64xf32, #tpu.memory_space<hbm>> -> memref<40960x64xf32, #tpu.memory_space<hbm>>
    tpu.enqueue_indirect_dma source(%dma_start3A_74 : memref<40960x64xf32, #tpu.memory_space<hbm>>) target(%arg9 : memref<128x64xf32, #tpu.memory_space<vmem>>) offsets(%dma_start3A_71 : memref<128xi32, #tpu.memory_space<vmem>>) semaphore(%arg14 : memref<!tpu.dma_semaphore, #tpu.memory_space<semaphore_mem>>)
    %scan3A_75 = arith.constant 0 : i32
    %scan3A_76 = arith.constant 0 : i32
    %scan3A_77 = arith.constant 10 : i32
    %scan3A_78 = arith.addi %scan3A_76, %scan3A_77 : i32
    %scan3A_79 = arith.constant 1 : i32
    scf.for %scan3A_116 = %scan3A_76 to %scan3A_78 step %scan3A_79  : i32 {
      %mul3A_117 = arith.constant 640 : i32
      %mul3A_118 = arith.muli %arg1, %mul3A_117 : i32
      %mul3A_119 = arith.constant 64 : i32
      %mul3A_120 = arith.muli %scan3A_116, %mul3A_119 : i32
      %add3A_121 = arith.addi %mul3A_118, %mul3A_120 : i32
      "tpu.region"() ({
        %run_scoped3A = tpu.sem_alloc : memref<!tpu.dma_semaphore, #tpu.memory_space<semaphore_mem>>
        %dma_start3A_122 = arith.constant 0 : i32
        %dma_start3A_123 = tpu.memref_slice %arg12[%add3A_121, %dma_start3A_122] : memref<10240x64xf32, #tpu.memory_space<vmem_shared>> -> memref<64x64xf32, #tpu.memory_space<vmem_shared>>
        %dma_start3A_124 = arith.constant 0 : i32
        %dma_start3A_125 = tpu.memref_slice %arg12[%add3A_121, %dma_start3A_124] : memref<10240x64xf32, #tpu.memory_space<vmem_shared>> -> memref<64x64xf32, #tpu.memory_space<vmem_shared>>
        tpu.enqueue_dma source(%arg11 : memref<64x64xf32, #tpu.memory_space<vmem>>) target(%dma_start3A_125 : memref<64x64xf32, #tpu.memory_space<vmem_shared>>) target_semaphore(%run_scoped3A : memref<!tpu.dma_semaphore, #tpu.memory_space<semaphore_mem>>)
        %dma_wait3A_126 = arith.constant 0 : i32
        %dma_wait3A_127 = tpu.memref_slice %arg12[%add3A_121, %dma_wait3A_126] : memref<10240x64xf32, #tpu.memory_space<vmem_shared>> -> memref<64x64xf32, #tpu.memory_space<vmem_shared>>
        %dma_wait3A_128 = arith.constant 0 : i32
        %dma_wait3A_129 = tpu.memref_slice %arg12[%add3A_121, %dma_wait3A_128] : memref<10240x64xf32, #tpu.memory_space<vmem_shared>> -> memref<64x64xf32, #tpu.memory_space<vmem_shared>>
        tpu.wait_dma2 semaphore(%run_scoped3A : memref<!tpu.dma_semaphore, #tpu.memory_space<semaphore_mem>>) src(%arg11 : memref<64x64xf32, #tpu.memory_space<vmem>>) dst(%dma_wait3A_129 : memref<64x64xf32, #tpu.memory_space<vmem_shared>>)
        tpu.yield
      }) : () -> ()
    }
    %scan3A_80 = arith.constant 10 : i32
    %barrier3A_81 = arith.constant 0 : index
    tpu.barrier barrier_id(%barrier3A_81)
    %scan3A_82 = arith.constant 0 : i32
    %scan3A_83 = arith.constant 0 : i32
    %scan3A_84 = arith.constant 53 : i32
    %scan3A_85 = arith.addi %scan3A_83, %scan3A_84 : i32
    %scan3A_86 = arith.constant 1 : i32
    scf.for %scan3A_116 = %scan3A_83 to %scan3A_85 step %scan3A_86  : i32 {
      %mul3A_117 = arith.constant 3 : i32
      %mul3A_118 = arith.muli %scan3A_116, %mul3A_117 : i32
      %add3A_119 = arith.constant 0 : i32
      %add3A_120 = arith.addi %mul3A_118, %add3A_119 : i32
      %dma_wait3A_121 = arith.constant 0 : i32
      %dma_wait3A_122 = tpu.memref_slice %arg6[%add3A_120, %dma_wait3A_121] : memref<159x128xi32, #tpu.memory_space<vmem>> -> memref<1x128xi32, #tpu.memory_space<vmem>>
      %dma_wait3A_123 = tpu.memref_squeeze %dma_wait3A_122 : memref<1x128xi32, #tpu.memory_space<vmem>> -> memref<128xi32, #tpu.memory_space<vmem>>
      %dma_wait3A_124 = arith.constant 0 : i32
      %dma_wait3A_125 = arith.constant 0 : i32
      %dma_wait3A_126 = tpu.memref_slice %arg2[%dma_wait3A_124, %dma_wait3A_125] : memref<40960x64xf32, #tpu.memory_space<hbm>> -> memref<40960x64xf32, #tpu.memory_space<hbm>>
      tpu.wait_indirect_dma semaphore(%arg13 : memref<!tpu.dma_semaphore, #tpu.memory_space<semaphore_mem>>) src(%dma_wait3A_126 : memref<40960x64xf32, #tpu.memory_space<hbm>>) dst(%arg8 : memref<128x64xf32, #tpu.memory_space<vmem>>)
      %dma_start3A_127 = arith.constant 0 : i32
      %dma_start3A_128 = tpu.memref_slice %arg7[%add3A_120, %dma_start3A_127] : memref<159x128xi32, #tpu.memory_space<vmem>> -> memref<1x128xi32, #tpu.memory_space<vmem>>
      %dma_start3A_129 = tpu.memref_squeeze %dma_start3A_128 : memref<1x128xi32, #tpu.memory_space<vmem>> -> memref<128xi32, #tpu.memory_space<vmem>>
      %dma_start3A_130 = arith.constant 0 : i32
      %dma_start3A_131 = arith.constant 0 : i32
      %dma_start3A_132 = tpu.memref_slice %arg12[%dma_start3A_130, %dma_start3A_131] : memref<10240x64xf32, #tpu.memory_space<vmem_shared>> -> memref<10240x64xf32, #tpu.memory_space<vmem_shared>>
      tpu.enqueue_indirect_dma source(%arg8 : memref<128x64xf32, #tpu.memory_space<vmem>>) target(%dma_start3A_132 : memref<10240x64xf32, #tpu.memory_space<vmem_shared>>) offsets(%dma_start3A_129 : memref<128xi32, #tpu.memory_space<vmem>>) semaphore(%arg16 : memref<!tpu.dma_semaphore, #tpu.memory_space<semaphore_mem>>) {add = true}
      %gt3A = arith.constant 0 : i32
      %gt3A_133 = arith.cmpi sgt, %scan3A_116, %gt3A : i32
      %convert_element_type3A = arith.extui %gt3A_133 : i1 to i32
      %cond3A = arith.constant 0 : i32
      %cond3A_134 = arith.cmpi ne, %convert_element_type3A, %cond3A : i32
      scf.if %cond3A_134 {
        %mul3A_184 = arith.constant 3 : i32
        %mul3A_185 = arith.muli %scan3A_116, %mul3A_184 : i32
        %sub3A = arith.constant 1 : i32
        %sub3A_186 = arith.subi %mul3A_185, %sub3A : i32
        %dma_wait3A_187 = arith.constant 0 : i32
        %dma_wait3A_188 = tpu.memref_slice %arg7[%sub3A_186, %dma_wait3A_187] : memref<159x128xi32, #tpu.memory_space<vmem>> -> memref<1x128xi32, #tpu.memory_space<vmem>>
        %dma_wait3A_189 = tpu.memref_squeeze %dma_wait3A_188 : memref<1x128xi32, #tpu.memory_space<vmem>> -> memref<128xi32, #tpu.memory_space<vmem>>
        %dma_wait3A_190 = arith.constant 0 : i32
        %dma_wait3A_191 = arith.constant 0 : i32
        %dma_wait3A_192 = tpu.memref_slice %arg12[%dma_wait3A_190, %dma_wait3A_191] : memref<10240x64xf32, #tpu.memory_space<vmem_shared>> -> memref<10240x64xf32, #tpu.memory_space<vmem_shared>>
        tpu.wait_indirect_dma semaphore(%arg18 : memref<!tpu.dma_semaphore, #tpu.memory_space<semaphore_mem>>) src(%arg10 : memref<128x64xf32, #tpu.memory_space<vmem>>) dst(%dma_wait3A_192 : memref<10240x64xf32, #tpu.memory_space<vmem_shared>>)
      } else {
      }
      %add3A_135 = arith.constant 2 : i32
      %add3A_136 = arith.addi %add3A_120, %add3A_135 : i32
      %dma_start3A_137 = arith.constant 0 : i32
      %dma_start3A_138 = tpu.memref_slice %arg6[%add3A_136, %dma_start3A_137] : memref<159x128xi32, #tpu.memory_space<vmem>> -> memref<1x128xi32, #tpu.memory_space<vmem>>
      %dma_start3A_139 = tpu.memref_squeeze %dma_start3A_138 : memref<1x128xi32, #tpu.memory_space<vmem>> -> memref<128xi32, #tpu.memory_space<vmem>>
      %dma_start3A_140 = arith.constant 0 : i32
      %dma_start3A_141 = arith.constant 0 : i32
      %dma_start3A_142 = tpu.memref_slice %arg2[%dma_start3A_140, %dma_start3A_141] : memref<40960x64xf32, #tpu.memory_space<hbm>> -> memref<40960x64xf32, #tpu.memory_space<hbm>>
      tpu.enqueue_indirect_dma source(%dma_start3A_142 : memref<40960x64xf32, #tpu.memory_space<hbm>>) target(%arg10 : memref<128x64xf32, #tpu.memory_space<vmem>>) offsets(%dma_start3A_139 : memref<128xi32, #tpu.memory_space<vmem>>) semaphore(%arg15 : memref<!tpu.dma_semaphore, #tpu.memory_space<semaphore_mem>>)
      %mul3A_143 = arith.constant 3 : i32
      %mul3A_144 = arith.muli %scan3A_116, %mul3A_143 : i32
      %add3A_145 = arith.constant 1 : i32
      %add3A_146 = arith.addi %mul3A_144, %add3A_145 : i32
      %dma_wait3A_147 = arith.constant 0 : i32
      %dma_wait3A_148 = tpu.memref_slice %arg6[%add3A_146, %dma_wait3A_147] : memref<159x128xi32, #tpu.memory_space<vmem>> -> memref<1x128xi32, #tpu.memory_space<vmem>>
      %dma_wait3A_149 = tpu.memref_squeeze %dma_wait3A_148 : memref<1x128xi32, #tpu.memory_space<vmem>> -> memref<128xi32, #tpu.memory_space<vmem>>
      %dma_wait3A_150 = arith.constant 0 : i32
      %dma_wait3A_151 = arith.constant 0 : i32
      %dma_wait3A_152 = tpu.memref_slice %arg2[%dma_wait3A_150, %dma_wait3A_151] : memref<40960x64xf32, #tpu.memory_space<hbm>> -> memref<40960x64xf32, #tpu.memory_space<hbm>>
      tpu.wait_indirect_dma semaphore(%arg14 : memref<!tpu.dma_semaphore, #tpu.memory_space<semaphore_mem>>) src(%dma_wait3A_152 : memref<40960x64xf32, #tpu.memory_space<hbm>>) dst(%arg9 : memref<128x64xf32, #tpu.memory_space<vmem>>)
      %dma_start3A_153 = arith.constant 0 : i32
      %dma_start3A_154 = tpu.memref_slice %arg7[%add3A_146, %dma_start3A_153] : memref<159x128xi32, #tpu.memory_space<vmem>> -> memref<1x128xi32, #tpu.memory_space<vmem>>
      %dma_start3A_155 = tpu.memref_squeeze %dma_start3A_154 : memref<1x128xi32, #tpu.memory_space<vmem>> -> memref<128xi32, #tpu.memory_space<vmem>>
      %dma_start3A_156 = arith.constant 0 : i32
      %dma_start3A_157 = arith.constant 0 : i32
      %dma_start3A_158 = tpu.memref_slice %arg12[%dma_start3A_156, %dma_start3A_157] : memref<10240x64xf32, #tpu.memory_space<vmem_shared>> -> memref<10240x64xf32, #tpu.memory_space<vmem_shared>>
      tpu.enqueue_indirect_dma source(%arg9 : memref<128x64xf32, #tpu.memory_space<vmem>>) target(%dma_start3A_158 : memref<10240x64xf32, #tpu.memory_space<vmem_shared>>) offsets(%dma_start3A_155 : memref<128xi32, #tpu.memory_space<vmem>>) semaphore(%arg17 : memref<!tpu.dma_semaphore, #tpu.memory_space<semaphore_mem>>) {add = true}
      %lt3A = arith.constant 52 : i32
      %lt3A_159 = arith.cmpi slt, %scan3A_116, %lt3A : i32
      %convert_element_type3A_160 = arith.extui %lt3A_159 : i1 to i32
      %cond3A_161 = arith.constant 0 : i32
      %cond3A_162 = arith.cmpi ne, %convert_element_type3A_160, %cond3A_161 : i32
      scf.if %cond3A_162 {
        %sub3A = arith.constant 1 : i32
        %sub3A_184 = arith.subi %add3A_146, %sub3A : i32
        %dma_wait3A_185 = arith.constant 0 : i32
        %dma_wait3A_186 = tpu.memref_slice %arg7[%sub3A_184, %dma_wait3A_185] : memref<159x128xi32, #tpu.memory_space<vmem>> -> memref<1x128xi32, #tpu.memory_space<vmem>>
        %dma_wait3A_187 = tpu.memref_squeeze %dma_wait3A_186 : memref<1x128xi32, #tpu.memory_space<vmem>> -> memref<128xi32, #tpu.memory_space<vmem>>
        %dma_wait3A_188 = arith.constant 0 : i32
        %dma_wait3A_189 = arith.constant 0 : i32
        %dma_wait3A_190 = tpu.memref_slice %arg12[%dma_wait3A_188, %dma_wait3A_189] : memref<10240x64xf32, #tpu.memory_space<vmem_shared>> -> memref<10240x64xf32, #tpu.memory_space<vmem_shared>>
        tpu.wait_indirect_dma semaphore(%arg16 : memref<!tpu.dma_semaphore, #tpu.memory_space<semaphore_mem>>) src(%arg8 : memref<128x64xf32, #tpu.memory_space<vmem>>) dst(%dma_wait3A_190 : memref<10240x64xf32, #tpu.memory_space<vmem_shared>>)
        %add3A_191 = arith.constant 2 : i32
        %add3A_192 = arith.addi %add3A_146, %add3A_191 : i32
        %dma_start3A_193 = arith.constant 0 : i32
        %dma_start3A_194 = tpu.memref_slice %arg6[%add3A_192, %dma_start3A_193] : memref<159x128xi32, #tpu.memory_space<vmem>> -> memref<1x128xi32, #tpu.memory_space<vmem>>
        %dma_start3A_195 = tpu.memref_squeeze %dma_start3A_194 : memref<1x128xi32, #tpu.memory_space<vmem>> -> memref<128xi32, #tpu.memory_space<vmem>>
        %dma_start3A_196 = arith.constant 0 : i32
        %dma_start3A_197 = arith.constant 0 : i32
        %dma_start3A_198 = tpu.memref_slice %arg2[%dma_start3A_196, %dma_start3A_197] : memref<40960x64xf32, #tpu.memory_space<hbm>> -> memref<40960x64xf32, #tpu.memory_space<hbm>>
        tpu.enqueue_indirect_dma source(%dma_start3A_198 : memref<40960x64xf32, #tpu.memory_space<hbm>>) target(%arg8 : memref<128x64xf32, #tpu.memory_space<vmem>>) offsets(%dma_start3A_195 : memref<128xi32, #tpu.memory_space<vmem>>) semaphore(%arg13 : memref<!tpu.dma_semaphore, #tpu.memory_space<semaphore_mem>>)
      } else {
      }
      %mul3A_163 = arith.constant 3 : i32
      %mul3A_164 = arith.muli %scan3A_116, %mul3A_163 : i32
      %add3A_165 = arith.constant 2 : i32
      %add3A_166 = arith.addi %mul3A_164, %add3A_165 : i32
      %dma_wait3A_167 = arith.constant 0 : i32
      %dma_wait3A_168 = tpu.memref_slice %arg6[%add3A_166, %dma_wait3A_167] : memref<159x128xi32, #tpu.memory_space<vmem>> -> memref<1x128xi32, #tpu.memory_space<vmem>>
      %dma_wait3A_169 = tpu.memref_squeeze %dma_wait3A_168 : memref<1x128xi32, #tpu.memory_space<vmem>> -> memref<128xi32, #tpu.memory_space<vmem>>
      %dma_wait3A_170 = arith.constant 0 : i32
      %dma_wait3A_171 = arith.constant 0 : i32
      %dma_wait3A_172 = tpu.memref_slice %arg2[%dma_wait3A_170, %dma_wait3A_171] : memref<40960x64xf32, #tpu.memory_space<hbm>> -> memref<40960x64xf32, #tpu.memory_space<hbm>>
      tpu.wait_indirect_dma semaphore(%arg15 : memref<!tpu.dma_semaphore, #tpu.memory_space<semaphore_mem>>) src(%dma_wait3A_172 : memref<40960x64xf32, #tpu.memory_space<hbm>>) dst(%arg10 : memref<128x64xf32, #tpu.memory_space<vmem>>)
      %dma_start3A_173 = arith.constant 0 : i32
      %dma_start3A_174 = tpu.memref_slice %arg7[%add3A_166, %dma_start3A_173] : memref<159x128xi32, #tpu.memory_space<vmem>> -> memref<1x128xi32, #tpu.memory_space<vmem>>
      %dma_start3A_175 = tpu.memref_squeeze %dma_start3A_174 : memref<1x128xi32, #tpu.memory_space<vmem>> -> memref<128xi32, #tpu.memory_space<vmem>>
      %dma_start3A_176 = arith.constant 0 : i32
      %dma_start3A_177 = arith.constant 0 : i32
      %dma_start3A_178 = tpu.memref_slice %arg12[%dma_start3A_176, %dma_start3A_177] : memref<10240x64xf32, #tpu.memory_space<vmem_shared>> -> memref<10240x64xf32, #tpu.memory_space<vmem_shared>>
      tpu.enqueue_indirect_dma source(%arg10 : memref<128x64xf32, #tpu.memory_space<vmem>>) target(%dma_start3A_178 : memref<10240x64xf32, #tpu.memory_space<vmem_shared>>) offsets(%dma_start3A_175 : memref<128xi32, #tpu.memory_space<vmem>>) semaphore(%arg18 : memref<!tpu.dma_semaphore, #tpu.memory_space<semaphore_mem>>) {add = true}
      %lt3A_179 = arith.constant 52 : i32
      %lt3A_180 = arith.cmpi slt, %scan3A_116, %lt3A_179 : i32
      %convert_element_type3A_181 = arith.extui %lt3A_180 : i1 to i32
      %cond3A_182 = arith.constant 0 : i32
      %cond3A_183 = arith.cmpi ne, %convert_element_type3A_181, %cond3A_182 : i32
      scf.if %cond3A_183 {
        %sub3A = arith.constant 1 : i32
        %sub3A_184 = arith.subi %add3A_166, %sub3A : i32
        %dma_wait3A_185 = arith.constant 0 : i32
        %dma_wait3A_186 = tpu.memref_slice %arg7[%sub3A_184, %dma_wait3A_185] : memref<159x128xi32, #tpu.memory_space<vmem>> -> memref<1x128xi32, #tpu.memory_space<vmem>>
        %dma_wait3A_187 = tpu.memref_squeeze %dma_wait3A_186 : memref<1x128xi32, #tpu.memory_space<vmem>> -> memref<128xi32, #tpu.memory_space<vmem>>
        %dma_wait3A_188 = arith.constant 0 : i32
        %dma_wait3A_189 = arith.constant 0 : i32
        %dma_wait3A_190 = tpu.memref_slice %arg12[%dma_wait3A_188, %dma_wait3A_189] : memref<10240x64xf32, #tpu.memory_space<vmem_shared>> -> memref<10240x64xf32, #tpu.memory_space<vmem_shared>>
        tpu.wait_indirect_dma semaphore(%arg17 : memref<!tpu.dma_semaphore, #tpu.memory_space<semaphore_mem>>) src(%arg9 : memref<128x64xf32, #tpu.memory_space<vmem>>) dst(%dma_wait3A_190 : memref<10240x64xf32, #tpu.memory_space<vmem_shared>>)
        %add3A_191 = arith.constant 2 : i32
        %add3A_192 = arith.addi %add3A_166, %add3A_191 : i32
        %dma_start3A_193 = arith.constant 0 : i32
        %dma_start3A_194 = tpu.memref_slice %arg6[%add3A_192, %dma_start3A_193] : memref<159x128xi32, #tpu.memory_space<vmem>> -> memref<1x128xi32, #tpu.memory_space<vmem>>
        %dma_start3A_195 = tpu.memref_squeeze %dma_start3A_194 : memref<1x128xi32, #tpu.memory_space<vmem>> -> memref<128xi32, #tpu.memory_space<vmem>>
        %dma_start3A_196 = arith.constant 0 : i32
        %dma_start3A_197 = arith.constant 0 : i32
        %dma_start3A_198 = tpu.memref_slice %arg2[%dma_start3A_196, %dma_start3A_197] : memref<40960x64xf32, #tpu.memory_space<hbm>> -> memref<40960x64xf32, #tpu.memory_space<hbm>>
        tpu.enqueue_indirect_dma source(%dma_start3A_198 : memref<40960x64xf32, #tpu.memory_space<hbm>>) target(%arg9 : memref<128x64xf32, #tpu.memory_space<vmem>>) offsets(%dma_start3A_195 : memref<128xi32, #tpu.memory_space<vmem>>) semaphore(%arg14 : memref<!tpu.dma_semaphore, #tpu.memory_space<semaphore_mem>>)
      } else {
      }
    }
    %scan3A_87 = arith.constant 53 : i32
    %dma_wait3A_88 = arith.constant 156 : i32
    %dma_wait3A_89 = arith.constant 0 : i32
    %dma_wait3A_90 = tpu.memref_slice %arg7[%dma_wait3A_88, %dma_wait3A_89] : memref<159x128xi32, #tpu.memory_space<vmem>> -> memref<1x128xi32, #tpu.memory_space<vmem>>
    %dma_wait3A_91 = tpu.memref_squeeze %dma_wait3A_90 : memref<1x128xi32, #tpu.memory_space<vmem>> -> memref<128xi32, #tpu.memory_space<vmem>>
    %dma_wait3A_92 = arith.constant 0 : i32
    %dma_wait3A_93 = arith.constant 0 : i32
    %dma_wait3A_94 = tpu.memref_slice %arg12[%dma_wait3A_92, %dma_wait3A_93] : memref<10240x64xf32, #tpu.memory_space<vmem_shared>> -> memref<10240x64xf32, #tpu.memory_space<vmem_shared>>
    tpu.wait_indirect_dma semaphore(%arg16 : memref<!tpu.dma_semaphore, #tpu.memory_space<semaphore_mem>>) src(%arg8 : memref<128x64xf32, #tpu.memory_space<vmem>>) dst(%dma_wait3A_94 : memref<10240x64xf32, #tpu.memory_space<vmem_shared>>)
    %dma_wait3A_95 = arith.constant 157 : i32
    %dma_wait3A_96 = arith.constant 0 : i32
    %dma_wait3A_97 = tpu.memref_slice %arg7[%dma_wait3A_95, %dma_wait3A_96] : memref<159x128xi32, #tpu.memory_space<vmem>> -> memref<1x128xi32, #tpu.memory_space<vmem>>
    %dma_wait3A_98 = tpu.memref_squeeze %dma_wait3A_97 : memref<1x128xi32, #tpu.memory_space<vmem>> -> memref<128xi32, #tpu.memory_space<vmem>>
    %dma_wait3A_99 = arith.constant 0 : i32
    %dma_wait3A_100 = arith.constant 0 : i32
    %dma_wait3A_101 = tpu.memref_slice %arg12[%dma_wait3A_99, %dma_wait3A_100] : memref<10240x64xf32, #tpu.memory_space<vmem_shared>> -> memref<10240x64xf32, #tpu.memory_space<vmem_shared>>
    tpu.wait_indirect_dma semaphore(%arg17 : memref<!tpu.dma_semaphore, #tpu.memory_space<semaphore_mem>>) src(%arg9 : memref<128x64xf32, #tpu.memory_space<vmem>>) dst(%dma_wait3A_101 : memref<10240x64xf32, #tpu.memory_space<vmem_shared>>)
    %dma_wait3A_102 = arith.constant 158 : i32
    %dma_wait3A_103 = arith.constant 0 : i32
    %dma_wait3A_104 = tpu.memref_slice %arg7[%dma_wait3A_102, %dma_wait3A_103] : memref<159x128xi32, #tpu.memory_space<vmem>> -> memref<1x128xi32, #tpu.memory_space<vmem>>
    %dma_wait3A_105 = tpu.memref_squeeze %dma_wait3A_104 : memref<1x128xi32, #tpu.memory_space<vmem>> -> memref<128xi32, #tpu.memory_space<vmem>>
    %dma_wait3A_106 = arith.constant 0 : i32
    %dma_wait3A_107 = arith.constant 0 : i32
    %dma_wait3A_108 = tpu.memref_slice %arg12[%dma_wait3A_106, %dma_wait3A_107] : memref<10240x64xf32, #tpu.memory_space<vmem_shared>> -> memref<10240x64xf32, #tpu.memory_space<vmem_shared>>
    tpu.wait_indirect_dma semaphore(%arg18 : memref<!tpu.dma_semaphore, #tpu.memory_space<semaphore_mem>>) src(%arg10 : memref<128x64xf32, #tpu.memory_space<vmem>>) dst(%dma_wait3A_108 : memref<10240x64xf32, #tpu.memory_space<vmem_shared>>)
    %barrier3A_109 = arith.constant 0 : index
    tpu.barrier barrier_id(%barrier3A_109)
    %mul3A_110 = arith.constant 640 : i32
    %mul3A_111 = arith.muli %arg1, %mul3A_110 : i32
    %add3A_112 = arith.constant 2 : i32
    %add3A_113 = arith.addi %add3A_112, %arg0 : i32
    %mul3A_114 = arith.constant 640 : i32
    %mul3A_115 = arith.muli %arg1, %mul3A_114 : i32
    "tpu.region"() ({
      %run_scoped3A = tpu.sem_alloc : memref<!tpu.dma_semaphore, #tpu.memory_space<semaphore_mem>>
      %dma_start3A_116 = arith.constant 0 : i32
      %dma_start3A_117 = tpu.memref_slice %arg5[%add3A_113, %mul3A_115, %dma_start3A_116] : memref<4x10240x64xf32, #tpu.memory_space<hbm>> -> memref<1x640x64xf32, #tpu.memory_space<hbm>>
      %dma_start3A_118 = tpu.memref_squeeze %dma_start3A_117 : memref<1x640x64xf32, #tpu.memory_space<hbm>> -> memref<640x64xf32, #tpu.memory_space<hbm>>
      %dma_start3A_119 = arith.constant 0 : i32
      %dma_start3A_120 = tpu.memref_slice %arg12[%mul3A_111, %dma_start3A_119] : memref<10240x64xf32, #tpu.memory_space<vmem_shared>> -> memref<640x64xf32, #tpu.memory_space<vmem_shared>>
      tpu.enqueue_dma source(%dma_start3A_120 : memref<640x64xf32, #tpu.memory_space<vmem_shared>>) target(%dma_start3A_118 : memref<640x64xf32, #tpu.memory_space<hbm>>) target_semaphore(%run_scoped3A : memref<!tpu.dma_semaphore, #tpu.memory_space<semaphore_mem>>)
      %dma_wait3A_121 = arith.constant 0 : i32
      %dma_wait3A_122 = tpu.memref_slice %arg5[%add3A_113, %mul3A_115, %dma_wait3A_121] : memref<4x10240x64xf32, #tpu.memory_space<hbm>> -> memref<1x640x64xf32, #tpu.memory_space<hbm>>
      %dma_wait3A_123 = tpu.memref_squeeze %dma_wait3A_122 : memref<1x640x64xf32, #tpu.memory_space<hbm>> -> memref<640x64xf32, #tpu.memory_space<hbm>>
      %dma_wait3A_124 = arith.constant 0 : i32
      %dma_wait3A_125 = tpu.memref_slice %arg12[%mul3A_111, %dma_wait3A_124] : memref<10240x64xf32, #tpu.memory_space<vmem_shared>> -> memref<640x64xf32, #tpu.memory_space<vmem_shared>>
      tpu.wait_dma2 semaphore(%run_scoped3A : memref<!tpu.dma_semaphore, #tpu.memory_space<semaphore_mem>>) src(%dma_wait3A_125 : memref<640x64xf32, #tpu.memory_space<vmem_shared>>) dst(%dma_wait3A_123 : memref<640x64xf32, #tpu.memory_space<hbm>>)
      tpu.yield
    }) : () -> ()
    return
  }
}

#map = affine_map<(d0, d1) -> (0, 0, 0)>
#map1 = affine_map<(d0, d1) -> (0, 0)>
module attributes {stable_mosaic.version = 14 : i64} {
  func.func @_deg_body(%arg0: i32, %arg1: i32, %arg2: memref<16x159x128xi32, #tpu.memory_space<hbm>>, %arg3: memref<2x10240xf32, #tpu.memory_space<hbm>>, %arg4: memref<159x128xi32, #tpu.memory_space<vmem>>, %arg5: memref<128xf32, #tpu.memory_space<vmem>>, %arg6: memref<640xf32, #tpu.memory_space<vmem>>, %arg7: memref<10240xf32, #tpu.memory_space<vmem_shared>>) attributes {dimension_semantics = [#tpu.dimension_semantics<core_parallel>, #tpu.dimension_semantics<subcore_parallel>], iteration_bounds = array<i64: 2, 16>, scalar_prefetch = 0 : i64, scratch_operands = 4 : i64, tpu.core_type = #tpu.core_type<sc_vector_subcore>, window_params = [{transform_indices = #map}, {transform_indices = #map1}]} {
    %scan3A = arith.constant 0 : i32
    %scan3A_0 = arith.constant 0 : i32
    %scan3A_1 = arith.constant 40 : i32
    %scan3A_2 = arith.addi %scan3A_0, %scan3A_1 : i32
    %scan3A_3 = arith.constant 1 : i32
    scf.for %scan3A_70 = %scan3A_0 to %scan3A_2 step %scan3A_3  : i32 {
      %broadcast_in_dim3A_71 = arith.constant 0.000000e+00 : f32
      %broadcast_in_dim3A_72 = vector.broadcast %broadcast_in_dim3A_71 : f32 to vector<16xf32>
      %mul3A_73 = arith.constant 16 : i32
      %mul3A_74 = arith.muli %scan3A_70, %mul3A_73 : i32
      %swap3A_75 = arith.index_cast %mul3A_74 : i32 to index
      %swap3A_76 = tpu.vector_load %arg6[%swap3A_75] {strides = array<i32>} : memref<640xf32, #tpu.memory_space<vmem>>, vector<16xf32>,
      %swap3A_77 = vector.shape_cast %swap3A_76 : vector<16xf32> to vector<16xf32>
      %swap3A_78 = vector.shape_cast %broadcast_in_dim3A_72 : vector<16xf32> to vector<16xf32>
      tpu.vector_store %arg6[%swap3A_75], %swap3A_78 {strides = array<i32>} : memref<640xf32, #tpu.memory_space<vmem>>, vector<16xf32>,
    }
    %scan3A_4 = arith.constant 40 : i32
    %broadcast_in_dim3A = arith.constant 1.000000e+00 : f32
    %broadcast_in_dim3A_5 = vector.broadcast %broadcast_in_dim3A : f32 to vector<16xf32>
    %swap3A = arith.constant 0 : index
    %swap3A_6 = tpu.vector_load %arg5[%swap3A] {strides = array<i32>} : memref<128xf32, #tpu.memory_space<vmem>>, vector<16xf32>,
    %swap3A_7 = vector.shape_cast %swap3A_6 : vector<16xf32> to vector<16xf32>
    %swap3A_8 = vector.shape_cast %broadcast_in_dim3A_5 : vector<16xf32> to vector<16xf32>
    tpu.vector_store %arg5[%swap3A], %swap3A_8 {strides = array<i32>} : memref<128xf32, #tpu.memory_space<vmem>>, vector<16xf32>,
    %broadcast_in_dim3A_9 = arith.constant 1.000000e+00 : f32
    %broadcast_in_dim3A_10 = vector.broadcast %broadcast_in_dim3A_9 : f32 to vector<16xf32>
    %swap3A_11 = arith.constant 16 : index
    %swap3A_12 = tpu.vector_load %arg5[%swap3A_11] {strides = array<i32>} : memref<128xf32, #tpu.memory_space<vmem>>, vector<16xf32>,
    %swap3A_13 = vector.shape_cast %swap3A_12 : vector<16xf32> to vector<16xf32>
    %swap3A_14 = vector.shape_cast %broadcast_in_dim3A_10 : vector<16xf32> to vector<16xf32>
    tpu.vector_store %arg5[%swap3A_11], %swap3A_14 {strides = array<i32>} : memref<128xf32, #tpu.memory_space<vmem>>, vector<16xf32>,
    %broadcast_in_dim3A_15 = arith.constant 1.000000e+00 : f32
    %broadcast_in_dim3A_16 = vector.broadcast %broadcast_in_dim3A_15 : f32 to vector<16xf32>
    %swap3A_17 = arith.constant 32 : index
    %swap3A_18 = tpu.vector_load %arg5[%swap3A_17] {strides = array<i32>} : memref<128xf32, #tpu.memory_space<vmem>>, vector<16xf32>,
    %swap3A_19 = vector.shape_cast %swap3A_18 : vector<16xf32> to vector<16xf32>
    %swap3A_20 = vector.shape_cast %broadcast_in_dim3A_16 : vector<16xf32> to vector<16xf32>
    tpu.vector_store %arg5[%swap3A_17], %swap3A_20 {strides = array<i32>} : memref<128xf32, #tpu.memory_space<vmem>>, vector<16xf32>,
    %broadcast_in_dim3A_21 = arith.constant 1.000000e+00 : f32
    %broadcast_in_dim3A_22 = vector.broadcast %broadcast_in_dim3A_21 : f32 to vector<16xf32>
    %swap3A_23 = arith.constant 48 : index
    %swap3A_24 = tpu.vector_load %arg5[%swap3A_23] {strides = array<i32>} : memref<128xf32, #tpu.memory_space<vmem>>, vector<16xf32>,
    %swap3A_25 = vector.shape_cast %swap3A_24 : vector<16xf32> to vector<16xf32>
    %swap3A_26 = vector.shape_cast %broadcast_in_dim3A_22 : vector<16xf32> to vector<16xf32>
    tpu.vector_store %arg5[%swap3A_23], %swap3A_26 {strides = array<i32>} : memref<128xf32, #tpu.memory_space<vmem>>, vector<16xf32>,
    %broadcast_in_dim3A_27 = arith.constant 1.000000e+00 : f32
    %broadcast_in_dim3A_28 = vector.broadcast %broadcast_in_dim3A_27 : f32 to vector<16xf32>
    %swap3A_29 = arith.constant 64 : index
    %swap3A_30 = tpu.vector_load %arg5[%swap3A_29] {strides = array<i32>} : memref<128xf32, #tpu.memory_space<vmem>>, vector<16xf32>,
    %swap3A_31 = vector.shape_cast %swap3A_30 : vector<16xf32> to vector<16xf32>
    %swap3A_32 = vector.shape_cast %broadcast_in_dim3A_28 : vector<16xf32> to vector<16xf32>
    tpu.vector_store %arg5[%swap3A_29], %swap3A_32 {strides = array<i32>} : memref<128xf32, #tpu.memory_space<vmem>>, vector<16xf32>,
    %broadcast_in_dim3A_33 = arith.constant 1.000000e+00 : f32
    %broadcast_in_dim3A_34 = vector.broadcast %broadcast_in_dim3A_33 : f32 to vector<16xf32>
    %swap3A_35 = arith.constant 80 : index
    %swap3A_36 = tpu.vector_load %arg5[%swap3A_35] {strides = array<i32>} : memref<128xf32, #tpu.memory_space<vmem>>, vector<16xf32>,
    %swap3A_37 = vector.shape_cast %swap3A_36 : vector<16xf32> to vector<16xf32>
    %swap3A_38 = vector.shape_cast %broadcast_in_dim3A_34 : vector<16xf32> to vector<16xf32>
    tpu.vector_store %arg5[%swap3A_35], %swap3A_38 {strides = array<i32>} : memref<128xf32, #tpu.memory_space<vmem>>, vector<16xf32>,
    %broadcast_in_dim3A_39 = arith.constant 1.000000e+00 : f32
    %broadcast_in_dim3A_40 = vector.broadcast %broadcast_in_dim3A_39 : f32 to vector<16xf32>
    %swap3A_41 = arith.constant 96 : index
    %swap3A_42 = tpu.vector_load %arg5[%swap3A_41] {strides = array<i32>} : memref<128xf32, #tpu.memory_space<vmem>>, vector<16xf32>,
    %swap3A_43 = vector.shape_cast %swap3A_42 : vector<16xf32> to vector<16xf32>
    %swap3A_44 = vector.shape_cast %broadcast_in_dim3A_40 : vector<16xf32> to vector<16xf32>
    tpu.vector_store %arg5[%swap3A_41], %swap3A_44 {strides = array<i32>} : memref<128xf32, #tpu.memory_space<vmem>>, vector<16xf32>,
    %broadcast_in_dim3A_45 = arith.constant 1.000000e+00 : f32
    %broadcast_in_dim3A_46 = vector.broadcast %broadcast_in_dim3A_45 : f32 to vector<16xf32>
    %swap3A_47 = arith.constant 112 : index
    %swap3A_48 = tpu.vector_load %arg5[%swap3A_47] {strides = array<i32>} : memref<128xf32, #tpu.memory_space<vmem>>, vector<16xf32>,
    %swap3A_49 = vector.shape_cast %swap3A_48 : vector<16xf32> to vector<16xf32>
    %swap3A_50 = vector.shape_cast %broadcast_in_dim3A_46 : vector<16xf32> to vector<16xf32>
    tpu.vector_store %arg5[%swap3A_47], %swap3A_50 {strides = array<i32>} : memref<128xf32, #tpu.memory_space<vmem>>, vector<16xf32>,
    %mul3A = arith.constant 640 : i32
    %mul3A_51 = arith.muli %arg1, %mul3A : i32
    "tpu.region"() ({
      %run_scoped3A = tpu.sem_alloc : memref<!tpu.dma_semaphore, #tpu.memory_space<semaphore_mem>>
      %dma_start3A = tpu.memref_slice %arg7[%mul3A_51] : memref<10240xf32, #tpu.memory_space<vmem_shared>> -> memref<640xf32, #tpu.memory_space<vmem_shared>>
      %dma_start3A_70 = tpu.memref_slice %arg7[%mul3A_51] : memref<10240xf32, #tpu.memory_space<vmem_shared>> -> memref<640xf32, #tpu.memory_space<vmem_shared>>
      tpu.enqueue_dma source(%arg6 : memref<640xf32, #tpu.memory_space<vmem>>) target(%dma_start3A_70 : memref<640xf32, #tpu.memory_space<vmem_shared>>) target_semaphore(%run_scoped3A : memref<!tpu.dma_semaphore, #tpu.memory_space<semaphore_mem>>)
      %dma_wait3A = tpu.memref_slice %arg7[%mul3A_51] : memref<10240xf32, #tpu.memory_space<vmem_shared>> -> memref<640xf32, #tpu.memory_space<vmem_shared>>
      %dma_wait3A_71 = tpu.memref_slice %arg7[%mul3A_51] : memref<10240xf32, #tpu.memory_space<vmem_shared>> -> memref<640xf32, #tpu.memory_space<vmem_shared>>
      tpu.wait_dma2 semaphore(%run_scoped3A : memref<!tpu.dma_semaphore, #tpu.memory_space<semaphore_mem>>) src(%arg6 : memref<640xf32, #tpu.memory_space<vmem>>) dst(%dma_wait3A_71 : memref<640xf32, #tpu.memory_space<vmem_shared>>)
      tpu.yield
    }) : () -> ()
    "tpu.region"() ({
      %run_scoped3A = tpu.sem_alloc : memref<!tpu.dma_semaphore, #tpu.memory_space<semaphore_mem>>
      %dma_start3A = arith.constant 0 : i32
      %dma_start3A_70 = arith.constant 0 : i32
      %dma_start3A_71 = tpu.memref_slice %arg2[%arg1, %dma_start3A, %dma_start3A_70] : memref<16x159x128xi32, #tpu.memory_space<hbm>> -> memref<1x159x128xi32, #tpu.memory_space<hbm>>
      %dma_start3A_72 = tpu.memref_squeeze %dma_start3A_71 : memref<1x159x128xi32, #tpu.memory_space<hbm>> -> memref<159x128xi32, #tpu.memory_space<hbm>>
      %dma_start3A_73 = arith.constant 0 : i32
      %dma_start3A_74 = arith.constant 0 : i32
      %dma_start3A_75 = tpu.memref_slice %arg2[%arg1, %dma_start3A_73, %dma_start3A_74] : memref<16x159x128xi32, #tpu.memory_space<hbm>> -> memref<1x159x128xi32, #tpu.memory_space<hbm>>
      %dma_start3A_76 = tpu.memref_squeeze %dma_start3A_75 : memref<1x159x128xi32, #tpu.memory_space<hbm>> -> memref<159x128xi32, #tpu.memory_space<hbm>>
      tpu.enqueue_dma source(%dma_start3A_76 : memref<159x128xi32, #tpu.memory_space<hbm>>) target(%arg4 : memref<159x128xi32, #tpu.memory_space<vmem>>) target_semaphore(%run_scoped3A : memref<!tpu.dma_semaphore, #tpu.memory_space<semaphore_mem>>)
      %dma_wait3A = arith.constant 0 : i32
      %dma_wait3A_77 = arith.constant 0 : i32
      %dma_wait3A_78 = tpu.memref_slice %arg2[%arg1, %dma_wait3A, %dma_wait3A_77] : memref<16x159x128xi32, #tpu.memory_space<hbm>> -> memref<1x159x128xi32, #tpu.memory_space<hbm>>
      %dma_wait3A_79 = tpu.memref_squeeze %dma_wait3A_78 : memref<1x159x128xi32, #tpu.memory_space<hbm>> -> memref<159x128xi32, #tpu.memory_space<hbm>>
      %dma_wait3A_80 = arith.constant 0 : i32
      %dma_wait3A_81 = arith.constant 0 : i32
      %dma_wait3A_82 = tpu.memref_slice %arg2[%arg1, %dma_wait3A_80, %dma_wait3A_81] : memref<16x159x128xi32, #tpu.memory_space<hbm>> -> memref<1x159x128xi32, #tpu.memory_space<hbm>>
      %dma_wait3A_83 = tpu.memref_squeeze %dma_wait3A_82 : memref<1x159x128xi32, #tpu.memory_space<hbm>> -> memref<159x128xi32, #tpu.memory_space<hbm>>
      tpu.wait_dma2 semaphore(%run_scoped3A : memref<!tpu.dma_semaphore, #tpu.memory_space<semaphore_mem>>) src(%dma_wait3A_83 : memref<159x128xi32, #tpu.memory_space<hbm>>) dst(%arg4 : memref<159x128xi32, #tpu.memory_space<vmem>>)
      tpu.yield
    }) : () -> ()
    %barrier3A = arith.constant 0 : index
    tpu.barrier barrier_id(%barrier3A)
    %mul3A_52 = arith.constant 80 : i32
    %mul3A_53 = arith.muli %arg0, %mul3A_52 : i32
    %mul3A_54 = arith.constant 79 : i32
    %mul3A_55 = arith.muli %arg0, %mul3A_54 : i32
    %add3A = arith.constant 80 : i32
    %add3A_56 = arith.addi %add3A, %mul3A_55 : i32
    %while3A = arith.constant 0 : i32
    %while3A_57 = arith.subi %add3A_56, %mul3A_53 : i32
    %while3A_58 = arith.addi %mul3A_53, %while3A_57 : i32
    %while3A_59 = arith.constant 1 : i32
    %while3A_60 = arith.divsi %while3A_57, %while3A_59 : i32
    %while3A_61 = arith.muli %while3A_60, %while3A_59 : i32
    %while3A_62 = arith.addi %mul3A_53, %while3A_61 : i32
    %while3A_63 = arith.constant 1 : i32
    scf.for %while3A_70 = %mul3A_53 to %while3A_62 step %while3A_63  : i32 {
      "tpu.region"() ({
        %run_scoped3A = tpu.sem_alloc : memref<!tpu.dma_semaphore, #tpu.memory_space<semaphore_mem>>
        %dma_start3A = arith.constant 0 : i32
        %dma_start3A_71 = tpu.memref_slice %arg4[%while3A_70, %dma_start3A] : memref<159x128xi32, #tpu.memory_space<vmem>> -> memref<1x128xi32, #tpu.memory_space<vmem>>
        %dma_start3A_72 = tpu.memref_squeeze %dma_start3A_71 : memref<1x128xi32, #tpu.memory_space<vmem>> -> memref<128xi32, #tpu.memory_space<vmem>>
        %dma_start3A_73 = arith.constant 0 : i32
        %dma_start3A_74 = tpu.memref_slice %arg7[%dma_start3A_73] : memref<10240xf32, #tpu.memory_space<vmem_shared>> -> memref<10240xf32, #tpu.memory_space<vmem_shared>>
        tpu.enqueue_indirect_dma source(%arg5 : memref<128xf32, #tpu.memory_space<vmem>>) target(%dma_start3A_74 : memref<10240xf32, #tpu.memory_space<vmem_shared>>) offsets(%dma_start3A_72 : memref<128xi32, #tpu.memory_space<vmem>>) semaphore(%run_scoped3A : memref<!tpu.dma_semaphore, #tpu.memory_space<semaphore_mem>>) {add = true}
        %dma_wait3A = arith.constant 0 : i32
        %dma_wait3A_75 = tpu.memref_slice %arg4[%while3A_70, %dma_wait3A] : memref<159x128xi32, #tpu.memory_space<vmem>> -> memref<1x128xi32, #tpu.memory_space<vmem>>
        %dma_wait3A_76 = tpu.memref_squeeze %dma_wait3A_75 : memref<1x128xi32, #tpu.memory_space<vmem>> -> memref<128xi32, #tpu.memory_space<vmem>>
        %dma_wait3A_77 = arith.constant 0 : i32
        %dma_wait3A_78 = tpu.memref_slice %arg7[%dma_wait3A_77] : memref<10240xf32, #tpu.memory_space<vmem_shared>> -> memref<10240xf32, #tpu.memory_space<vmem_shared>>
        tpu.wait_indirect_dma semaphore(%run_scoped3A : memref<!tpu.dma_semaphore, #tpu.memory_space<semaphore_mem>>) src(%arg5 : memref<128xf32, #tpu.memory_space<vmem>>) dst(%dma_wait3A_78 : memref<10240xf32, #tpu.memory_space<vmem_shared>>)
        tpu.yield
      }) : () -> ()
    }
    %while3A_64 = arith.constant 1 : i32
    scf.for %while3A_70 = %while3A_62 to %while3A_58 step %while3A_64  : i32 {
      "tpu.region"() ({
        %run_scoped3A = tpu.sem_alloc : memref<!tpu.dma_semaphore, #tpu.memory_space<semaphore_mem>>
        %dma_start3A = arith.constant 0 : i32
        %dma_start3A_71 = tpu.memref_slice %arg4[%while3A_70, %dma_start3A] : memref<159x128xi32, #tpu.memory_space<vmem>> -> memref<1x128xi32, #tpu.memory_space<vmem>>
        %dma_start3A_72 = tpu.memref_squeeze %dma_start3A_71 : memref<1x128xi32, #tpu.memory_space<vmem>> -> memref<128xi32, #tpu.memory_space<vmem>>
        %dma_start3A_73 = arith.constant 0 : i32
        %dma_start3A_74 = tpu.memref_slice %arg7[%dma_start3A_73] : memref<10240xf32, #tpu.memory_space<vmem_shared>> -> memref<10240xf32, #tpu.memory_space<vmem_shared>>
        tpu.enqueue_indirect_dma source(%arg5 : memref<128xf32, #tpu.memory_space<vmem>>) target(%dma_start3A_74 : memref<10240xf32, #tpu.memory_space<vmem_shared>>) offsets(%dma_start3A_72 : memref<128xi32, #tpu.memory_space<vmem>>) semaphore(%run_scoped3A : memref<!tpu.dma_semaphore, #tpu.memory_space<semaphore_mem>>) {add = true}
        %dma_wait3A = arith.constant 0 : i32
        %dma_wait3A_75 = tpu.memref_slice %arg4[%while3A_70, %dma_wait3A] : memref<159x128xi32, #tpu.memory_space<vmem>> -> memref<1x128xi32, #tpu.memory_space<vmem>>
        %dma_wait3A_76 = tpu.memref_squeeze %dma_wait3A_75 : memref<1x128xi32, #tpu.memory_space<vmem>> -> memref<128xi32, #tpu.memory_space<vmem>>
        %dma_wait3A_77 = arith.constant 0 : i32
        %dma_wait3A_78 = tpu.memref_slice %arg7[%dma_wait3A_77] : memref<10240xf32, #tpu.memory_space<vmem_shared>> -> memref<10240xf32, #tpu.memory_space<vmem_shared>>
        tpu.wait_indirect_dma semaphore(%run_scoped3A : memref<!tpu.dma_semaphore, #tpu.memory_space<semaphore_mem>>) src(%arg5 : memref<128xf32, #tpu.memory_space<vmem>>) dst(%dma_wait3A_78 : memref<10240xf32, #tpu.memory_space<vmem_shared>>)
        tpu.yield
      }) : () -> ()
    }
    %barrier3A_65 = arith.constant 0 : index
    tpu.barrier barrier_id(%barrier3A_65)
    %mul3A_66 = arith.constant 640 : i32
    %mul3A_67 = arith.muli %arg1, %mul3A_66 : i32
    %mul3A_68 = arith.constant 640 : i32
    %mul3A_69 = arith.muli %arg1, %mul3A_68 : i32
    "tpu.region"() ({
      %run_scoped3A = tpu.sem_alloc : memref<!tpu.dma_semaphore, #tpu.memory_space<semaphore_mem>>
      %dma_start3A = tpu.memref_slice %arg3[%arg0, %mul3A_69] : memref<2x10240xf32, #tpu.memory_space<hbm>> -> memref<1x640xf32, #tpu.memory_space<hbm>>
      %dma_start3A_70 = tpu.memref_squeeze %dma_start3A : memref<1x640xf32, #tpu.memory_space<hbm>> -> memref<640xf32, #tpu.memory_space<hbm>>
      %dma_start3A_71 = tpu.memref_slice %arg7[%mul3A_67] : memref<10240xf32, #tpu.memory_space<vmem_shared>> -> memref<640xf32, #tpu.memory_space<vmem_shared>>
      tpu.enqueue_dma source(%dma_start3A_71 : memref<640xf32, #tpu.memory_space<vmem_shared>>) target(%dma_start3A_70 : memref<640xf32, #tpu.memory_space<hbm>>) target_semaphore(%run_scoped3A : memref<!tpu.dma_semaphore, #tpu.memory_space<semaphore_mem>>)
      %dma_wait3A = tpu.memref_slice %arg3[%arg0, %mul3A_69] : memref<2x10240xf32, #tpu.memory_space<hbm>> -> memref<1x640xf32, #tpu.memory_space<hbm>>
      %dma_wait3A_72 = tpu.memref_squeeze %dma_wait3A : memref<1x640xf32, #tpu.memory_space<hbm>> -> memref<640xf32, #tpu.memory_space<hbm>>
      %dma_wait3A_73 = tpu.memref_slice %arg7[%mul3A_67] : memref<10240xf32, #tpu.memory_space<vmem_shared>> -> memref<640xf32, #tpu.memory_space<vmem_shared>>
      tpu.wait_dma2 semaphore(%run_scoped3A : memref<!tpu.dma_semaphore, #tpu.memory_space<semaphore_mem>>) src(%dma_wait3A_73 : memref<640xf32, #tpu.memory_space<vmem_shared>>) dst(%dma_wait3A_72 : memref<640xf32, #tpu.memory_space<hbm>>)
      tpu.yield
    }) : () -> ()
    return
  }
}

#map = affine_map<(d0, d1) -> (0, 0)>
#map1 = affine_map<(d0, d1) -> (0, 0, 0, 0)>
#map2 = affine_map<(d0, d1) -> (0, 0, 0)>
module attributes {stable_mosaic.version = 14 : i64} {
  func.func @_agg_body(%arg0: i32, %arg1: i32, %arg2: memref<20480x32xf32, #tpu.memory_space<hbm>>, %arg3: memref<2x16x159x128xi32, #tpu.memory_space<hbm>>, %arg4: memref<16x159x128xi32, #tpu.memory_space<hbm>>, %arg5: memref<2x10240x32xf32, #tpu.memory_space<hbm>>, %arg6: memref<159x128xi32, #tpu.memory_space<vmem>>, %arg7: memref<159x128xi32, #tpu.memory_space<vmem>>, %arg8: memref<128x32xf32, #tpu.memory_space<vmem>>, %arg9: memref<128x32xf32, #tpu.memory_space<vmem>>, %arg10: memref<128x32xf32, #tpu.memory_space<vmem>>, %arg11: memref<64x32xf32, #tpu.memory_space<vmem>>, %arg12: memref<10240x32xf32, #tpu.memory_space<vmem_shared>>, %arg13: memref<!tpu.dma_semaphore, #tpu.memory_space<semaphore_mem>>, %arg14: memref<!tpu.dma_semaphore, #tpu.memory_space<semaphore_mem>>, %arg15: memref<!tpu.dma_semaphore, #tpu.memory_space<semaphore_mem>>, %arg16: memref<!tpu.dma_semaphore, #tpu.memory_space<semaphore_mem>>, %arg17: memref<!tpu.dma_semaphore, #tpu.memory_space<semaphore_mem>>, %arg18: memref<!tpu.dma_semaphore, #tpu.memory_space<semaphore_mem>>) attributes {dimension_semantics = [#tpu.dimension_semantics<core_parallel>, #tpu.dimension_semantics<subcore_parallel>], iteration_bounds = array<i64: 2, 16>, scalar_prefetch = 0 : i64, scratch_operands = 13 : i64, tpu.core_type = #tpu.core_type<sc_vector_subcore>, window_params = [{transform_indices = #map}, {transform_indices = #map1}, {transform_indices = #map2}, {transform_indices = #map2}]} {
    %scan3A = arith.constant 0 : i32
    %scan3A_0 = arith.constant 0 : i32
    %scan3A_1 = arith.constant 64 : i32
    %scan3A_2 = arith.addi %scan3A_0, %scan3A_1 : i32
    %scan3A_3 = arith.constant 1 : i32
    scf.for %scan3A_55 = %scan3A_0 to %scan3A_2 step %scan3A_3  : i32 {
      %broadcast_in_dim3A = arith.constant 0.000000e+00 : f32
      %broadcast_in_dim3A_56 = vector.broadcast %broadcast_in_dim3A : f32 to vector<16xf32>
      %swap3A = arith.index_cast %scan3A_55 : i32 to index
      %swap3A_57 = arith.constant 0 : index
      %swap3A_58 = tpu.vector_load %arg11[%swap3A, %swap3A_57] {strides = array<i32>} : memref<64x32xf32, #tpu.memory_space<vmem>>, vector<1x16xf32>,
      %swap3A_59 = vector.shape_cast %swap3A_58 : vector<1x16xf32> to vector<16xf32>
      %swap3A_60 = vector.shape_cast %broadcast_in_dim3A_56 : vector<16xf32> to vector<1x16xf32>
      tpu.vector_store %arg11[%swap3A, %swap3A_57], %swap3A_60 {strides = array<i32>} : memref<64x32xf32, #tpu.memory_space<vmem>>, vector<1x16xf32>,
      %broadcast_in_dim3A_61 = arith.constant 0.000000e+00 : f32
      %broadcast_in_dim3A_62 = vector.broadcast %broadcast_in_dim3A_61 : f32 to vector<16xf32>
      %swap3A_63 = arith.index_cast %scan3A_55 : i32 to index
      %swap3A_64 = arith.constant 16 : index
      %swap3A_65 = tpu.vector_load %arg11[%swap3A_63, %swap3A_64] {strides = array<i32>} : memref<64x32xf32, #tpu.memory_space<vmem>>, vector<1x16xf32>,
      %swap3A_66 = vector.shape_cast %swap3A_65 : vector<1x16xf32> to vector<16xf32>
      %swap3A_67 = vector.shape_cast %broadcast_in_dim3A_62 : vector<16xf32> to vector<1x16xf32>
      tpu.vector_store %arg11[%swap3A_63, %swap3A_64], %swap3A_67 {strides = array<i32>} : memref<64x32xf32, #tpu.memory_space<vmem>>, vector<1x16xf32>,
    }
    %scan3A_4 = arith.constant 64 : i32
    "tpu.region"() ({
      %run_scoped3A = tpu.sem_alloc : memref<!tpu.dma_semaphore, #tpu.memory_space<semaphore_mem>>
      %dma_start3A_55 = arith.constant 0 : i32
      %dma_start3A_56 = arith.constant 0 : i32
      %dma_start3A_57 = tpu.memref_slice %arg3[%arg0, %arg1, %dma_start3A_55, %dma_start3A_56] : memref<2x16x159x128xi32, #tpu.memory_space<hbm>> -> memref<1x1x159x128xi32, #tpu.memory_space<hbm>>
      %dma_start3A_58 = tpu.memref_squeeze %dma_start3A_57 : memref<1x1x159x128xi32, #tpu.memory_space<hbm>> -> memref<159x128xi32, #tpu.memory_space<hbm>>
      %dma_start3A_59 = arith.constant 0 : i32
      %dma_start3A_60 = arith.constant 0 : i32
      %dma_start3A_61 = tpu.memref_slice %arg3[%arg0, %arg1, %dma_start3A_59, %dma_start3A_60] : memref<2x16x159x128xi32, #tpu.memory_space<hbm>> -> memref<1x1x159x128xi32, #tpu.memory_space<hbm>>
      %dma_start3A_62 = tpu.memref_squeeze %dma_start3A_61 : memref<1x1x159x128xi32, #tpu.memory_space<hbm>> -> memref<159x128xi32, #tpu.memory_space<hbm>>
      tpu.enqueue_dma source(%dma_start3A_62 : memref<159x128xi32, #tpu.memory_space<hbm>>) target(%arg6 : memref<159x128xi32, #tpu.memory_space<vmem>>) target_semaphore(%run_scoped3A : memref<!tpu.dma_semaphore, #tpu.memory_space<semaphore_mem>>)
      %dma_wait3A_63 = arith.constant 0 : i32
      %dma_wait3A_64 = arith.constant 0 : i32
      %dma_wait3A_65 = tpu.memref_slice %arg3[%arg0, %arg1, %dma_wait3A_63, %dma_wait3A_64] : memref<2x16x159x128xi32, #tpu.memory_space<hbm>> -> memref<1x1x159x128xi32, #tpu.memory_space<hbm>>
      %dma_wait3A_66 = tpu.memref_squeeze %dma_wait3A_65 : memref<1x1x159x128xi32, #tpu.memory_space<hbm>> -> memref<159x128xi32, #tpu.memory_space<hbm>>
      %dma_wait3A_67 = arith.constant 0 : i32
      %dma_wait3A_68 = arith.constant 0 : i32
      %dma_wait3A_69 = tpu.memref_slice %arg3[%arg0, %arg1, %dma_wait3A_67, %dma_wait3A_68] : memref<2x16x159x128xi32, #tpu.memory_space<hbm>> -> memref<1x1x159x128xi32, #tpu.memory_space<hbm>>
      %dma_wait3A_70 = tpu.memref_squeeze %dma_wait3A_69 : memref<1x1x159x128xi32, #tpu.memory_space<hbm>> -> memref<159x128xi32, #tpu.memory_space<hbm>>
      tpu.wait_dma2 semaphore(%run_scoped3A : memref<!tpu.dma_semaphore, #tpu.memory_space<semaphore_mem>>) src(%dma_wait3A_70 : memref<159x128xi32, #tpu.memory_space<hbm>>) dst(%arg6 : memref<159x128xi32, #tpu.memory_space<vmem>>)
      tpu.yield
    }) : () -> ()
    "tpu.region"() ({
      %run_scoped3A = tpu.sem_alloc : memref<!tpu.dma_semaphore, #tpu.memory_space<semaphore_mem>>
      %dma_start3A_55 = arith.constant 0 : i32
      %dma_start3A_56 = arith.constant 0 : i32
      %dma_start3A_57 = tpu.memref_slice %arg4[%arg1, %dma_start3A_55, %dma_start3A_56] : memref<16x159x128xi32, #tpu.memory_space<hbm>> -> memref<1x159x128xi32, #tpu.memory_space<hbm>>
      %dma_start3A_58 = tpu.memref_squeeze %dma_start3A_57 : memref<1x159x128xi32, #tpu.memory_space<hbm>> -> memref<159x128xi32, #tpu.memory_space<hbm>>
      %dma_start3A_59 = arith.constant 0 : i32
      %dma_start3A_60 = arith.constant 0 : i32
      %dma_start3A_61 = tpu.memref_slice %arg4[%arg1, %dma_start3A_59, %dma_start3A_60] : memref<16x159x128xi32, #tpu.memory_space<hbm>> -> memref<1x159x128xi32, #tpu.memory_space<hbm>>
      %dma_start3A_62 = tpu.memref_squeeze %dma_start3A_61 : memref<1x159x128xi32, #tpu.memory_space<hbm>> -> memref<159x128xi32, #tpu.memory_space<hbm>>
      tpu.enqueue_dma source(%dma_start3A_62 : memref<159x128xi32, #tpu.memory_space<hbm>>) target(%arg7 : memref<159x128xi32, #tpu.memory_space<vmem>>) target_semaphore(%run_scoped3A : memref<!tpu.dma_semaphore, #tpu.memory_space<semaphore_mem>>)
      %dma_wait3A_63 = arith.constant 0 : i32
      %dma_wait3A_64 = arith.constant 0 : i32
      %dma_wait3A_65 = tpu.memref_slice %arg4[%arg1, %dma_wait3A_63, %dma_wait3A_64] : memref<16x159x128xi32, #tpu.memory_space<hbm>> -> memref<1x159x128xi32, #tpu.memory_space<hbm>>
      %dma_wait3A_66 = tpu.memref_squeeze %dma_wait3A_65 : memref<1x159x128xi32, #tpu.memory_space<hbm>> -> memref<159x128xi32, #tpu.memory_space<hbm>>
      %dma_wait3A_67 = arith.constant 0 : i32
      %dma_wait3A_68 = arith.constant 0 : i32
      %dma_wait3A_69 = tpu.memref_slice %arg4[%arg1, %dma_wait3A_67, %dma_wait3A_68] : memref<16x159x128xi32, #tpu.memory_space<hbm>> -> memref<1x159x128xi32, #tpu.memory_space<hbm>>
      %dma_wait3A_70 = tpu.memref_squeeze %dma_wait3A_69 : memref<1x159x128xi32, #tpu.memory_space<hbm>> -> memref<159x128xi32, #tpu.memory_space<hbm>>
      tpu.wait_dma2 semaphore(%run_scoped3A : memref<!tpu.dma_semaphore, #tpu.memory_space<semaphore_mem>>) src(%dma_wait3A_70 : memref<159x128xi32, #tpu.memory_space<hbm>>) dst(%arg7 : memref<159x128xi32, #tpu.memory_space<vmem>>)
      tpu.yield
    }) : () -> ()
    %dma_start3A = arith.constant 0 : i32
    %dma_start3A_5 = arith.constant 0 : i32
    %dma_start3A_6 = tpu.memref_slice %arg6[%dma_start3A, %dma_start3A_5] : memref<159x128xi32, #tpu.memory_space<vmem>> -> memref<1x128xi32, #tpu.memory_space<vmem>>
    %dma_start3A_7 = tpu.memref_squeeze %dma_start3A_6 : memref<1x128xi32, #tpu.memory_space<vmem>> -> memref<128xi32, #tpu.memory_space<vmem>>
    %dma_start3A_8 = arith.constant 0 : i32
    %dma_start3A_9 = arith.constant 0 : i32
    %dma_start3A_10 = tpu.memref_slice %arg2[%dma_start3A_8, %dma_start3A_9] : memref<20480x32xf32, #tpu.memory_space<hbm>> -> memref<20480x32xf32, #tpu.memory_space<hbm>>
    tpu.enqueue_indirect_dma source(%dma_start3A_10 : memref<20480x32xf32, #tpu.memory_space<hbm>>) target(%arg8 : memref<128x32xf32, #tpu.memory_space<vmem>>) offsets(%dma_start3A_7 : memref<128xi32, #tpu.memory_space<vmem>>) semaphore(%arg13 : memref<!tpu.dma_semaphore, #tpu.memory_space<semaphore_mem>>)
    %dma_start3A_11 = arith.constant 1 : i32
    %dma_start3A_12 = arith.constant 0 : i32
    %dma_start3A_13 = tpu.memref_slice %arg6[%dma_start3A_11, %dma_start3A_12] : memref<159x128xi32, #tpu.memory_space<vmem>> -> memref<1x128xi32, #tpu.memory_space<vmem>>
    %dma_start3A_14 = tpu.memref_squeeze %dma_start3A_13 : memref<1x128xi32, #tpu.memory_space<vmem>> -> memref<128xi32, #tpu.memory_space<vmem>>
    %dma_start3A_15 = arith.constant 0 : i32
    %dma_start3A_16 = arith.constant 0 : i32
    %dma_start3A_17 = tpu.memref_slice %arg2[%dma_start3A_15, %dma_start3A_16] : memref<20480x32xf32, #tpu.memory_space<hbm>> -> memref<20480x32xf32, #tpu.memory_space<hbm>>
    tpu.enqueue_indirect_dma source(%dma_start3A_17 : memref<20480x32xf32, #tpu.memory_space<hbm>>) target(%arg9 : memref<128x32xf32, #tpu.memory_space<vmem>>) offsets(%dma_start3A_14 : memref<128xi32, #tpu.memory_space<vmem>>) semaphore(%arg14 : memref<!tpu.dma_semaphore, #tpu.memory_space<semaphore_mem>>)
    %scan3A_18 = arith.constant 0 : i32
    %scan3A_19 = arith.constant 0 : i32
    %scan3A_20 = arith.constant 10 : i32
    %scan3A_21 = arith.addi %scan3A_19, %scan3A_20 : i32
    %scan3A_22 = arith.constant 1 : i32
    scf.for %scan3A_55 = %scan3A_19 to %scan3A_21 step %scan3A_22  : i32 {
      %mul3A_56 = arith.constant 640 : i32
      %mul3A_57 = arith.muli %arg1, %mul3A_56 : i32
      %mul3A_58 = arith.constant 64 : i32
      %mul3A_59 = arith.muli %scan3A_55, %mul3A_58 : i32
      %add3A_60 = arith.addi %mul3A_57, %mul3A_59 : i32
      "tpu.region"() ({
        %run_scoped3A = tpu.sem_alloc : memref<!tpu.dma_semaphore, #tpu.memory_space<semaphore_mem>>
        %dma_start3A_61 = arith.constant 0 : i32
        %dma_start3A_62 = tpu.memref_slice %arg12[%add3A_60, %dma_start3A_61] : memref<10240x32xf32, #tpu.memory_space<vmem_shared>> -> memref<64x32xf32, #tpu.memory_space<vmem_shared>>
        %dma_start3A_63 = arith.constant 0 : i32
        %dma_start3A_64 = tpu.memref_slice %arg12[%add3A_60, %dma_start3A_63] : memref<10240x32xf32, #tpu.memory_space<vmem_shared>> -> memref<64x32xf32, #tpu.memory_space<vmem_shared>>
        tpu.enqueue_dma source(%arg11 : memref<64x32xf32, #tpu.memory_space<vmem>>) target(%dma_start3A_64 : memref<64x32xf32, #tpu.memory_space<vmem_shared>>) target_semaphore(%run_scoped3A : memref<!tpu.dma_semaphore, #tpu.memory_space<semaphore_mem>>)
        %dma_wait3A_65 = arith.constant 0 : i32
        %dma_wait3A_66 = tpu.memref_slice %arg12[%add3A_60, %dma_wait3A_65] : memref<10240x32xf32, #tpu.memory_space<vmem_shared>> -> memref<64x32xf32, #tpu.memory_space<vmem_shared>>
        %dma_wait3A_67 = arith.constant 0 : i32
        %dma_wait3A_68 = tpu.memref_slice %arg12[%add3A_60, %dma_wait3A_67] : memref<10240x32xf32, #tpu.memory_space<vmem_shared>> -> memref<64x32xf32, #tpu.memory_space<vmem_shared>>
        tpu.wait_dma2 semaphore(%run_scoped3A : memref<!tpu.dma_semaphore, #tpu.memory_space<semaphore_mem>>) src(%arg11 : memref<64x32xf32, #tpu.memory_space<vmem>>) dst(%dma_wait3A_68 : memref<64x32xf32, #tpu.memory_space<vmem_shared>>)
        tpu.yield
      }) : () -> ()
    }
    %scan3A_23 = arith.constant 10 : i32
    %barrier3A = arith.constant 0 : index
    tpu.barrier barrier_id(%barrier3A)
    %scan3A_24 = arith.constant 0 : i32
    %scan3A_25 = arith.constant 0 : i32
    %scan3A_26 = arith.constant 53 : i32
    %scan3A_27 = arith.addi %scan3A_25, %scan3A_26 : i32
    %scan3A_28 = arith.constant 1 : i32
    scf.for %scan3A_55 = %scan3A_25 to %scan3A_27 step %scan3A_28  : i32 {
      %mul3A_56 = arith.constant 3 : i32
      %mul3A_57 = arith.muli %scan3A_55, %mul3A_56 : i32
      %add3A_58 = arith.constant 0 : i32
      %add3A_59 = arith.addi %mul3A_57, %add3A_58 : i32
      %dma_wait3A_60 = arith.constant 0 : i32
      %dma_wait3A_61 = tpu.memref_slice %arg6[%add3A_59, %dma_wait3A_60] : memref<159x128xi32, #tpu.memory_space<vmem>> -> memref<1x128xi32, #tpu.memory_space<vmem>>
      %dma_wait3A_62 = tpu.memref_squeeze %dma_wait3A_61 : memref<1x128xi32, #tpu.memory_space<vmem>> -> memref<128xi32, #tpu.memory_space<vmem>>
      %dma_wait3A_63 = arith.constant 0 : i32
      %dma_wait3A_64 = arith.constant 0 : i32
      %dma_wait3A_65 = tpu.memref_slice %arg2[%dma_wait3A_63, %dma_wait3A_64] : memref<20480x32xf32, #tpu.memory_space<hbm>> -> memref<20480x32xf32, #tpu.memory_space<hbm>>
      tpu.wait_indirect_dma semaphore(%arg13 : memref<!tpu.dma_semaphore, #tpu.memory_space<semaphore_mem>>) src(%dma_wait3A_65 : memref<20480x32xf32, #tpu.memory_space<hbm>>) dst(%arg8 : memref<128x32xf32, #tpu.memory_space<vmem>>)
      %dma_start3A_66 = arith.constant 0 : i32
      %dma_start3A_67 = tpu.memref_slice %arg7[%add3A_59, %dma_start3A_66] : memref<159x128xi32, #tpu.memory_space<vmem>> -> memref<1x128xi32, #tpu.memory_space<vmem>>
      %dma_start3A_68 = tpu.memref_squeeze %dma_start3A_67 : memref<1x128xi32, #tpu.memory_space<vmem>> -> memref<128xi32, #tpu.memory_space<vmem>>
      %dma_start3A_69 = arith.constant 0 : i32
      %dma_start3A_70 = arith.constant 0 : i32
      %dma_start3A_71 = tpu.memref_slice %arg12[%dma_start3A_69, %dma_start3A_70] : memref<10240x32xf32, #tpu.memory_space<vmem_shared>> -> memref<10240x32xf32, #tpu.memory_space<vmem_shared>>
      tpu.enqueue_indirect_dma source(%arg8 : memref<128x32xf32, #tpu.memory_space<vmem>>) target(%dma_start3A_71 : memref<10240x32xf32, #tpu.memory_space<vmem_shared>>) offsets(%dma_start3A_68 : memref<128xi32, #tpu.memory_space<vmem>>) semaphore(%arg16 : memref<!tpu.dma_semaphore, #tpu.memory_space<semaphore_mem>>) {add = true}
      %gt3A = arith.constant 0 : i32
      %gt3A_72 = arith.cmpi sgt, %scan3A_55, %gt3A : i32
      %convert_element_type3A = arith.extui %gt3A_72 : i1 to i32
      %cond3A = arith.constant 0 : i32
      %cond3A_73 = arith.cmpi ne, %convert_element_type3A, %cond3A : i32
      scf.if %cond3A_73 {
        %mul3A_123 = arith.constant 3 : i32
        %mul3A_124 = arith.muli %scan3A_55, %mul3A_123 : i32
        %sub3A = arith.constant 1 : i32
        %sub3A_125 = arith.subi %mul3A_124, %sub3A : i32
        %dma_wait3A_126 = arith.constant 0 : i32
        %dma_wait3A_127 = tpu.memref_slice %arg7[%sub3A_125, %dma_wait3A_126] : memref<159x128xi32, #tpu.memory_space<vmem>> -> memref<1x128xi32, #tpu.memory_space<vmem>>
        %dma_wait3A_128 = tpu.memref_squeeze %dma_wait3A_127 : memref<1x128xi32, #tpu.memory_space<vmem>> -> memref<128xi32, #tpu.memory_space<vmem>>
        %dma_wait3A_129 = arith.constant 0 : i32
        %dma_wait3A_130 = arith.constant 0 : i32
        %dma_wait3A_131 = tpu.memref_slice %arg12[%dma_wait3A_129, %dma_wait3A_130] : memref<10240x32xf32, #tpu.memory_space<vmem_shared>> -> memref<10240x32xf32, #tpu.memory_space<vmem_shared>>
        tpu.wait_indirect_dma semaphore(%arg18 : memref<!tpu.dma_semaphore, #tpu.memory_space<semaphore_mem>>) src(%arg10 : memref<128x32xf32, #tpu.memory_space<vmem>>) dst(%dma_wait3A_131 : memref<10240x32xf32, #tpu.memory_space<vmem_shared>>)
      } else {
      }
      %add3A_74 = arith.constant 2 : i32
      %add3A_75 = arith.addi %add3A_59, %add3A_74 : i32
      %dma_start3A_76 = arith.constant 0 : i32
      %dma_start3A_77 = tpu.memref_slice %arg6[%add3A_75, %dma_start3A_76] : memref<159x128xi32, #tpu.memory_space<vmem>> -> memref<1x128xi32, #tpu.memory_space<vmem>>
      %dma_start3A_78 = tpu.memref_squeeze %dma_start3A_77 : memref<1x128xi32, #tpu.memory_space<vmem>> -> memref<128xi32, #tpu.memory_space<vmem>>
      %dma_start3A_79 = arith.constant 0 : i32
      %dma_start3A_80 = arith.constant 0 : i32
      %dma_start3A_81 = tpu.memref_slice %arg2[%dma_start3A_79, %dma_start3A_80] : memref<20480x32xf32, #tpu.memory_space<hbm>> -> memref<20480x32xf32, #tpu.memory_space<hbm>>
      tpu.enqueue_indirect_dma source(%dma_start3A_81 : memref<20480x32xf32, #tpu.memory_space<hbm>>) target(%arg10 : memref<128x32xf32, #tpu.memory_space<vmem>>) offsets(%dma_start3A_78 : memref<128xi32, #tpu.memory_space<vmem>>) semaphore(%arg15 : memref<!tpu.dma_semaphore, #tpu.memory_space<semaphore_mem>>)
      %mul3A_82 = arith.constant 3 : i32
      %mul3A_83 = arith.muli %scan3A_55, %mul3A_82 : i32
      %add3A_84 = arith.constant 1 : i32
      %add3A_85 = arith.addi %mul3A_83, %add3A_84 : i32
      %dma_wait3A_86 = arith.constant 0 : i32
      %dma_wait3A_87 = tpu.memref_slice %arg6[%add3A_85, %dma_wait3A_86] : memref<159x128xi32, #tpu.memory_space<vmem>> -> memref<1x128xi32, #tpu.memory_space<vmem>>
      %dma_wait3A_88 = tpu.memref_squeeze %dma_wait3A_87 : memref<1x128xi32, #tpu.memory_space<vmem>> -> memref<128xi32, #tpu.memory_space<vmem>>
      %dma_wait3A_89 = arith.constant 0 : i32
      %dma_wait3A_90 = arith.constant 0 : i32
      %dma_wait3A_91 = tpu.memref_slice %arg2[%dma_wait3A_89, %dma_wait3A_90] : memref<20480x32xf32, #tpu.memory_space<hbm>> -> memref<20480x32xf32, #tpu.memory_space<hbm>>
      tpu.wait_indirect_dma semaphore(%arg14 : memref<!tpu.dma_semaphore, #tpu.memory_space<semaphore_mem>>) src(%dma_wait3A_91 : memref<20480x32xf32, #tpu.memory_space<hbm>>) dst(%arg9 : memref<128x32xf32, #tpu.memory_space<vmem>>)
      %dma_start3A_92 = arith.constant 0 : i32
      %dma_start3A_93 = tpu.memref_slice %arg7[%add3A_85, %dma_start3A_92] : memref<159x128xi32, #tpu.memory_space<vmem>> -> memref<1x128xi32, #tpu.memory_space<vmem>>
      %dma_start3A_94 = tpu.memref_squeeze %dma_start3A_93 : memref<1x128xi32, #tpu.memory_space<vmem>> -> memref<128xi32, #tpu.memory_space<vmem>>
      %dma_start3A_95 = arith.constant 0 : i32
      %dma_start3A_96 = arith.constant 0 : i32
      %dma_start3A_97 = tpu.memref_slice %arg12[%dma_start3A_95, %dma_start3A_96] : memref<10240x32xf32, #tpu.memory_space<vmem_shared>> -> memref<10240x32xf32, #tpu.memory_space<vmem_shared>>
      tpu.enqueue_indirect_dma source(%arg9 : memref<128x32xf32, #tpu.memory_space<vmem>>) target(%dma_start3A_97 : memref<10240x32xf32, #tpu.memory_space<vmem_shared>>) offsets(%dma_start3A_94 : memref<128xi32, #tpu.memory_space<vmem>>) semaphore(%arg17 : memref<!tpu.dma_semaphore, #tpu.memory_space<semaphore_mem>>) {add = true}
      %lt3A = arith.constant 52 : i32
      %lt3A_98 = arith.cmpi slt, %scan3A_55, %lt3A : i32
      %convert_element_type3A_99 = arith.extui %lt3A_98 : i1 to i32
      %cond3A_100 = arith.constant 0 : i32
      %cond3A_101 = arith.cmpi ne, %convert_element_type3A_99, %cond3A_100 : i32
      scf.if %cond3A_101 {
        %sub3A = arith.constant 1 : i32
        %sub3A_123 = arith.subi %add3A_85, %sub3A : i32
        %dma_wait3A_124 = arith.constant 0 : i32
        %dma_wait3A_125 = tpu.memref_slice %arg7[%sub3A_123, %dma_wait3A_124] : memref<159x128xi32, #tpu.memory_space<vmem>> -> memref<1x128xi32, #tpu.memory_space<vmem>>
        %dma_wait3A_126 = tpu.memref_squeeze %dma_wait3A_125 : memref<1x128xi32, #tpu.memory_space<vmem>> -> memref<128xi32, #tpu.memory_space<vmem>>
        %dma_wait3A_127 = arith.constant 0 : i32
        %dma_wait3A_128 = arith.constant 0 : i32
        %dma_wait3A_129 = tpu.memref_slice %arg12[%dma_wait3A_127, %dma_wait3A_128] : memref<10240x32xf32, #tpu.memory_space<vmem_shared>> -> memref<10240x32xf32, #tpu.memory_space<vmem_shared>>
        tpu.wait_indirect_dma semaphore(%arg16 : memref<!tpu.dma_semaphore, #tpu.memory_space<semaphore_mem>>) src(%arg8 : memref<128x32xf32, #tpu.memory_space<vmem>>) dst(%dma_wait3A_129 : memref<10240x32xf32, #tpu.memory_space<vmem_shared>>)
        %add3A_130 = arith.constant 2 : i32
        %add3A_131 = arith.addi %add3A_85, %add3A_130 : i32
        %dma_start3A_132 = arith.constant 0 : i32
        %dma_start3A_133 = tpu.memref_slice %arg6[%add3A_131, %dma_start3A_132] : memref<159x128xi32, #tpu.memory_space<vmem>> -> memref<1x128xi32, #tpu.memory_space<vmem>>
        %dma_start3A_134 = tpu.memref_squeeze %dma_start3A_133 : memref<1x128xi32, #tpu.memory_space<vmem>> -> memref<128xi32, #tpu.memory_space<vmem>>
        %dma_start3A_135 = arith.constant 0 : i32
        %dma_start3A_136 = arith.constant 0 : i32
        %dma_start3A_137 = tpu.memref_slice %arg2[%dma_start3A_135, %dma_start3A_136] : memref<20480x32xf32, #tpu.memory_space<hbm>> -> memref<20480x32xf32, #tpu.memory_space<hbm>>
        tpu.enqueue_indirect_dma source(%dma_start3A_137 : memref<20480x32xf32, #tpu.memory_space<hbm>>) target(%arg8 : memref<128x32xf32, #tpu.memory_space<vmem>>) offsets(%dma_start3A_134 : memref<128xi32, #tpu.memory_space<vmem>>) semaphore(%arg13 : memref<!tpu.dma_semaphore, #tpu.memory_space<semaphore_mem>>)
      } else {
      }
      %mul3A_102 = arith.constant 3 : i32
      %mul3A_103 = arith.muli %scan3A_55, %mul3A_102 : i32
      %add3A_104 = arith.constant 2 : i32
      %add3A_105 = arith.addi %mul3A_103, %add3A_104 : i32
      %dma_wait3A_106 = arith.constant 0 : i32
      %dma_wait3A_107 = tpu.memref_slice %arg6[%add3A_105, %dma_wait3A_106] : memref<159x128xi32, #tpu.memory_space<vmem>> -> memref<1x128xi32, #tpu.memory_space<vmem>>
      %dma_wait3A_108 = tpu.memref_squeeze %dma_wait3A_107 : memref<1x128xi32, #tpu.memory_space<vmem>> -> memref<128xi32, #tpu.memory_space<vmem>>
      %dma_wait3A_109 = arith.constant 0 : i32
      %dma_wait3A_110 = arith.constant 0 : i32
      %dma_wait3A_111 = tpu.memref_slice %arg2[%dma_wait3A_109, %dma_wait3A_110] : memref<20480x32xf32, #tpu.memory_space<hbm>> -> memref<20480x32xf32, #tpu.memory_space<hbm>>
      tpu.wait_indirect_dma semaphore(%arg15 : memref<!tpu.dma_semaphore, #tpu.memory_space<semaphore_mem>>) src(%dma_wait3A_111 : memref<20480x32xf32, #tpu.memory_space<hbm>>) dst(%arg10 : memref<128x32xf32, #tpu.memory_space<vmem>>)
      %dma_start3A_112 = arith.constant 0 : i32
      %dma_start3A_113 = tpu.memref_slice %arg7[%add3A_105, %dma_start3A_112] : memref<159x128xi32, #tpu.memory_space<vmem>> -> memref<1x128xi32, #tpu.memory_space<vmem>>
      %dma_start3A_114 = tpu.memref_squeeze %dma_start3A_113 : memref<1x128xi32, #tpu.memory_space<vmem>> -> memref<128xi32, #tpu.memory_space<vmem>>
      %dma_start3A_115 = arith.constant 0 : i32
      %dma_start3A_116 = arith.constant 0 : i32
      %dma_start3A_117 = tpu.memref_slice %arg12[%dma_start3A_115, %dma_start3A_116] : memref<10240x32xf32, #tpu.memory_space<vmem_shared>> -> memref<10240x32xf32, #tpu.memory_space<vmem_shared>>
      tpu.enqueue_indirect_dma source(%arg10 : memref<128x32xf32, #tpu.memory_space<vmem>>) target(%dma_start3A_117 : memref<10240x32xf32, #tpu.memory_space<vmem_shared>>) offsets(%dma_start3A_114 : memref<128xi32, #tpu.memory_space<vmem>>) semaphore(%arg18 : memref<!tpu.dma_semaphore, #tpu.memory_space<semaphore_mem>>) {add = true}
      %lt3A_118 = arith.constant 52 : i32
      %lt3A_119 = arith.cmpi slt, %scan3A_55, %lt3A_118 : i32
      %convert_element_type3A_120 = arith.extui %lt3A_119 : i1 to i32
      %cond3A_121 = arith.constant 0 : i32
      %cond3A_122 = arith.cmpi ne, %convert_element_type3A_120, %cond3A_121 : i32
      scf.if %cond3A_122 {
        %sub3A = arith.constant 1 : i32
        %sub3A_123 = arith.subi %add3A_105, %sub3A : i32
        %dma_wait3A_124 = arith.constant 0 : i32
        %dma_wait3A_125 = tpu.memref_slice %arg7[%sub3A_123, %dma_wait3A_124] : memref<159x128xi32, #tpu.memory_space<vmem>> -> memref<1x128xi32, #tpu.memory_space<vmem>>
        %dma_wait3A_126 = tpu.memref_squeeze %dma_wait3A_125 : memref<1x128xi32, #tpu.memory_space<vmem>> -> memref<128xi32, #tpu.memory_space<vmem>>
        %dma_wait3A_127 = arith.constant 0 : i32
        %dma_wait3A_128 = arith.constant 0 : i32
        %dma_wait3A_129 = tpu.memref_slice %arg12[%dma_wait3A_127, %dma_wait3A_128] : memref<10240x32xf32, #tpu.memory_space<vmem_shared>> -> memref<10240x32xf32, #tpu.memory_space<vmem_shared>>
        tpu.wait_indirect_dma semaphore(%arg17 : memref<!tpu.dma_semaphore, #tpu.memory_space<semaphore_mem>>) src(%arg9 : memref<128x32xf32, #tpu.memory_space<vmem>>) dst(%dma_wait3A_129 : memref<10240x32xf32, #tpu.memory_space<vmem_shared>>)
        %add3A_130 = arith.constant 2 : i32
        %add3A_131 = arith.addi %add3A_105, %add3A_130 : i32
        %dma_start3A_132 = arith.constant 0 : i32
        %dma_start3A_133 = tpu.memref_slice %arg6[%add3A_131, %dma_start3A_132] : memref<159x128xi32, #tpu.memory_space<vmem>> -> memref<1x128xi32, #tpu.memory_space<vmem>>
        %dma_start3A_134 = tpu.memref_squeeze %dma_start3A_133 : memref<1x128xi32, #tpu.memory_space<vmem>> -> memref<128xi32, #tpu.memory_space<vmem>>
        %dma_start3A_135 = arith.constant 0 : i32
        %dma_start3A_136 = arith.constant 0 : i32
        %dma_start3A_137 = tpu.memref_slice %arg2[%dma_start3A_135, %dma_start3A_136] : memref<20480x32xf32, #tpu.memory_space<hbm>> -> memref<20480x32xf32, #tpu.memory_space<hbm>>
        tpu.enqueue_indirect_dma source(%dma_start3A_137 : memref<20480x32xf32, #tpu.memory_space<hbm>>) target(%arg9 : memref<128x32xf32, #tpu.memory_space<vmem>>) offsets(%dma_start3A_134 : memref<128xi32, #tpu.memory_space<vmem>>) semaphore(%arg14 : memref<!tpu.dma_semaphore, #tpu.memory_space<semaphore_mem>>)
      } else {
      }
    }
    %scan3A_29 = arith.constant 53 : i32
    %dma_wait3A = arith.constant 156 : i32
    %dma_wait3A_30 = arith.constant 0 : i32
    %dma_wait3A_31 = tpu.memref_slice %arg7[%dma_wait3A, %dma_wait3A_30] : memref<159x128xi32, #tpu.memory_space<vmem>> -> memref<1x128xi32, #tpu.memory_space<vmem>>
    %dma_wait3A_32 = tpu.memref_squeeze %dma_wait3A_31 : memref<1x128xi32, #tpu.memory_space<vmem>> -> memref<128xi32, #tpu.memory_space<vmem>>
    %dma_wait3A_33 = arith.constant 0 : i32
    %dma_wait3A_34 = arith.constant 0 : i32
    %dma_wait3A_35 = tpu.memref_slice %arg12[%dma_wait3A_33, %dma_wait3A_34] : memref<10240x32xf32, #tpu.memory_space<vmem_shared>> -> memref<10240x32xf32, #tpu.memory_space<vmem_shared>>
    tpu.wait_indirect_dma semaphore(%arg16 : memref<!tpu.dma_semaphore, #tpu.memory_space<semaphore_mem>>) src(%arg8 : memref<128x32xf32, #tpu.memory_space<vmem>>) dst(%dma_wait3A_35 : memref<10240x32xf32, #tpu.memory_space<vmem_shared>>)
    %dma_wait3A_36 = arith.constant 157 : i32
    %dma_wait3A_37 = arith.constant 0 : i32
    %dma_wait3A_38 = tpu.memref_slice %arg7[%dma_wait3A_36, %dma_wait3A_37] : memref<159x128xi32, #tpu.memory_space<vmem>> -> memref<1x128xi32, #tpu.memory_space<vmem>>
    %dma_wait3A_39 = tpu.memref_squeeze %dma_wait3A_38 : memref<1x128xi32, #tpu.memory_space<vmem>> -> memref<128xi32, #tpu.memory_space<vmem>>
    %dma_wait3A_40 = arith.constant 0 : i32
    %dma_wait3A_41 = arith.constant 0 : i32
    %dma_wait3A_42 = tpu.memref_slice %arg12[%dma_wait3A_40, %dma_wait3A_41] : memref<10240x32xf32, #tpu.memory_space<vmem_shared>> -> memref<10240x32xf32, #tpu.memory_space<vmem_shared>>
    tpu.wait_indirect_dma semaphore(%arg17 : memref<!tpu.dma_semaphore, #tpu.memory_space<semaphore_mem>>) src(%arg9 : memref<128x32xf32, #tpu.memory_space<vmem>>) dst(%dma_wait3A_42 : memref<10240x32xf32, #tpu.memory_space<vmem_shared>>)
    %dma_wait3A_43 = arith.constant 158 : i32
    %dma_wait3A_44 = arith.constant 0 : i32
    %dma_wait3A_45 = tpu.memref_slice %arg7[%dma_wait3A_43, %dma_wait3A_44] : memref<159x128xi32, #tpu.memory_space<vmem>> -> memref<1x128xi32, #tpu.memory_space<vmem>>
    %dma_wait3A_46 = tpu.memref_squeeze %dma_wait3A_45 : memref<1x128xi32, #tpu.memory_space<vmem>> -> memref<128xi32, #tpu.memory_space<vmem>>
    %dma_wait3A_47 = arith.constant 0 : i32
    %dma_wait3A_48 = arith.constant 0 : i32
    %dma_wait3A_49 = tpu.memref_slice %arg12[%dma_wait3A_47, %dma_wait3A_48] : memref<10240x32xf32, #tpu.memory_space<vmem_shared>> -> memref<10240x32xf32, #tpu.memory_space<vmem_shared>>
    tpu.wait_indirect_dma semaphore(%arg18 : memref<!tpu.dma_semaphore, #tpu.memory_space<semaphore_mem>>) src(%arg10 : memref<128x32xf32, #tpu.memory_space<vmem>>) dst(%dma_wait3A_49 : memref<10240x32xf32, #tpu.memory_space<vmem_shared>>)
    %barrier3A_50 = arith.constant 0 : index
    tpu.barrier barrier_id(%barrier3A_50)
    %mul3A = arith.constant 640 : i32
    %mul3A_51 = arith.muli %arg1, %mul3A : i32
    %add3A = arith.constant 0 : i32
    %add3A_52 = arith.addi %add3A, %arg0 : i32
    %mul3A_53 = arith.constant 640 : i32
    %mul3A_54 = arith.muli %arg1, %mul3A_53 : i32
    "tpu.region"() ({
      %run_scoped3A = tpu.sem_alloc : memref<!tpu.dma_semaphore, #tpu.memory_space<semaphore_mem>>
      %dma_start3A_55 = arith.constant 0 : i32
      %dma_start3A_56 = tpu.memref_slice %arg5[%add3A_52, %mul3A_54, %dma_start3A_55] : memref<2x10240x32xf32, #tpu.memory_space<hbm>> -> memref<1x640x32xf32, #tpu.memory_space<hbm>>
      %dma_start3A_57 = tpu.memref_squeeze %dma_start3A_56 : memref<1x640x32xf32, #tpu.memory_space<hbm>> -> memref<640x32xf32, #tpu.memory_space<hbm>>
      %dma_start3A_58 = arith.constant 0 : i32
      %dma_start3A_59 = tpu.memref_slice %arg12[%mul3A_51, %dma_start3A_58] : memref<10240x32xf32, #tpu.memory_space<vmem_shared>> -> memref<640x32xf32, #tpu.memory_space<vmem_shared>>
      tpu.enqueue_dma source(%dma_start3A_59 : memref<640x32xf32, #tpu.memory_space<vmem_shared>>) target(%dma_start3A_57 : memref<640x32xf32, #tpu.memory_space<hbm>>) target_semaphore(%run_scoped3A : memref<!tpu.dma_semaphore, #tpu.memory_space<semaphore_mem>>)
      %dma_wait3A_60 = arith.constant 0 : i32
      %dma_wait3A_61 = tpu.memref_slice %arg5[%add3A_52, %mul3A_54, %dma_wait3A_60] : memref<2x10240x32xf32, #tpu.memory_space<hbm>> -> memref<1x640x32xf32, #tpu.memory_space<hbm>>
      %dma_wait3A_62 = tpu.memref_squeeze %dma_wait3A_61 : memref<1x640x32xf32, #tpu.memory_space<hbm>> -> memref<640x32xf32, #tpu.memory_space<hbm>>
      %dma_wait3A_63 = arith.constant 0 : i32
      %dma_wait3A_64 = tpu.memref_slice %arg12[%mul3A_51, %dma_wait3A_63] : memref<10240x32xf32, #tpu.memory_space<vmem_shared>> -> memref<640x32xf32, #tpu.memory_space<vmem_shared>>
      tpu.wait_dma2 semaphore(%run_scoped3A : memref<!tpu.dma_semaphore, #tpu.memory_space<semaphore_mem>>) src(%dma_wait3A_64 : memref<640x32xf32, #tpu.memory_space<vmem_shared>>) dst(%dma_wait3A_62 : memref<640x32xf32, #tpu.memory_space<hbm>>)
      tpu.yield
    }) : () -> ()
    return
  }
}

module attributes {stable_mosaic.version = 14 : i64} {
  func.func @_xd_body(%arg0: i32, %arg1: memref<512x128xf32, #tpu.memory_space<vmem>>, %arg2: memref<512x1xf32, #tpu.memory_space<vmem>>, %arg3: memref<512x1xf32, #tpu.memory_space<vmem>>, %arg4: memref<2x512x64xf32, #tpu.memory_space<vmem>>) attributes {dimension_semantics = [#tpu.dimension_semantics<arbitrary>], iteration_bounds = array<i64: 20>, scalar_prefetch = 0 : i64, scratch_operands = 0 : i64, tpu.core_type = #tpu.core_type<tc>, window_params = [{transform_indices = @transform_0, window_bounds = array<i64: 512, 128>}, {transform_indices = @transform_1, window_bounds = array<i64: 512, 1>}, {transform_indices = @transform_2, window_bounds = array<i64: 512, 1>}, {transform_indices = @transform_3, window_bounds = array<i64: 2, 512, 64>}]} {
    %get3A = arith.constant 0 : index
    %get3A_0 = arith.constant 0 : index
    %get3A_1 = vector.load %arg2[%get3A, %get3A_0] : memref<512x1xf32, #tpu.memory_space<vmem>>, vector<512x1xf32>
    %get3A_2 = arith.constant 0 : index
    %get3A_3 = arith.constant 0 : index
    %get3A_4 = vector.load %arg3[%get3A_2, %get3A_3] : memref<512x1xf32, #tpu.memory_space<vmem>>, vector<512x1xf32>
    %add3A = arith.addf %get3A_1, %get3A_4 : vector<512x1xf32>
    %add3A_5 = arith.constant 1.000000e+00 : f32
    %add3A_6 = vector.broadcast %add3A_5 : f32 to vector<512x1xf32>
    %add3A_7 = arith.addf %add3A, %add3A_6 : vector<512x1xf32>
    %rsqrt3A = math.rsqrt %add3A_7 : vector<512x1xf32>
    %get3A_8 = arith.constant 0 : index
    %get3A_9 = arith.constant 0 : index
    %get3A_10 = vector.load %arg1[%get3A_8, %get3A_9] : memref<512x128xf32, #tpu.memory_space<vmem>>, vector<512x128xf32>
    %mul3A = vector.broadcast %rsqrt3A : vector<512x1xf32> to vector<512x128xf32>
    %mul3A_11 = arith.mulf %get3A_10, %mul3A : vector<512x128xf32>
    %slice3A = vector.extract_strided_slice %mul3A_11 {offsets = [0, 0], sizes = [512, 64], strides = [1, 1]} : vector<512x128xf32> to vector<512x64xf32>
    %swap3A = arith.constant 0 : index
    %swap3A_12 = arith.constant 0 : index
    %swap3A_13 = arith.constant 0 : index
    %swap3A_14 = vector.load %arg4[%swap3A, %swap3A_12, %swap3A_13] : memref<2x512x64xf32, #tpu.memory_space<vmem>>, vector<1x512x64xf32>
    %swap3A_15 = vector.shape_cast %swap3A_14 : vector<1x512x64xf32> to vector<512x64xf32>
    %swap3A_16 = vector.shape_cast %slice3A : vector<512x64xf32> to vector<1x512x64xf32>
    tpu.vector_store %arg4[%swap3A, %swap3A_12, %swap3A_13], %swap3A_16 {strides = array<i32>} : memref<2x512x64xf32, #tpu.memory_space<vmem>>, vector<1x512x64xf32>,
    %slice3A_17 = vector.extract_strided_slice %mul3A_11 {offsets = [0, 64], sizes = [512, 64], strides = [1, 1]} : vector<512x128xf32> to vector<512x64xf32>
    %swap3A_18 = arith.constant 1 : index
    %swap3A_19 = arith.constant 0 : index
    %swap3A_20 = arith.constant 0 : index
    %swap3A_21 = vector.load %arg4[%swap3A_18, %swap3A_19, %swap3A_20] : memref<2x512x64xf32, #tpu.memory_space<vmem>>, vector<1x512x64xf32>
    %swap3A_22 = vector.shape_cast %swap3A_21 : vector<1x512x64xf32> to vector<512x64xf32>
    %swap3A_23 = vector.shape_cast %slice3A_17 : vector<512x64xf32> to vector<1x512x64xf32>
    tpu.vector_store %arg4[%swap3A_18, %swap3A_19, %swap3A_20], %swap3A_23 {strides = array<i32>} : memref<2x512x64xf32, #tpu.memory_space<vmem>>, vector<1x512x64xf32>,
    return
  }
  func.func @transform_0(%arg0: i32) -> (i32, i32) {
    %c0_i32 = arith.constant 0 : i32
    %c0_i32_0 = arith.constant 0 : i32
    return %arg0, %c0_i32 : i32, i32
  }
  func.func @transform_1(%arg0: i32) -> (i32, i32) {
    %c0_i32 = arith.constant 0 : i32
    %c0_i32_0 = arith.constant 0 : i32
    return %arg0, %c0_i32 : i32, i32
  }
  func.func @transform_2(%arg0: i32) -> (i32, i32) {
    %c0_i32 = arith.constant 0 : i32
    %c0_i32_0 = arith.constant 0 : i32
    return %arg0, %c0_i32 : i32, i32
  }
  func.func @transform_3(%arg0: i32) -> (i32, i32, i32) {
    %c0_i32 = arith.constant 0 : i32
    %c0_i32_0 = arith.constant 0 : i32
    %c0_i32_1 = arith.constant 0 : i32
    return %c0_i32, %arg0, %c0_i32_0 : i32, i32, i32
  }
}

module attributes {stable_mosaic.version = 14 : i64} {
  func.func @_mid1_body(%arg0: i32, %arg1: memref<2x512x64xf32, #tpu.memory_space<vmem>>, %arg2: memref<512x128xf32, #tpu.memory_space<vmem>>, %arg3: memref<512x1xf32, #tpu.memory_space<vmem>>, %arg4: memref<512x1xf32, #tpu.memory_space<vmem>>, %arg5: memref<1x256xf32, #tpu.memory_space<vmem>>, %arg6: memref<128x256xf32, #tpu.memory_space<vmem>>, %arg7: memref<256x256xf32, #tpu.memory_space<vmem>>, %arg8: memref<4x512x64xf32, #tpu.memory_space<vmem>>) attributes {dimension_semantics = [#tpu.dimension_semantics<arbitrary>], iteration_bounds = array<i64: 20>, scalar_prefetch = 0 : i64, scratch_operands = 0 : i64, tpu.core_type = #tpu.core_type<tc>, window_params = [{transform_indices = @transform_0, window_bounds = array<i64: 2, 512, 64>}, {transform_indices = @transform_1, window_bounds = array<i64: 512, 128>}, {transform_indices = @transform_2, window_bounds = array<i64: 512, 1>}, {transform_indices = @transform_3, window_bounds = array<i64: 512, 1>}, {pipeline_mode = #tpu.pipeline_mode<synchronous>, transform_indices = @transform_4, window_bounds = array<i64: 1, 256>}, {pipeline_mode = #tpu.pipeline_mode<synchronous>, transform_indices = @transform_5, window_bounds = array<i64: 128, 256>}, {pipeline_mode = #tpu.pipeline_mode<synchronous>, transform_indices = @transform_6, window_bounds = array<i64: 256, 256>}, {transform_indices = @transform_7, window_bounds = array<i64: 4, 512, 64>}]} {
    %get3A = arith.constant 0 : index
    %get3A_0 = arith.constant 0 : index
    %get3A_1 = vector.load %arg3[%get3A, %get3A_0] : memref<512x1xf32, #tpu.memory_space<vmem>>, vector<512x1xf32>
    %get3A_2 = arith.constant 0 : index
    %get3A_3 = arith.constant 0 : index
    %get3A_4 = vector.load %arg4[%get3A_2, %get3A_3] : memref<512x1xf32, #tpu.memory_space<vmem>>, vector<512x1xf32>
    %add3A = arith.addf %get3A_1, %get3A_4 : vector<512x1xf32>
    %add3A_5 = arith.constant 1.000000e+00 : f32
    %add3A_6 = vector.broadcast %add3A_5 : f32 to vector<512x1xf32>
    %add3A_7 = arith.addf %add3A, %add3A_6 : vector<512x1xf32>
    %rsqrt3A = math.rsqrt %add3A_7 : vector<512x1xf32>
    %get3A_8 = arith.constant 0 : index
    %get3A_9 = arith.constant 0 : index
    %get3A_10 = arith.constant 0 : index
    %get3A_11 = vector.load %arg1[%get3A_8, %get3A_9, %get3A_10] : memref<2x512x64xf32, #tpu.memory_space<vmem>>, vector<1x512x64xf32>
    %get3A_12 = vector.shape_cast %get3A_11 : vector<1x512x64xf32> to vector<512x64xf32>
    %get3A_13 = arith.constant 1 : index
    %get3A_14 = arith.constant 0 : index
    %get3A_15 = arith.constant 0 : index
    %get3A_16 = vector.load %arg1[%get3A_13, %get3A_14, %get3A_15] : memref<2x512x64xf32, #tpu.memory_space<vmem>>, vector<1x512x64xf32>
    %get3A_17 = vector.shape_cast %get3A_16 : vector<1x512x64xf32> to vector<512x64xf32>
    %concatenate3A = tpu.concatenate %get3A_12, %get3A_17 in 1 : vector<512x64xf32>, vector<512x64xf32> -> vector<512x128xf32>
    %get3A_18 = arith.constant 0 : index
    %get3A_19 = arith.constant 0 : index
    %get3A_20 = vector.load %arg2[%get3A_18, %get3A_19] : memref<512x128xf32, #tpu.memory_space<vmem>>, vector<512x128xf32>
    %mul3A = vector.broadcast %rsqrt3A : vector<512x1xf32> to vector<512x128xf32>
    %mul3A_21 = arith.mulf %get3A_20, %mul3A : vector<512x128xf32>
    %add3A_22 = arith.addf %concatenate3A, %mul3A_21 : vector<512x128xf32>
    %get3A_23 = arith.constant 0 : index
    %get3A_24 = arith.constant 0 : index
    %get3A_25 = vector.load %arg6[%get3A_23, %get3A_24] : memref<128x256xf32, #tpu.memory_space<vmem>>, vector<128x256xf32>
    %dot_general3A = arith.constant dense<0.000000e+00> : vector<512x256xf32>
    %dot_general3A_26 = tpu.matmul %add3A_22, %get3A_25, %dot_general3A {dimension_numbers = #tpu.dot_dimension_numbers<[1], [0], [0], [1], [0, 0, 1, 1], [], []>, transpose_lhs_hint = false} : vector<512x128xf32>, vector<128x256xf32>, vector<512x256xf32> -> vector<512x256xf32>
    %mul3A_27 = vector.broadcast %rsqrt3A : vector<512x1xf32> to vector<512x256xf32>
    %mul3A_28 = arith.mulf %dot_general3A_26, %mul3A_27 : vector<512x256xf32>
    %get3A_29 = arith.constant 0 : index
    %get3A_30 = arith.constant 0 : index
    %get3A_31 = vector.load %arg5[%get3A_29, %get3A_30] : memref<1x256xf32, #tpu.memory_space<vmem>>, vector<1x256xf32>
    %add3A_32 = vector.broadcast %get3A_31 : vector<1x256xf32> to vector<512x256xf32>
    %add3A_33 = arith.addf %mul3A_28, %add3A_32 : vector<512x256xf32>
    %max3A = arith.constant 0.000000e+00 : f32
    %max3A_34 = vector.broadcast %max3A : f32 to vector<512x256xf32>
    %max3A_35 = arith.maximumf %add3A_33, %max3A_34 : vector<512x256xf32>
    %get3A_36 = arith.constant 0 : index
    %get3A_37 = arith.constant 0 : index
    %get3A_38 = vector.load %arg7[%get3A_36, %get3A_37] : memref<256x256xf32, #tpu.memory_space<vmem>>, vector<256x256xf32>
    %dot_general3A_39 = arith.constant dense<0.000000e+00> : vector<512x256xf32>
    %dot_general3A_40 = tpu.matmul %max3A_35, %get3A_38, %dot_general3A_39 {dimension_numbers = #tpu.dot_dimension_numbers<[1], [0], [0], [1], [0, 0, 1, 1], [], []>, transpose_lhs_hint = false} : vector<512x256xf32>, vector<256x256xf32>, vector<512x256xf32> -> vector<512x256xf32>
    %mul3A_41 = vector.broadcast %rsqrt3A : vector<512x1xf32> to vector<512x256xf32>
    %mul3A_42 = arith.mulf %dot_general3A_40, %mul3A_41 : vector<512x256xf32>
    %slice3A = vector.extract_strided_slice %mul3A_42 {offsets = [0, 0], sizes = [512, 64], strides = [1, 1]} : vector<512x256xf32> to vector<512x64xf32>
    %swap3A = arith.constant 0 : index
    %swap3A_43 = arith.constant 0 : index
    %swap3A_44 = arith.constant 0 : index
    %swap3A_45 = vector.load %arg8[%swap3A, %swap3A_43, %swap3A_44] : memref<4x512x64xf32, #tpu.memory_space<vmem>>, vector<1x512x64xf32>
    %swap3A_46 = vector.shape_cast %swap3A_45 : vector<1x512x64xf32> to vector<512x64xf32>
    %swap3A_47 = vector.shape_cast %slice3A : vector<512x64xf32> to vector<1x512x64xf32>
    tpu.vector_store %arg8[%swap3A, %swap3A_43, %swap3A_44], %swap3A_47 {strides = array<i32>} : memref<4x512x64xf32, #tpu.memory_space<vmem>>, vector<1x512x64xf32>,
    %slice3A_48 = vector.extract_strided_slice %mul3A_42 {offsets = [0, 64], sizes = [512, 64], strides = [1, 1]} : vector<512x256xf32> to vector<512x64xf32>
    %swap3A_49 = arith.constant 1 : index
    %swap3A_50 = arith.constant 0 : index
    %swap3A_51 = arith.constant 0 : index
    %swap3A_52 = vector.load %arg8[%swap3A_49, %swap3A_50, %swap3A_51] : memref<4x512x64xf32, #tpu.memory_space<vmem>>, vector<1x512x64xf32>
    %swap3A_53 = vector.shape_cast %swap3A_52 : vector<1x512x64xf32> to vector<512x64xf32>
    %swap3A_54 = vector.shape_cast %slice3A_48 : vector<512x64xf32> to vector<1x512x64xf32>
    tpu.vector_store %arg8[%swap3A_49, %swap3A_50, %swap3A_51], %swap3A_54 {strides = array<i32>} : memref<4x512x64xf32, #tpu.memory_space<vmem>>, vector<1x512x64xf32>,
    %slice3A_55 = vector.extract_strided_slice %mul3A_42 {offsets = [0, 128], sizes = [512, 64], strides = [1, 1]} : vector<512x256xf32> to vector<512x64xf32>
    %swap3A_56 = arith.constant 2 : index
    %swap3A_57 = arith.constant 0 : index
    %swap3A_58 = arith.constant 0 : index
    %swap3A_59 = vector.load %arg8[%swap3A_56, %swap3A_57, %swap3A_58] : memref<4x512x64xf32, #tpu.memory_space<vmem>>, vector<1x512x64xf32>
    %swap3A_60 = vector.shape_cast %swap3A_59 : vector<1x512x64xf32> to vector<512x64xf32>
    %swap3A_61 = vector.shape_cast %slice3A_55 : vector<512x64xf32> to vector<1x512x64xf32>
    tpu.vector_store %arg8[%swap3A_56, %swap3A_57, %swap3A_58], %swap3A_61 {strides = array<i32>} : memref<4x512x64xf32, #tpu.memory_space<vmem>>, vector<1x512x64xf32>,
    %slice3A_62 = vector.extract_strided_slice %mul3A_42 {offsets = [0, 192], sizes = [512, 64], strides = [1, 1]} : vector<512x256xf32> to vector<512x64xf32>
    %swap3A_63 = arith.constant 3 : index
    %swap3A_64 = arith.constant 0 : index
    %swap3A_65 = arith.constant 0 : index
    %swap3A_66 = vector.load %arg8[%swap3A_63, %swap3A_64, %swap3A_65] : memref<4x512x64xf32, #tpu.memory_space<vmem>>, vector<1x512x64xf32>
    %swap3A_67 = vector.shape_cast %swap3A_66 : vector<1x512x64xf32> to vector<512x64xf32>
    %swap3A_68 = vector.shape_cast %slice3A_62 : vector<512x64xf32> to vector<1x512x64xf32>
    tpu.vector_store %arg8[%swap3A_63, %swap3A_64, %swap3A_65], %swap3A_68 {strides = array<i32>} : memref<4x512x64xf32, #tpu.memory_space<vmem>>, vector<1x512x64xf32>,
    return
  }
  func.func @transform_0(%arg0: i32) -> (i32, i32, i32) {
    %c0_i32 = arith.constant 0 : i32
    %c0_i32_0 = arith.constant 0 : i32
    %c0_i32_1 = arith.constant 0 : i32
    return %c0_i32, %arg0, %c0_i32_0 : i32, i32, i32
  }
  func.func @transform_1(%arg0: i32) -> (i32, i32) {
    %c0_i32 = arith.constant 0 : i32
    %c0_i32_0 = arith.constant 0 : i32
    return %arg0, %c0_i32 : i32, i32
  }
  func.func @transform_2(%arg0: i32) -> (i32, i32) {
    %c0_i32 = arith.constant 0 : i32
    %c0_i32_0 = arith.constant 0 : i32
    return %arg0, %c0_i32 : i32, i32
  }
  func.func @transform_3(%arg0: i32) -> (i32, i32) {
    %c0_i32 = arith.constant 0 : i32
    %c0_i32_0 = arith.constant 0 : i32
    return %arg0, %c0_i32 : i32, i32
  }
  func.func @transform_4(%arg0: i32) -> (i32, i32) {
    %c0_i32 = arith.constant 0 : i32
    %c0_i32_0 = arith.constant 0 : i32
    %c0_i32_1 = arith.constant 0 : i32
    return %c0_i32, %c0_i32_0 : i32, i32
  }
  func.func @transform_5(%arg0: i32) -> (i32, i32) {
    %c0_i32 = arith.constant 0 : i32
    %c0_i32_0 = arith.constant 0 : i32
    %c0_i32_1 = arith.constant 0 : i32
    return %c0_i32, %c0_i32_0 : i32, i32
  }
  func.func @transform_6(%arg0: i32) -> (i32, i32) {
    %c0_i32 = arith.constant 0 : i32
    %c0_i32_0 = arith.constant 0 : i32
    %c0_i32_1 = arith.constant 0 : i32
    return %c0_i32, %c0_i32_0 : i32, i32
  }
  func.func @transform_7(%arg0: i32) -> (i32, i32, i32) {
    %c0_i32 = arith.constant 0 : i32
    %c0_i32_0 = arith.constant 0 : i32
    %c0_i32_1 = arith.constant 0 : i32
    return %c0_i32, %arg0, %c0_i32_0 : i32, i32, i32
  }
}

module attributes {stable_mosaic.version = 14 : i64} {
  func.func @_mid_body(%arg0: i32, %arg1: memref<4x512x64xf32, #tpu.memory_space<vmem>>, %arg2: memref<4x512x64xf32, #tpu.memory_space<vmem>>, %arg3: memref<512x1xf32, #tpu.memory_space<vmem>>, %arg4: memref<512x1xf32, #tpu.memory_space<vmem>>, %arg5: memref<1x256xf32, #tpu.memory_space<vmem>>, %arg6: memref<256x64xf32, #tpu.memory_space<vmem>>, %arg7: memref<2x512x32xf32, #tpu.memory_space<vmem>>) attributes {dimension_semantics = [#tpu.dimension_semantics<arbitrary>], iteration_bounds = array<i64: 20>, scalar_prefetch = 0 : i64, scratch_operands = 0 : i64, tpu.core_type = #tpu.core_type<tc>, window_params = [{transform_indices = @transform_0, window_bounds = array<i64: 4, 512, 64>}, {transform_indices = @transform_1, window_bounds = array<i64: 4, 512, 64>}, {transform_indices = @transform_2, window_bounds = array<i64: 512, 1>}, {transform_indices = @transform_3, window_bounds = array<i64: 512, 1>}, {pipeline_mode = #tpu.pipeline_mode<synchronous>, transform_indices = @transform_4, window_bounds = array<i64: 1, 256>}, {pipeline_mode = #tpu.pipeline_mode<synchronous>, transform_indices = @transform_5, window_bounds = array<i64: 256, 64>}, {transform_indices = @transform_6, window_bounds = array<i64: 2, 512, 32>}]} {
    %get3A = arith.constant 0 : index
    %get3A_0 = arith.constant 0 : index
    %get3A_1 = vector.load %arg3[%get3A, %get3A_0] : memref<512x1xf32, #tpu.memory_space<vmem>>, vector<512x1xf32>
    %get3A_2 = arith.constant 0 : index
    %get3A_3 = arith.constant 0 : index
    %get3A_4 = vector.load %arg4[%get3A_2, %get3A_3] : memref<512x1xf32, #tpu.memory_space<vmem>>, vector<512x1xf32>
    %add3A = arith.addf %get3A_1, %get3A_4 : vector<512x1xf32>
    %add3A_5 = arith.constant 1.000000e+00 : f32
    %add3A_6 = vector.broadcast %add3A_5 : f32 to vector<512x1xf32>
    %add3A_7 = arith.addf %add3A, %add3A_6 : vector<512x1xf32>
    %rsqrt3A = math.rsqrt %add3A_7 : vector<512x1xf32>
    %get3A_8 = arith.constant 0 : index
    %get3A_9 = arith.constant 0 : index
    %get3A_10 = arith.constant 0 : index
    %get3A_11 = vector.load %arg1[%get3A_8, %get3A_9, %get3A_10] : memref<4x512x64xf32, #tpu.memory_space<vmem>>, vector<1x512x64xf32>
    %get3A_12 = vector.shape_cast %get3A_11 : vector<1x512x64xf32> to vector<512x64xf32>
    %get3A_13 = arith.constant 0 : index
    %get3A_14 = arith.constant 0 : index
    %get3A_15 = arith.constant 0 : index
    %get3A_16 = vector.load %arg2[%get3A_13, %get3A_14, %get3A_15] : memref<4x512x64xf32, #tpu.memory_space<vmem>>, vector<1x512x64xf32>
    %get3A_17 = vector.shape_cast %get3A_16 : vector<1x512x64xf32> to vector<512x64xf32>
    %add3A_18 = arith.addf %get3A_12, %get3A_17 : vector<512x64xf32>
    %mul3A = vector.broadcast %rsqrt3A : vector<512x1xf32> to vector<512x64xf32>
    %mul3A_19 = arith.mulf %add3A_18, %mul3A : vector<512x64xf32>
    %get3A_20 = arith.constant 1 : index
    %get3A_21 = arith.constant 0 : index
    %get3A_22 = arith.constant 0 : index
    %get3A_23 = vector.load %arg1[%get3A_20, %get3A_21, %get3A_22] : memref<4x512x64xf32, #tpu.memory_space<vmem>>, vector<1x512x64xf32>
    %get3A_24 = vector.shape_cast %get3A_23 : vector<1x512x64xf32> to vector<512x64xf32>
    %get3A_25 = arith.constant 1 : index
    %get3A_26 = arith.constant 0 : index
    %get3A_27 = arith.constant 0 : index
    %get3A_28 = vector.load %arg2[%get3A_25, %get3A_26, %get3A_27] : memref<4x512x64xf32, #tpu.memory_space<vmem>>, vector<1x512x64xf32>
    %get3A_29 = vector.shape_cast %get3A_28 : vector<1x512x64xf32> to vector<512x64xf32>
    %add3A_30 = arith.addf %get3A_24, %get3A_29 : vector<512x64xf32>
    %mul3A_31 = vector.broadcast %rsqrt3A : vector<512x1xf32> to vector<512x64xf32>
    %mul3A_32 = arith.mulf %add3A_30, %mul3A_31 : vector<512x64xf32>
    %get3A_33 = arith.constant 2 : index
    %get3A_34 = arith.constant 0 : index
    %get3A_35 = arith.constant 0 : index
    %get3A_36 = vector.load %arg1[%get3A_33, %get3A_34, %get3A_35] : memref<4x512x64xf32, #tpu.memory_space<vmem>>, vector<1x512x64xf32>
    %get3A_37 = vector.shape_cast %get3A_36 : vector<1x512x64xf32> to vector<512x64xf32>
    %get3A_38 = arith.constant 2 : index
    %get3A_39 = arith.constant 0 : index
    %get3A_40 = arith.constant 0 : index
    %get3A_41 = vector.load %arg2[%get3A_38, %get3A_39, %get3A_40] : memref<4x512x64xf32, #tpu.memory_space<vmem>>, vector<1x512x64xf32>
    %get3A_42 = vector.shape_cast %get3A_41 : vector<1x512x64xf32> to vector<512x64xf32>
    %add3A_43 = arith.addf %get3A_37, %get3A_42 : vector<512x64xf32>
    %mul3A_44 = vector.broadcast %rsqrt3A : vector<512x1xf32> to vector<512x64xf32>
    %mul3A_45 = arith.mulf %add3A_43, %mul3A_44 : vector<512x64xf32>
    %get3A_46 = arith.constant 3 : index
    %get3A_47 = arith.constant 0 : index
    %get3A_48 = arith.constant 0 : index
    %get3A_49 = vector.load %arg1[%get3A_46, %get3A_47, %get3A_48] : memref<4x512x64xf32, #tpu.memory_space<vmem>>, vector<1x512x64xf32>
    %get3A_50 = vector.shape_cast %get3A_49 : vector<1x512x64xf32> to vector<512x64xf32>
    %get3A_51 = arith.constant 3 : index
    %get3A_52 = arith.constant 0 : index
    %get3A_53 = arith.constant 0 : index
    %get3A_54 = vector.load %arg2[%get3A_51, %get3A_52, %get3A_53] : memref<4x512x64xf32, #tpu.memory_space<vmem>>, vector<1x512x64xf32>
    %get3A_55 = vector.shape_cast %get3A_54 : vector<1x512x64xf32> to vector<512x64xf32>
    %add3A_56 = arith.addf %get3A_50, %get3A_55 : vector<512x64xf32>
    %mul3A_57 = vector.broadcast %rsqrt3A : vector<512x1xf32> to vector<512x64xf32>
    %mul3A_58 = arith.mulf %add3A_56, %mul3A_57 : vector<512x64xf32>
    %concatenate3A = tpu.concatenate %mul3A_19, %mul3A_32, %mul3A_45, %mul3A_58 in 1 : vector<512x64xf32>, vector<512x64xf32>, vector<512x64xf32>, vector<512x64xf32> -> vector<512x256xf32>
    %get3A_59 = arith.constant 0 : index
    %get3A_60 = arith.constant 0 : index
    %get3A_61 = vector.load %arg5[%get3A_59, %get3A_60] : memref<1x256xf32, #tpu.memory_space<vmem>>, vector<1x256xf32>
    %add3A_62 = vector.broadcast %get3A_61 : vector<1x256xf32> to vector<512x256xf32>
    %add3A_63 = arith.addf %concatenate3A, %add3A_62 : vector<512x256xf32>
    %max3A = arith.constant 0.000000e+00 : f32
    %max3A_64 = vector.broadcast %max3A : f32 to vector<512x256xf32>
    %max3A_65 = arith.maximumf %add3A_63, %max3A_64 : vector<512x256xf32>
    %get3A_66 = arith.constant 0 : index
    %get3A_67 = arith.constant 0 : index
    %get3A_68 = vector.load %arg6[%get3A_66, %get3A_67] : memref<256x64xf32, #tpu.memory_space<vmem>>, vector<256x64xf32>
    %dot_general3A = arith.constant dense<0.000000e+00> : vector<512x64xf32>
    %dot_general3A_69 = tpu.matmul %max3A_65, %get3A_68, %dot_general3A {dimension_numbers = #tpu.dot_dimension_numbers<[1], [0], [0], [1], [0, 0, 1, 1], [], []>, transpose_lhs_hint = false} : vector<512x256xf32>, vector<256x64xf32>, vector<512x64xf32> -> vector<512x64xf32>
    %mul3A_70 = vector.broadcast %rsqrt3A : vector<512x1xf32> to vector<512x64xf32>
    %mul3A_71 = arith.mulf %dot_general3A_69, %mul3A_70 : vector<512x64xf32>
    %slice3A = vector.extract_strided_slice %mul3A_71 {offsets = [0, 0], sizes = [512, 32], strides = [1, 1]} : vector<512x64xf32> to vector<512x32xf32>
    %swap3A = arith.constant 0 : index
    %swap3A_72 = arith.constant 0 : index
    %swap3A_73 = arith.constant 0 : index
    %swap3A_74 = vector.load %arg7[%swap3A, %swap3A_72, %swap3A_73] : memref<2x512x32xf32, #tpu.memory_space<vmem>>, vector<1x512x32xf32>
    %swap3A_75 = vector.shape_cast %swap3A_74 : vector<1x512x32xf32> to vector<512x32xf32>
    %swap3A_76 = vector.shape_cast %slice3A : vector<512x32xf32> to vector<1x512x32xf32>
    tpu.vector_store %arg7[%swap3A, %swap3A_72, %swap3A_73], %swap3A_76 {strides = array<i32>} : memref<2x512x32xf32, #tpu.memory_space<vmem>>, vector<1x512x32xf32>,
    %slice3A_77 = vector.extract_strided_slice %mul3A_71 {offsets = [0, 32], sizes = [512, 32], strides = [1, 1]} : vector<512x64xf32> to vector<512x32xf32>
    %swap3A_78 = arith.constant 1 : index
    %swap3A_79 = arith.constant 0 : index
    %swap3A_80 = arith.constant 0 : index
    %swap3A_81 = vector.load %arg7[%swap3A_78, %swap3A_79, %swap3A_80] : memref<2x512x32xf32, #tpu.memory_space<vmem>>, vector<1x512x32xf32>
    %swap3A_82 = vector.shape_cast %swap3A_81 : vector<1x512x32xf32> to vector<512x32xf32>
    %swap3A_83 = vector.shape_cast %slice3A_77 : vector<512x32xf32> to vector<1x512x32xf32>
    tpu.vector_store %arg7[%swap3A_78, %swap3A_79, %swap3A_80], %swap3A_83 {strides = array<i32>} : memref<2x512x32xf32, #tpu.memory_space<vmem>>, vector<1x512x32xf32>,
    return
  }
  func.func @transform_0(%arg0: i32) -> (i32, i32, i32) {
    %c0_i32 = arith.constant 0 : i32
    %c0_i32_0 = arith.constant 0 : i32
    %c0_i32_1 = arith.constant 0 : i32
    return %c0_i32, %arg0, %c0_i32_0 : i32, i32, i32
  }
  func.func @transform_1(%arg0: i32) -> (i32, i32, i32) {
    %c0_i32 = arith.constant 0 : i32
    %c0_i32_0 = arith.constant 0 : i32
    %c0_i32_1 = arith.constant 0 : i32
    return %c0_i32, %arg0, %c0_i32_0 : i32, i32, i32
  }
  func.func @transform_2(%arg0: i32) -> (i32, i32) {
    %c0_i32 = arith.constant 0 : i32
    %c0_i32_0 = arith.constant 0 : i32
    return %arg0, %c0_i32 : i32, i32
  }
  func.func @transform_3(%arg0: i32) -> (i32, i32) {
    %c0_i32 = arith.constant 0 : i32
    %c0_i32_0 = arith.constant 0 : i32
    return %arg0, %c0_i32 : i32, i32
  }
  func.func @transform_4(%arg0: i32) -> (i32, i32) {
    %c0_i32 = arith.constant 0 : i32
    %c0_i32_0 = arith.constant 0 : i32
    %c0_i32_1 = arith.constant 0 : i32
    return %c0_i32, %c0_i32_0 : i32, i32
  }
  func.func @transform_5(%arg0: i32) -> (i32, i32) {
    %c0_i32 = arith.constant 0 : i32
    %c0_i32_0 = arith.constant 0 : i32
    %c0_i32_1 = arith.constant 0 : i32
    return %c0_i32, %c0_i32_0 : i32, i32
  }
  func.func @transform_6(%arg0: i32) -> (i32, i32, i32) {
    %c0_i32 = arith.constant 0 : i32
    %c0_i32_0 = arith.constant 0 : i32
    %c0_i32_1 = arith.constant 0 : i32
    return %c0_i32, %arg0, %c0_i32_0 : i32, i32, i32
  }
}

module attributes {stable_mosaic.version = 14 : i64} {
  func.func @_fin_body(%arg0: i32, %arg1: memref<2x512x32xf32, #tpu.memory_space<vmem>>, %arg2: memref<2x512x32xf32, #tpu.memory_space<vmem>>, %arg3: memref<512x1xf32, #tpu.memory_space<vmem>>, %arg4: memref<512x1xf32, #tpu.memory_space<vmem>>, %arg5: memref<1x64xf32, #tpu.memory_space<vmem>>, %arg6: memref<512x64xf32, #tpu.memory_space<vmem>>) attributes {dimension_semantics = [#tpu.dimension_semantics<arbitrary>], iteration_bounds = array<i64: 20>, scalar_prefetch = 0 : i64, scratch_operands = 0 : i64, tpu.core_type = #tpu.core_type<tc>, window_params = [{transform_indices = @transform_0, window_bounds = array<i64: 2, 512, 32>}, {transform_indices = @transform_1, window_bounds = array<i64: 2, 512, 32>}, {transform_indices = @transform_2, window_bounds = array<i64: 512, 1>}, {transform_indices = @transform_3, window_bounds = array<i64: 512, 1>}, {pipeline_mode = #tpu.pipeline_mode<synchronous>, transform_indices = @transform_4, window_bounds = array<i64: 1, 64>}, {transform_indices = @transform_5, window_bounds = array<i64: 512, 64>}]} {
    %get3A = arith.constant 0 : index
    %get3A_0 = arith.constant 0 : index
    %get3A_1 = vector.load %arg3[%get3A, %get3A_0] : memref<512x1xf32, #tpu.memory_space<vmem>>, vector<512x1xf32>
    %get3A_2 = arith.constant 0 : index
    %get3A_3 = arith.constant 0 : index
    %get3A_4 = vector.load %arg4[%get3A_2, %get3A_3] : memref<512x1xf32, #tpu.memory_space<vmem>>, vector<512x1xf32>
    %add3A = arith.addf %get3A_1, %get3A_4 : vector<512x1xf32>
    %add3A_5 = arith.constant 1.000000e+00 : f32
    %add3A_6 = vector.broadcast %add3A_5 : f32 to vector<512x1xf32>
    %add3A_7 = arith.addf %add3A, %add3A_6 : vector<512x1xf32>
    %rsqrt3A = math.rsqrt %add3A_7 : vector<512x1xf32>
    %get3A_8 = arith.constant 0 : index
    %get3A_9 = arith.constant 0 : index
    %get3A_10 = arith.constant 0 : index
    %get3A_11 = vector.load %arg1[%get3A_8, %get3A_9, %get3A_10] : memref<2x512x32xf32, #tpu.memory_space<vmem>>, vector<1x512x32xf32>
    %get3A_12 = vector.shape_cast %get3A_11 : vector<1x512x32xf32> to vector<512x32xf32>
    %get3A_13 = arith.constant 0 : index
    %get3A_14 = arith.constant 0 : index
    %get3A_15 = arith.constant 0 : index
    %get3A_16 = vector.load %arg2[%get3A_13, %get3A_14, %get3A_15] : memref<2x512x32xf32, #tpu.memory_space<vmem>>, vector<1x512x32xf32>
    %get3A_17 = vector.shape_cast %get3A_16 : vector<1x512x32xf32> to vector<512x32xf32>
    %add3A_18 = arith.addf %get3A_12, %get3A_17 : vector<512x32xf32>
    %mul3A = vector.broadcast %rsqrt3A : vector<512x1xf32> to vector<512x32xf32>
    %mul3A_19 = arith.mulf %add3A_18, %mul3A : vector<512x32xf32>
    %get3A_20 = arith.constant 1 : index
    %get3A_21 = arith.constant 0 : index
    %get3A_22 = arith.constant 0 : index
    %get3A_23 = vector.load %arg1[%get3A_20, %get3A_21, %get3A_22] : memref<2x512x32xf32, #tpu.memory_space<vmem>>, vector<1x512x32xf32>
    %get3A_24 = vector.shape_cast %get3A_23 : vector<1x512x32xf32> to vector<512x32xf32>
    %get3A_25 = arith.constant 1 : index
    %get3A_26 = arith.constant 0 : index
    %get3A_27 = arith.constant 0 : index
    %get3A_28 = vector.load %arg2[%get3A_25, %get3A_26, %get3A_27] : memref<2x512x32xf32, #tpu.memory_space<vmem>>, vector<1x512x32xf32>
    %get3A_29 = vector.shape_cast %get3A_28 : vector<1x512x32xf32> to vector<512x32xf32>
    %add3A_30 = arith.addf %get3A_24, %get3A_29 : vector<512x32xf32>
    %mul3A_31 = vector.broadcast %rsqrt3A : vector<512x1xf32> to vector<512x32xf32>
    %mul3A_32 = arith.mulf %add3A_30, %mul3A_31 : vector<512x32xf32>
    %concatenate3A = tpu.concatenate %mul3A_19, %mul3A_32 in 1 : vector<512x32xf32>, vector<512x32xf32> -> vector<512x64xf32>
    %get3A_33 = arith.constant 0 : index
    %get3A_34 = arith.constant 0 : index
    %get3A_35 = vector.load %arg5[%get3A_33, %get3A_34] : memref<1x64xf32, #tpu.memory_space<vmem>>, vector<1x64xf32>
    %add3A_36 = vector.broadcast %get3A_35 : vector<1x64xf32> to vector<512x64xf32>
    %add3A_37 = arith.addf %concatenate3A, %add3A_36 : vector<512x64xf32>
    %reduce_max3A = arith.constant dense<0xFF800000> : vector<512xf32>
    %reduce_max3A_38 = vector.multi_reduction <maximumf>, %add3A_37, %reduce_max3A [1] : vector<512x64xf32> to vector<512xf32>
    %broadcast_in_dim3A = vector.shape_cast %reduce_max3A_38 : vector<512xf32> to vector<512x1xf32>
    %sub3A = vector.broadcast %broadcast_in_dim3A : vector<512x1xf32> to vector<512x64xf32>
    %sub3A_39 = arith.subf %add3A_37, %sub3A : vector<512x64xf32>
    %exp3A = math.exp %sub3A_39 : vector<512x64xf32>
    %reduce_sum3A = arith.constant dense<0.000000e+00> : vector<512xf32>
    %reduce_sum3A_40 = vector.multi_reduction <add>, %exp3A, %reduce_sum3A [1] : vector<512x64xf32> to vector<512xf32>
    %broadcast_in_dim3A_41 = vector.shape_cast %reduce_sum3A_40 : vector<512xf32> to vector<512x1xf32>
    %div3A = vector.broadcast %broadcast_in_dim3A_41 : vector<512x1xf32> to vector<512x64xf32>
    %div3A_42 = arith.divf %exp3A, %div3A : vector<512x64xf32>
    %swap3A = arith.constant 0 : index
    %swap3A_43 = arith.constant 0 : index
    %swap3A_44 = vector.load %arg6[%swap3A, %swap3A_43] : memref<512x64xf32, #tpu.memory_space<vmem>>, vector<512x64xf32>
    tpu.vector_store %arg6[%swap3A, %swap3A_43], %div3A_42 {strides = array<i32>} : memref<512x64xf32, #tpu.memory_space<vmem>>, vector<512x64xf32>,
    return
  }
  func.func @transform_0(%arg0: i32) -> (i32, i32, i32) {
    %c0_i32 = arith.constant 0 : i32
    %c0_i32_0 = arith.constant 0 : i32
    %c0_i32_1 = arith.constant 0 : i32
    return %c0_i32, %arg0, %c0_i32_0 : i32, i32, i32
  }
  func.func @transform_1(%arg0: i32) -> (i32, i32, i32) {
    %c0_i32 = arith.constant 0 : i32
    %c0_i32_0 = arith.constant 0 : i32
    %c0_i32_1 = arith.constant 0 : i32
    return %c0_i32, %arg0, %c0_i32_0 : i32, i32, i32
  }
  func.func @transform_2(%arg0: i32) -> (i32, i32) {
    %c0_i32 = arith.constant 0 : i32
    %c0_i32_0 = arith.constant 0 : i32
    return %arg0, %c0_i32 : i32, i32
  }
  func.func @transform_3(%arg0: i32) -> (i32, i32) {
    %c0_i32 = arith.constant 0 : i32
    %c0_i32_0 = arith.constant 0 : i32
    return %arg0, %c0_i32 : i32, i32
  }
  func.func @transform_4(%arg0: i32) -> (i32, i32) {
    %c0_i32 = arith.constant 0 : i32
    %c0_i32_0 = arith.constant 0 : i32
    %c0_i32_1 = arith.constant 0 : i32
    return %c0_i32, %c0_i32_0 : i32, i32
  }
  func.func @transform_5(%arg0: i32) -> (i32, i32) {
    %c0_i32 = arith.constant 0 : i32
    %c0_i32_0 = arith.constant 0 : i32
    return %arg0, %c0_i32 : i32, i32
  }
}

</mosaic_0001>

<sc_bundles>
// kernel: kernel.10.cloned.1.call-start
scs
__scs_entry_jumppad:
0x0: {  	(pc) =	sbr.rel $0x88, $3  }
0x1: {  	(tag) =	ssettag $0x0;
	lr =	simm.s32 $0x1  }
0x2: {  	[smem:$0x3F99] =	sst lr;
	_ =	strace $0xD0000000  }
0x3: {  	_ = 	snop  }
0x4: {  	_ = 	snop  }
0x5: {  	_ = 	snop  }
0x6: {  	_ = 	snop  }
0x7: {  	_ = 	snop  }
__scs_overlays_trampoline_lowered:
0x8: {  	[smem:$0x3FA8] =	sst s0  }
0x9: {  	[smem:$0x3FA9] =	sst s1  }
0xa: {  	[smem:$0x3FAA] =	sst s2  }
0xb: {  	[smem:$0x3FAB] =	sst s3  }
0xc: {  	[smem:$0x3FAC] =	sst s4  }
0xd: {  	[smem:$0x3FAD] =	sst s5  }
0xe: {  	[smem:$0x3FAE] =	sst s6  }
0xf: {  	[smem:$0x3FAF] =	sst s7  }
0x10: {  	[smem:$0x3FB0] =	sst s8  }
0x11: {  	[smem:$0x3FB1] =	sst s9;
	s0 =	simm.s32 @!p0 $0x0  }
0x12: {  	s1 =	sld [smem:$0x3F97];
	s0 =	simm.s32 @p0 $0x1  }
0x13: {  	[smem:$0x3FB2] =	sst s0;
	s0 =	simm.s32 @!p1 $0x0  }
0x14: {  	s2 =	sld [smem:$0x3F96];
	s0 =	simm.s32 @p1 $0x1  }
0x15: {  	[smem:$0x3FB3] =	sst s0;
	s0 =	simm.s32 @!p2 $0x0  }
0x16: {  	s3 =	sld [smem:$0x3FDB];
	s0 =	simm.s32 @p2 $0x1  }
0x17: {  	s4 =	simm.s32 $0x1BF5;
	[smem:$0x3FB5] =	sst s0  }
0x18: {  	s0 =	sld [smem:$0x3F98];
	_ =	swait.ge [sflag:s4], $0x0  }
0x19: {  	s7 =	sld [smem:$0x3F99]  }
0x1a: {  	s8 =	sadd.s32 $0xFFFFE003, lr  }
0x1b: {  	s9 =	sadd.s32 $0xFFFFFEF7, lr;
	s5 =	simm.s32 $0xFFFFFFFF;
	p2 =	slt.u32 s8, $0xFFFFF086  }
0x1c: {  	p1 =	slt.u32 s9, $0xF7A;
	s5 =	simm.s32 @!p2 $0x0  }
0x1d: {  	s5 =	simm.s32 @p1 $0x1;
	p0 =	seq.s32 s7, s2  }
0x1e: {  	s7 =	smul.u32 @!p0 $0xF7A, s2;
	p2 =	seq.s32 @!p0 s5, $0x0  }
0x1f: {  	s9 =	smul.u32 $0xF7A, s1;
	s8 =	simm.s32 @!p0 $0x1BF5;
	p2 =	por !p2, p0  }
0x20: {  	[sflag:s8] =	ssyncset.s32 @!p0 $0xFFFFF086;
	s6 =	sadd.s32 @!p0 s3, s7;
	s7 =	simm.s32 @!p0 $0x108  }
0x21: {  	s3 =	sadd.s32 s3, s9;
	s6 =	sadd.s32 @!p0 $0x88, s6;
	s7 =	simm.s32 @p2 $0x1082  }
0x22: {  	[simem:s7], [sflag:s8] =	dma.local @!p0 [hbm:s6], $0xF7A  }
0x23: {  	s9 =	sor.u32 $0xD0000000, s2;
	s6 =	simm.s32 $0x108;
	_ =	swait.ge @!p0 [sflag:s8], $0x0  }
0x24: {  	s3 =	sadd.s32 $0x88, s3;
	s6 =	simm.s32 @!p1 $0x1082;
	[sflag:s4] =	ssyncset.s32 $0xFFFFF086  }
0x25: {  	[simem:s6], [sflag:s4] =	dma.local [hbm:s3], $0xF7A  }
0x26: {  	[smem:$0x3F99] =	sst s1;
	(tag) =	ssettag s2;
	_ =	strace s9  }
0x27: {  	s1 =	sld [smem:$0x3FA9]  }
0x28: {  	s2 =	sld [smem:$0x3FAA]  }
0x29: {  	s4 =	sld [smem:$0x3FAC]  }
0x2a: {  	p0 =	seq.s32 s5, $0x0;
	s5 =	sld [smem:$0x3FAD]  }
0x2b: {  	s6 =	sld [smem:$0x3FAE]  }
0x2c: {  	s7 =	sld [smem:$0x3FAF]  }
0x2d: {  	s3 =	simm.s32 $0x108;
	s8 =	sld [smem:$0x3FB0]  }
0x2e: {  	s3 =	simm.s32 @!p0 $0x1082;
	s9 =	sld [smem:$0x3FB1]  }
0x2f: {  	lr =	sadd.s32 s0, s3;
	s0 =	sld [smem:$0x3FA8]  }
0x30: {  	s3 =	sld [smem:$0x3FAB]  }
0x31: {  	[smem:$0x3FB4] =	sst s10  }
0x32: {  	s10 =	sld [smem:$0x3FB2];
	_ =	sdelay $0x3  }
0x33: {  	p0 =	seq.s32 s10, $0x1;
	s10 =	sld [smem:$0x3FB4];
	_ =	sdelay $0x3  }
0x34: {  	[smem:$0x3FB4] =	sst s10  }
0x35: {  	s10 =	sld [smem:$0x3FB3];
	_ =	sdelay $0x3  }
0x36: {  	p1 =	seq.s32 s10, $0x1;
	s10 =	sld [smem:$0x3FB4];
	_ =	sdelay $0x3  }
0x37: {  	[smem:$0x3FB4] =	sst s10  }
0x38: {  	s10 =	sld [smem:$0x3FB5]  }
0x39: {  	_ = 	snop;
	(pc) =	sbr.ind lr, $3  }
0x3a: {  	_ = 	snop  }
0x3b: {  	_ = 	snop  }
0x3c: {  	p2 =	seq.s32 s10, $0x1;
	s10 =	sld [smem:$0x3FB4]  }
0x3d: {  	_ =	shalt  }
0x3e: {  	_ =	shalt  }
0x3f: {  	_ =	shalt  }
0x40: {  	_ =	shalt  }
0x41: {  	_ =	shalt  }
0x42: {  	_ =	shalt  }
0x43: {  	_ =	shalt  }
0x44: {  	_ =	shalt  }
0x45: {  	_ =	shalt  }
0x46: {  	_ =	shalt  }
0x47: {  	_ =	shalt  }
0x48: {  	_ =	shalt  }
0x49: {  	_ =	shalt  }
0x4a: {  	_ =	shalt  }
0x4b: {  	_ =	shalt  }
0x4c: {  	_ =	shalt  }
0x4d: {  	_ =	shalt  }
0x4e: {  	_ =	shalt  }
0x4f: {  	_ =	shalt  }
0x50: {  	_ =	shalt  }
0x51: {  	_ =	shalt  }
0x52: {  	_ =	shalt  }
0x53: {  	_ =	shalt  }
0x54: {  	_ =	shalt  }
0x55: {  	_ =	shalt  }
0x56: {  	_ =	shalt  }
0x57: {  	_ =	shalt  }
0x58: {  	_ =	shalt  }
0x59: {  	_ =	shalt  }
0x5a: {  	_ =	shalt  }
0x5b: {  	_ =	shalt  }
0x5c: {  	_ =	shalt  }
0x5d: {  	_ =	shalt  }
0x5e: {  	_ =	shalt  }
0x5f: {  	_ =	shalt  }
0x60: {  	_ =	shalt  }
0x61: {  	_ =	shalt  }
0x62: {  	_ =	shalt  }
0x63: {  	_ =	shalt  }
0x64: {  	_ =	shalt  }
0x65: {  	_ =	shalt  }
0x66: {  	_ =	shalt  }
0x67: {  	_ =	shalt  }
0x68: {  	_ =	shalt  }
0x69: {  	_ =	shalt  }
0x6a: {  	_ =	shalt  }
0x6b: {  	_ =	shalt  }
0x6c: {  	_ =	shalt  }
0x6d: {  	_ =	shalt  }
0x6e: {  	_ =	shalt  }
0x6f: {  	_ =	shalt  }
0x70: {  	_ =	shalt  }
0x71: {  	_ =	shalt  }
0x72: {  	_ =	shalt  }
0x73: {  	_ =	shalt  }
0x74: {  	_ =	shalt  }
0x75: {  	_ =	shalt  }
0x76: {  	_ =	shalt  }
0x77: {  	_ =	shalt  }
0x78: {  	_ =	shalt  }
0x79: {  	_ =	shalt  }
0x7a: {  	_ =	shalt  }
0x7b: {  	_ =	shalt  }
0x7c: {  	_ =	shalt  }
0x7d: {  	_ =	shalt  }
0x7e: {  	_ =	shalt  }
0x7f: {  	_ =	shalt  }
0x80: {  	_ =	shalt  }
0x81: {  	_ =	shalt  }
0x82: {  	_ =	shalt  }
0x83: {  	_ =	shalt  }
0x84: {  	_ =	shalt  }
0x85: {  	_ =	shalt  }
0x86: {  	_ =	shalt  }
0x87: {  	_ =	shalt  }
.Lfunc_end0:
.L_simem_size_0:
called_computation_lowered:
.L_overlay_start_0:
0x88: {  	s2 =	sld [smem:$0x3FD9]  }
0x89: {  	s3 =	sld [smem:$0x3FFE];
	_ =	sdelay $0x1  }
0x8a: {  	s1 =	srdreg.scid  }
0x8b: {  	s0 =	sand.u32 $0x1, s1  }
0x8c: {  	s17 =	sshll.u32 s0, $0xA;
	s2 =	sadd.s32 s3, s2  }
0x8d: {  	s2 =	sadd.s32 s2, s17  }
0x8e: {  	[smem:$0x3FC0] =	sst s2  }
0x8f: {  	_ = 	snop  }
0x90: {  	s2 =	sld [smem:$0x3FD0];
	(tm) =	ssettm $0x1  }
0x91: {  	s18 =	sld [smem:$0x3FFB];
	_ =	sdelay $0x3  }
0x92: {  	_ =	strace s18  }
0x93: {  	s3 =	sld [smem:$0x3FFC];
	_ =	sdelay $0x3  }
0x94: {  	_ =	strace s3  }
0x95: {  	s3 =	sld [smem:$0x3FFD];
	_ =	sdelay $0x3  }
0x96: {  	_ =	strace s3  }
0x97: {  	_ =	strace $0x8FFFFFFF  }
0x98: {  	s19 =	sld [smem:$0x3FDB];
	_ =	sdelay $0x1  }
0x99: {  	s4 =	simm.s32 $_scs_section_size  }
0x9a: {  	s5 =	simm.s32 $_size__tile_overlayer_lowered;
	s6 =	simm.s32 $_tile_overlayer_lowered  }
0x9b: {  	s22 =	simm.s32 $0x1BFF;
	s21 =	sshll.u32 s6, $0x1;
	s3 =	sadd.s32 s4, s19  }
0x9c: {  	s7 =	simm.s32 $0x0;
	s20 =	sshll.u32 s5, $0x1;
	s5 =	sadd.s32 s21, s3  }
0x9d: {  	[timem:s7], [sflag:s22] =	dma.local [hbm:s5], s20  }
0x9e: {  	_ =	swait.ge [sflag:s22], s20  }
0x9f: {  	s4 =	ssub.s32 $0x0, s20;
	[sflag:s22] =	ssyncset.done $0x0  }
0xa0: {  	[sflag:s22] =	ssyncadd.s32 s4;
	_ =	sdelay $0x1  }
0xa1: {  	s23 =	simm.s32 $0x1B8B  }
0xa2: {  	_ =	swait.ge [sflag:s23], $0x1  }
0xa3: {  	[sflag:s23] =	ssyncset.done $0x0  }
0xa4: {  	s25 =	simm.s32 $0x1B8E;
	s24 =	sld [smem:$0x3FFE];
	[sflag:s23] =	ssyncadd.s32 $0xFFFFFFFF  }
0xa5: {  	s26 =	simm.s32 $execute0_lowered;
	[smem:$0x3FD2] =	sst s25  }
0xa6: {  	s5 =	sshll.u32 s26, $0x1;
	_ =	strace $0x80000046;
	[dreg:$0x1] =	wrdreg $0xFFFFFFFF  }
0xa7: {  	s28 =	simm.s32 $_size_execute0_lowered;
	s3 =	sadd.s32 s3, s5;
	[dreg:$0x0] =	wrdreg $0x0  }
0xa8: {  	s5 =	sshll.u32 s28, $0x1;
	[dreg:$0x2] =	wrdreg s3  }
0xa9: {  	[dreg:$0x3] =	wrdreg s5  }
0xaa: {  	[dreg:$0x4] =	wrdreg $0xC0  }
0xab: {  	_ =	task [dreg:s7], $0x5FFFF  }
0xac: {  	[dreg:$0x1] =	wrdreg $0xFFFFFFFF  }
0xad: {  	[dreg:$0x0] =	wrdreg $0x60  }
0xae: {  	[dreg:$0x2] =	wrdreg s2  }
0xaf: {  	[dreg:$0x3] =	wrdreg s24  }
0xb0: {  	[dreg:$0x4] =	wrdreg $0x52800  }
0xb1: {  	[dreg:$0x5] =	wrdreg $0x9  }
0xb2: {  	_ =	task.clear_ibuf [dreg:s7], $0x6FFFF;
	_ =	strace $0x90000046  }
0xb3: {  	s29 =	simm.s32 $0x9;
	_ =	strace $0x80000048  }
0xb4: {  	_ =	swait.ge [sflag:s29], $0x1  }
0xb5: {  	[sflag:s29] =	ssyncadd.s32 $0xFFFFFFFF  }
0xb6: {  	_ =	strace $0x90000048  }
0xb7: {  	_ =	sfence  }
0xb8: {  	s30 =	sld [smem:$0x0];
	_ =	sdelay $0x2  }
0xb9: {  	s31 =	sshll.u32 s1, $0xD;
	s1 =	sshrl.u32 s1, $0x2  }
0xba: {  	s3 =	sand.u32 $0x4000, s31;
	s1 =	sadd.s32 s1, s30  }
0xbb: {  	s0 =	sor.u32 s3, s0;
	s1 =	sshll.u32 s1, $0x11  }
0xbc: {  	s0 =	sor.u32 s1, s0  }
0xbd: {  	s0 =	sadd.s32 $0x8F2B, s0  }
0xbe: {  	[sflag:s0] =	ssyncadd.remote.s32 $0x1  }
0xbf: {  	_ =	sfence.sel $0xFFFF  }
0xc0: {  	[dreg:$0x0] =	wrdreg $0xFFFFFFFF;
	(pc) =	sbr.abs _section_cstart, $3  }
0xc1: {  	[dreg:$0x1] =	wrdreg $0xFFFFFFFF  }
0xc2: {  	_ =	task.clear_ibuf [dreg:s7], $0x2FFFF;
	_ =	strace $0x9FFFFFFF  }
0xc3: {  	(tm) =	ssettm $0x7FFFFFFF  }
tec
execute0_lowered:
.L_overlay_start_1:
0x0: {  	(tag) =	ssettag $0x1  }
0x1: {  	s5 =	rddreg [dreg:$0x0]  }
0x2: {  	s4 =	rddreg [dreg:$0x1]  }
0x3: {  	s1 =	srdreg.scid;
	s0 =	stileid.u32  }
0x4: {  	s2 =	rddreg [dreg:$0x2];
	s6 =	smul.u32 $0x280, s0  }
0x5: {  	s3 =	simm.s32 $0x0;
	s8 =	sand.u32 $0x1, s1;
	s11 =	smul.u32 $0x9F0, s0  }
0x6: {  	s13 =	simm.s32 $0x4F80;
	s1 =	rddreg [dreg:$0x3];
	s7 =	smul.u32 $0x2800, s8  }
0x7: {  	s16 =	simm.s32 $0x0;
	[smem:$0x7FF] =	sst s3;
	s30 =	smul.u32 $0x4F, s8  }
0x8: {  	s14 =	sshll.u32 s0, $0x6;
	_ =	strace $0x80000047;
	s31 =	smul.u32 $0xA000, s8  }
0x9: {  	s9 =	ssub.s32 $0x2, s8;
	s12 =	smul.u32 $0x50, s8;
	s8 =	ssub.s32 $0x50, s8  }
0xa: {  	s14 =	sor.u32 $0x1C01, s14;
	s10 =	sshrl.u32 s9, $0x1;
	s5 =	sadd.s32 s5, s11  }
.Ltmp0:
0xb: {  	s11 =	simm.s32 $0x1;
	s7 =	sadd.s32 s6, s7;
	(pc) =	sbr.rel .LBB2_1-.Ltmp0, $4  }
0xc: {  	s9 =	ssub.s32 s9, s10;
	s10 =	sadd.s32 $0x50, s30;
	s7 =	sshrl.u32 s7, $0x3  }
0xd: {  	p0 =	sge.u32 s12, s10;
	s10 =	simm.s32 $0x5000;
	s7 =	sadd.s32 s7, s4  }
0xe: {  	s12 =	simm.s32 $0x80;
	s4 =	sadd.s32 s6, s2;
	s6 =	sadd.s32 $0x2200, s7  }
0xf: {  	v0 =	vimm.f32 $0.0e+00;
	v1 =	vimm.f32 $1.000000000e+00;
	s7 =	smax.u32 s9, $0x1;
	s9 =	sshrl.u32 s31, $0x2;
	s15 =	sshrl.u32 s4, $0x3  }
.LBB2_4:
0x10: {  	[sflag:s11] =	ssyncadd.s32 $0xFFFFFF80  }
.LBB2_5:
0x11: {  	s16 =	sadd.s32 $0x1, s16  }
0x12: {  	p1 =	sne.s32 s16, s7  }
.Ltmp1:
0x13: {  	[bflag:$0x0] =	sbarrier.arrive $0xFFFF;
	(pc) =	sbr.rel @!p1 .LBB2_6-.Ltmp1, $4  }
0x14: {  	[hbm:s6], [sflag:s14] =	dma.local [spmem:s15], $0x50  }
0x15: {  	_ =	swait.ge [sflag:s11], $0x50  }
0x16: {  	[sflag:s11] =	ssyncset.done $0x0  }
0x17: {  	[sflag:s11] =	ssyncadd.s32 $0xFFFFFFB0  }
.LBB2_1:
0x18: {  	[tilespmem:$0x5000] =	vst v0  }
0x19: {  	[tilespmem:$0x5010] =	vst v0  }
0x1a: {  	[tilespmem:$0x5020] =	vst v0  }
0x1b: {  	[tilespmem:$0x5030] =	vst v0  }
0x1c: {  	[tilespmem:$0x5040] =	vst v0  }
0x1d: {  	[tilespmem:$0x5050] =	vst v0  }
0x1e: {  	[tilespmem:$0x5060] =	vst v0  }
0x1f: {  	[tilespmem:$0x5070] =	vst v0  }
0x20: {  	[tilespmem:$0x5080] =	vst v0  }
0x21: {  	[tilespmem:$0x5090] =	vst v0  }
0x22: {  	[tilespmem:$0x50A0] =	vst v0  }
0x23: {  	[tilespmem:$0x50B0] =	vst v0  }
0x24: {  	[tilespmem:$0x50C0] =	vst v0  }
0x25: {  	[tilespmem:$0x50D0] =	vst v0  }
0x26: {  	[tilespmem:$0x50E0] =	vst v0  }
0x27: {  	[tilespmem:$0x50F0] =	vst v0  }
0x28: {  	[tilespmem:$0x5100] =	vst v0  }
0x29: {  	[tilespmem:$0x5110] =	vst v0  }
0x2a: {  	[tilespmem:$0x5120] =	vst v0  }
0x2b: {  	[tilespmem:$0x5130] =	vst v0  }
0x2c: {  	[tilespmem:$0x5140] =	vst v0  }
0x2d: {  	[tilespmem:$0x5150] =	vst v0  }
0x2e: {  	[tilespmem:$0x5160] =	vst v0  }
0x2f: {  	[tilespmem:$0x5170] =	vst v0  }
0x30: {  	[tilespmem:$0x5180] =	vst v0  }
0x31: {  	[tilespmem:$0x5190] =	vst v0  }
0x32: {  	[tilespmem:$0x51A0] =	vst v0  }
0x33: {  	[tilespmem:$0x51B0] =	vst v0  }
0x34: {  	[tilespmem:$0x51C0] =	vst v0  }
0x35: {  	[tilespmem:$0x51D0] =	vst v0  }
0x36: {  	[tilespmem:$0x51E0] =	vst v0  }
0x37: {  	[tilespmem:$0x51F0] =	vst v0  }
0x38: {  	[tilespmem:$0x5200] =	vst v0  }
0x39: {  	[tilespmem:$0x5210] =	vst v0  }
0x3a: {  	[tilespmem:$0x5220] =	vst v0  }
0x3b: {  	[tilespmem:$0x5230] =	vst v0  }
0x3c: {  	[tilespmem:$0x5240] =	vst v0  }
0x3d: {  	[tilespmem:$0x5250] =	vst v0  }
0x3e: {  	[tilespmem:$0x5260] =	vst v0  }
0x3f: {  	[tilespmem:$0x5270] =	vst v0  }
0x40: {  	[tilespmem:$0x4F80] =	vst v1  }
0x41: {  	[tilespmem:$0x4F90] =	vst v1  }
0x42: {  	[tilespmem:$0x4FA0] =	vst v1  }
0x43: {  	[tilespmem:$0x4FB0] =	vst v1  }
0x44: {  	[tilespmem:$0x4FC0] =	vst v1  }
0x45: {  	[tilespmem:$0x4FD0] =	vst v1  }
0x46: {  	[tilespmem:$0x4FE0] =	vst v1  }
0x47: {  	[tilespmem:$0x4FF0] =	vst v1  }
0x48: {  	[spmem:s4] =	stream.linear.scatter [tilespmem:s10], [sflag:$0x1], $0x280, $0x38;
	[tilespmem:$0x5500] =	vst v63  }
0x49: {  	_ =	swait.ge [sflag:s11], $0x280  }
0x4a: {  	[sflag:s11] =	ssyncset.done $0x0  }
0x4b: {  	[sflag:s11] =	ssyncadd.s32 $0xFFFFFD80  }
0x4c: {  	[tilespmem:s3], [sflag:$0x1] =	stream.linear.gather [hbm4b:s5+s3], $0x4F80, $0x38;
	[tilespmem:$0x5500] =	vst v63  }
.Ltmp2:
0x4d: {  	_ =	swait.ge [sflag:s11], $0x4F80;
	(pc) =	sbr.rel @p0 .LBB2_5-.Ltmp2, $3  }
0x4e: {  	[sflag:s11] =	ssyncset.done $0x0  }
0x4f: {  	[sflag:s11] =	ssyncadd.s32 $0xFFFFB080  }
0x50: {  	[bflag:$0x0] =	sbarrier.arrive $0xFFFF;
	_ =	sdelay $0x1  }
0x51: {  	p1 =	sne.s32 s8, $0x1  }
.Ltmp3:
0x52: {  	_ = 	snop;
	(pc) =	sbr.rel @!p1 .LBB2_4-.Ltmp3, $4  }
0x53: {  	_ = 	snop  }
0x54: {  	[spmem:s2] =	stream.indirect.scatter.add.f32 [tilespmem:s13], [sflag:$0x1], $0x1, s9, s12, $0xb8;
	[tilespmem:$0x5500] =	vst v63  }
0x55: {  	_ =	swait.ge [sflag:s11], $0x80  }
0x56: {  	s17 =	sadd.s32 $0xFFFFFFFF, s8;
	s18 =	smov.u32 s9;
	[sflag:s11] =	ssyncset.done $0x0  }
.LBB2_3:
0x57: {  	p1 =	sne.s32 s17, $0x1;
	[sflag:s11] =	ssyncadd.s32 $0xFFFFFF80;
	s18 =	sadd.s32 $0x80, s18  }
.Ltmp4:
0x58: {  	s17 =	sadd.s32 $0xFFFFFFFF, s17;
	(pc) =	sbr.rel @p1 .LBB2_3-.Ltmp4, $4  }
0x59: {  	_ = 	snop  }
0x5a: {  	[spmem:s2] =	stream.indirect.scatter.add.f32 [tilespmem:s13], [sflag:$0x1], $0x1, s18, s12, $0xb8;
	[tilespmem:$0x5500] =	vst v63  }
0x5b: {  	_ =	swait.ge [sflag:s11], $0x80  }
0x5c: {  	[sflag:s11] =	ssyncset.done $0x0  }
.Ltmp5:
0x5d: {  	_ = 	snop;
	(pc) =	sbr.rel .LBB2_4-.Ltmp5, $1  }
0x5e: {  	_ =	sdelay $0x3  }
.LBB2_6:
0x5f: {  	_ =	sfence.sel $0x180000  }
0x60: {  	[bflag:$0x0] =	sbarrier.arrive $0xFFFF  }
0x61: {  	p0 =	sne.s32 s0, $0x0;
	_ =	strace $0x90000047  }
0x62: {  	s0 =	sadd.s32 @!p0 $0x100000, s1;
	[bflag:$0x2] =	sbarrier.arrive $0xFFFF  }
0x63: {  	[sflag:s0] =	ssyncadd.tile.s32 @!p0 $0x1;
	_ =	shalt  }
.Lfunc_end2:
_tile_overlayer_lowered:
.L_overlay_start_2:
0x64: {  	(tag) =	ssettag $0x2  }
0x65: {  	s0 =	rddreg [dreg:$0x0];
	s2 =	stileid.u32  }
0x66: {  	s1 =	rddreg [dreg:$0x1];
	p0 =	sne.s32 s2, $0x0  }
0x67: {  	s3 =	rddreg [dreg:$0x2];
	[bflag:$0x3] =	sbarrier.arrive $0xFFFF;
	s2 =	simm.s32 @!p0 $0x1C01  }
0x68: {  	[timem:s3], [sflag:s2] =	dma.local @!p0 [hbm:s0], s1  }
0x69: {  	s0 =	simm.s32 @!p0 $0x1  }
0x6a: {  	_ =	swait.ge @!p0 [sflag:s0], s1  }
0x6b: {  	s1 =	ssub.s32 @!p0 $0x0, s1;
	[sflag:s0] =	ssyncset.done @!p0 $0x0  }
0x6c: {  	[sflag:s0] =	ssyncadd.s32 @!p0 s1  }
0x6d: {  	[bflag:$0x3] =	sbarrier.arrive $0xFFFF  }
0x6e: {  	_ =	shalt  }

// kernel: kernel.13.cloned.1.call-start
scs
__scs_entry_jumppad:
0x0: {  	(pc) =	sbr.rel $0x88, $3  }
0x1: {  	(tag) =	ssettag $0x0;
	lr =	simm.s32 $0x1  }
0x2: {  	[smem:$0x3F99] =	sst lr;
	_ =	strace $0xD0000000  }
0x3: {  	_ = 	snop  }
0x4: {  	_ = 	snop  }
0x5: {  	_ = 	snop  }
0x6: {  	_ = 	snop  }
0x7: {  	_ = 	snop  }
__scs_overlays_trampoline_lowered:
0x8: {  	[smem:$0x3FA8] =	sst s0  }
0x9: {  	[smem:$0x3FA9] =	sst s1  }
0xa: {  	[smem:$0x3FAA] =	sst s2  }
0xb: {  	[smem:$0x3FAB] =	sst s3  }
0xc: {  	[smem:$0x3FAC] =	sst s4  }
0xd: {  	[smem:$0x3FAD] =	sst s5  }
0xe: {  	[smem:$0x3FAE] =	sst s6  }
0xf: {  	[smem:$0x3FAF] =	sst s7  }
0x10: {  	[smem:$0x3FB0] =	sst s8  }
0x11: {  	[smem:$0x3FB1] =	sst s9;
	s0 =	simm.s32 @!p0 $0x0  }
0x12: {  	s1 =	sld [smem:$0x3F97];
	s0 =	simm.s32 @p0 $0x1  }
0x13: {  	[smem:$0x3FB2] =	sst s0;
	s0 =	simm.s32 @!p1 $0x0  }
0x14: {  	s2 =	sld [smem:$0x3F96];
	s0 =	simm.s32 @p1 $0x1  }
0x15: {  	[smem:$0x3FB3] =	sst s0;
	s0 =	simm.s32 @!p2 $0x0  }
0x16: {  	s3 =	sld [smem:$0x3FDB];
	s0 =	simm.s32 @p2 $0x1  }
0x17: {  	s4 =	simm.s32 $0x1BF5;
	[smem:$0x3FB5] =	sst s0  }
0x18: {  	s0 =	sld [smem:$0x3F98];
	_ =	swait.ge [sflag:s4], $0x0  }
0x19: {  	s7 =	sld [smem:$0x3F99]  }
0x1a: {  	s8 =	sadd.s32 $0xFFFFE003, lr  }
0x1b: {  	s9 =	sadd.s32 $0xFFFFFEF7, lr;
	s5 =	simm.s32 $0xFFFFFFFF;
	p2 =	slt.u32 s8, $0xFFFFF086  }
0x1c: {  	p1 =	slt.u32 s9, $0xF7A;
	s5 =	simm.s32 @!p2 $0x0  }
0x1d: {  	s5 =	simm.s32 @p1 $0x1;
	p0 =	seq.s32 s7, s2  }
0x1e: {  	s7 =	smul.u32 @!p0 $0xF7A, s2;
	p2 =	seq.s32 @!p0 s5, $0x0  }
0x1f: {  	s9 =	smul.u32 $0xF7A, s1;
	s8 =	simm.s32 @!p0 $0x1BF5;
	p2 =	por !p2, p0  }
0x20: {  	[sflag:s8] =	ssyncset.s32 @!p0 $0xFFFFF086;
	s6 =	sadd.s32 @!p0 s3, s7;
	s7 =	simm.s32 @!p0 $0x108  }
0x21: {  	s3 =	sadd.s32 s3, s9;
	s6 =	sadd.s32 @!p0 $0x88, s6;
	s7 =	simm.s32 @p2 $0x1082  }
0x22: {  	[simem:s7], [sflag:s8] =	dma.local @!p0 [hbm:s6], $0xF7A  }
0x23: {  	s9 =	sor.u32 $0xD0000000, s2;
	s6 =	simm.s32 $0x108;
	_ =	swait.ge @!p0 [sflag:s8], $0x0  }
0x24: {  	s3 =	sadd.s32 $0x88, s3;
	s6 =	simm.s32 @!p1 $0x1082;
	[sflag:s4] =	ssyncset.s32 $0xFFFFF086  }
0x25: {  	[simem:s6], [sflag:s4] =	dma.local [hbm:s3], $0xF7A  }
0x26: {  	[smem:$0x3F99] =	sst s1;
	(tag) =	ssettag s2;
	_ =	strace s9  }
0x27: {  	s1 =	sld [smem:$0x3FA9]  }
0x28: {  	s2 =	sld [smem:$0x3FAA]  }
0x29: {  	s4 =	sld [smem:$0x3FAC]  }
0x2a: {  	p0 =	seq.s32 s5, $0x0;
	s5 =	sld [smem:$0x3FAD]  }
0x2b: {  	s6 =	sld [smem:$0x3FAE]  }
0x2c: {  	s7 =	sld [smem:$0x3FAF]  }
0x2d: {  	s3 =	simm.s32 $0x108;
	s8 =	sld [smem:$0x3FB0]  }
0x2e: {  	s3 =	simm.s32 @!p0 $0x1082;
	s9 =	sld [smem:$0x3FB1]  }
0x2f: {  	lr =	sadd.s32 s0, s3;
	s0 =	sld [smem:$0x3FA8]  }
0x30: {  	s3 =	sld [smem:$0x3FAB]  }
0x31: {  	[smem:$0x3FB4] =	sst s10  }
0x32: {  	s10 =	sld [smem:$0x3FB2];
	_ =	sdelay $0x3  }
0x33: {  	p0 =	seq.s32 s10, $0x1;
	s10 =	sld [smem:$0x3FB4];
	_ =	sdelay $0x3  }
0x34: {  	[smem:$0x3FB4] =	sst s10  }
0x35: {  	s10 =	sld [smem:$0x3FB3];
	_ =	sdelay $0x3  }
0x36: {  	p1 =	seq.s32 s10, $0x1;
	s10 =	sld [smem:$0x3FB4];
	_ =	sdelay $0x3  }
0x37: {  	[smem:$0x3FB4] =	sst s10  }
0x38: {  	s10 =	sld [smem:$0x3FB5]  }
0x39: {  	_ = 	snop;
	(pc) =	sbr.ind lr, $3  }
0x3a: {  	_ = 	snop  }
0x3b: {  	_ = 	snop  }
0x3c: {  	p2 =	seq.s32 s10, $0x1;
	s10 =	sld [smem:$0x3FB4]  }
0x3d: {  	_ =	shalt  }
0x3e: {  	_ =	shalt  }
0x3f: {  	_ =	shalt  }
0x40: {  	_ =	shalt  }
0x41: {  	_ =	shalt  }
0x42: {  	_ =	shalt  }
0x43: {  	_ =	shalt  }
0x44: {  	_ =	shalt  }
0x45: {  	_ =	shalt  }
0x46: {  	_ =	shalt  }
0x47: {  	_ =	shalt  }
0x48: {  	_ =	shalt  }
0x49: {  	_ =	shalt  }
0x4a: {  	_ =	shalt  }
0x4b: {  	_ =	shalt  }
0x4c: {  	_ =	shalt  }
0x4d: {  	_ =	shalt  }
0x4e: {  	_ =	shalt  }
0x4f: {  	_ =	shalt  }
0x50: {  	_ =	shalt  }
0x51: {  	_ =	shalt  }
0x52: {  	_ =	shalt  }
0x53: {  	_ =	shalt  }
0x54: {  	_ =	shalt  }
0x55: {  	_ =	shalt  }
0x56: {  	_ =	shalt  }
0x57: {  	_ =	shalt  }
0x58: {  	_ =	shalt  }
0x59: {  	_ =	shalt  }
0x5a: {  	_ =	shalt  }
0x5b: {  	_ =	shalt  }
0x5c: {  	_ =	shalt  }
0x5d: {  	_ =	shalt  }
0x5e: {  	_ =	shalt  }
0x5f: {  	_ =	shalt  }
0x60: {  	_ =	shalt  }
0x61: {  	_ =	shalt  }
0x62: {  	_ =	shalt  }
0x63: {  	_ =	shalt  }
0x64: {  	_ =	shalt  }
0x65: {  	_ =	shalt  }
0x66: {  	_ =	shalt  }
0x67: {  	_ =	shalt  }
0x68: {  	_ =	shalt  }
0x69: {  	_ =	shalt  }
0x6a: {  	_ =	shalt  }
0x6b: {  	_ =	shalt  }
0x6c: {  	_ =	shalt  }
0x6d: {  	_ =	shalt  }
0x6e: {  	_ =	shalt  }
0x6f: {  	_ =	shalt  }
0x70: {  	_ =	shalt  }
0x71: {  	_ =	shalt  }
0x72: {  	_ =	shalt  }
0x73: {  	_ =	shalt  }
0x74: {  	_ =	shalt  }
0x75: {  	_ =	shalt  }
0x76: {  	_ =	shalt  }
0x77: {  	_ =	shalt  }
0x78: {  	_ =	shalt  }
0x79: {  	_ =	shalt  }
0x7a: {  	_ =	shalt  }
0x7b: {  	_ =	shalt  }
0x7c: {  	_ =	shalt  }
0x7d: {  	_ =	shalt  }
0x7e: {  	_ =	shalt  }
0x7f: {  	_ =	shalt  }
0x80: {  	_ =	shalt  }
0x81: {  	_ =	shalt  }
0x82: {  	_ =	shalt  }
0x83: {  	_ =	shalt  }
0x84: {  	_ =	shalt  }
0x85: {  	_ =	shalt  }
0x86: {  	_ =	shalt  }
0x87: {  	_ =	shalt  }
.Lfunc_end0:
.L_simem_size_0:
called_computation.1_lowered:
.L_overlay_start_0:
0x88: {  	s2 =	sld [smem:$0x3FD9]  }
0x89: {  	s3 =	sld [smem:$0x3FFE];
	_ =	sdelay $0x1  }
0x8a: {  	s1 =	srdreg.scid  }
0x8b: {  	s0 =	sand.u32 $0x1, s1  }
0x8c: {  	s17 =	sshll.u32 s0, $0xA;
	s2 =	sadd.s32 s3, s2  }
0x8d: {  	s2 =	sadd.s32 s2, s17  }
0x8e: {  	[smem:$0x3FC0] =	sst s2  }
0x8f: {  	_ = 	snop  }
0x90: {  	s2 =	sld [smem:$0x3FD0];
	(tm) =	ssettm $0x1  }
0x91: {  	s18 =	sld [smem:$0x3FFB];
	_ =	sdelay $0x3  }
0x92: {  	_ =	strace s18  }
0x93: {  	s3 =	sld [smem:$0x3FFC];
	_ =	sdelay $0x3  }
0x94: {  	_ =	strace s3  }
0x95: {  	s3 =	sld [smem:$0x3FFD];
	_ =	sdelay $0x3  }
0x96: {  	_ =	strace s3  }
0x97: {  	_ =	strace $0x8FFFFFFF  }
0x98: {  	s19 =	sld [smem:$0x3FDB];
	_ =	sdelay $0x1  }
0x99: {  	s4 =	simm.s32 $_scs_section_size  }
0x9a: {  	s5 =	simm.s32 $_size__tile_overlayer_lowered;
	s6 =	simm.s32 $_tile_overlayer_lowered  }
0x9b: {  	s22 =	simm.s32 $0x1BFF;
	s21 =	sshll.u32 s6, $0x1;
	s3 =	sadd.s32 s4, s19  }
0x9c: {  	s7 =	simm.s32 $0x0;
	s20 =	sshll.u32 s5, $0x1;
	s5 =	sadd.s32 s21, s3  }
0x9d: {  	[timem:s7], [sflag:s22] =	dma.local [hbm:s5], s20  }
0x9e: {  	_ =	swait.ge [sflag:s22], s20  }
0x9f: {  	s4 =	ssub.s32 $0x0, s20;
	[sflag:s22] =	ssyncset.done $0x0  }
0xa0: {  	[sflag:s22] =	ssyncadd.s32 s4;
	_ =	sdelay $0x1  }
0xa1: {  	s23 =	simm.s32 $0x1B8B  }
0xa2: {  	_ =	swait.ge [sflag:s23], $0x1  }
0xa3: {  	[sflag:s23] =	ssyncset.done $0x0  }
0xa4: {  	s25 =	simm.s32 $0x1B8E;
	s24 =	sld [smem:$0x3FFE];
	[sflag:s23] =	ssyncadd.s32 $0xFFFFFFFF  }
0xa5: {  	s26 =	simm.s32 $execute0_lowered;
	[smem:$0x3FD2] =	sst s25  }
0xa6: {  	s5 =	sshll.u32 s26, $0x1;
	_ =	strace $0x80000049;
	[dreg:$0x1] =	wrdreg $0xFFFFFFFF  }
0xa7: {  	s28 =	simm.s32 $_size_execute0_lowered;
	s3 =	sadd.s32 s3, s5;
	[dreg:$0x0] =	wrdreg $0x0  }
0xa8: {  	s5 =	sshll.u32 s28, $0x1;
	[dreg:$0x2] =	wrdreg s3  }
0xa9: {  	[dreg:$0x3] =	wrdreg s5  }
0xaa: {  	[dreg:$0x4] =	wrdreg $0xC0  }
0xab: {  	_ =	task [dreg:s7], $0x5FFFF  }
0xac: {  	[dreg:$0x1] =	wrdreg $0xFFFFFFFF  }
0xad: {  	[dreg:$0x0] =	wrdreg $0x60  }
0xae: {  	[dreg:$0x2] =	wrdreg s24  }
0xaf: {  	[dreg:$0x3] =	wrdreg s2  }
0xb0: {  	[dreg:$0x4] =	wrdreg $0x10F000  }
0xb1: {  	[dreg:$0x5] =	wrdreg $0x9  }
0xb2: {  	_ =	task.clear_ibuf [dreg:s7], $0x6FFFF;
	_ =	strace $0x90000049  }
0xb3: {  	s29 =	simm.s32 $0x9;
	_ =	strace $0x8000004B  }
0xb4: {  	_ =	swait.ge [sflag:s29], $0x1  }
0xb5: {  	[sflag:s29] =	ssyncadd.s32 $0xFFFFFFFF  }
0xb6: {  	_ =	strace $0x9000004B  }
0xb7: {  	_ =	sfence  }
0xb8: {  	s30 =	sld [smem:$0x0];
	_ =	sdelay $0x2  }
0xb9: {  	s31 =	sshll.u32 s1, $0xD;
	s1 =	sshrl.u32 s1, $0x2  }
0xba: {  	s3 =	sand.u32 $0x4000, s31;
	s1 =	sadd.s32 s1, s30  }
0xbb: {  	s0 =	sor.u32 s3, s0;
	s1 =	sshll.u32 s1, $0x11  }
0xbc: {  	s0 =	sor.u32 s1, s0  }
0xbd: {  	s0 =	sadd.s32 $0x8F2B, s0  }
0xbe: {  	[sflag:s0] =	ssyncadd.remote.s32 $0x1  }
0xbf: {  	_ =	sfence.sel $0xFFFF  }
0xc0: {  	[dreg:$0x0] =	wrdreg $0xFFFFFFFF;
	(pc) =	sbr.abs _section_cstart, $3  }
0xc1: {  	[dreg:$0x1] =	wrdreg $0xFFFFFFFF  }
0xc2: {  	_ =	task.clear_ibuf [dreg:s7], $0x2FFFF;
	_ =	strace $0x9FFFFFFF  }
0xc3: {  	(tm) =	ssettm $0x7FFFFFFF  }
tec
execute0_lowered:
.L_overlay_start_1:
0x0: {  	(tag) =	ssettag $0x1  }
0x1: {  	s0 =	rddreg [dreg:$0x0]  }
0x2: {  	s1 =	srdreg.scid;
	s5 =	rddreg [dreg:$0x1]  }
0x3: {  	s11 =	stileid.u32;
	s2 =	rddreg [dreg:$0x2];
	s3 =	simm.s32 $0x0  }
0x4: {  	s19 =	simm.s32 $0x7;
	s20 =	simm.s32 $0x4F80;
	s21 =	simm.s32 $0x80  }
0x5: {  	s22 =	simm.s32 $0x9F00;
	s23 =	simm.s32 $0xBF00;
	s6 =	smul.u32 $0x4F80, s11  }
0x6: {  	s24 =	simm.s32 $0xFF00;
	s29 =	simm.s32 $0xDF00;
	s9 =	smul.u32 $0xA000, s11  }
0x7: {  	s30 =	simm.s32 $0x2;
	s1 =	sand.u32 $0x1, s1;
	s11 =	smul.u32 $0x28000, s11  }
0x8: {  	s28 =	simm.s32 $0x3;
	s31 =	simm.s32 $0x6;
	s7 =	smul.u32 $0x4F800, s1  }
0x9: {  	[smem:$0x7FF] =	sst s3;
	s8 =	smul.u32 $0xA0000, s1;
	s1 =	ssub.s32 $0x2, s1  }
0xa: {  	s4 =	sadd.s32 $0x66A00, s0;
	_ =	strace $0x8000004A;
	s10 =	sshrl.u32 s1, $0x1  }
0xb: {  	s25 =	sshrl.u32 s11, $0x2;
	s26 =	sadd.s32 s9, s2;
	s7 =	sadd.s32 s6, s7  }
0xc: {  	s8 =	sadd.s32 s9, s8;
	s1 =	ssub.s32 s1, s10;
	s6 =	sshrl.u32 s6, $0x3  }
0xd: {  	s7 =	sshrl.u32 s7, $0x3;
	s8 =	sshrl.u32 s8, $0x3;
	s5 =	sadd.s32 s5, s6  }
0xe: {  	s1 =	smax.u32 s1, $0x1;
	s7 =	sadd.s32 s7, s0;
	[dreg:$0x5] =	wrdreg s5  }
0xf: {  	s0 =	sadd.s32 s8, s0;
	[dreg:$0x7] =	wrdreg s1;
	s7 =	sadd.s32 $0x2C00, s7  }
0x10: {  	s1 =	simm.s32 $0x4;
	s0 =	sadd.s32 $0x16A00, s0;
	[dreg:$0x4] =	wrdreg s7  }
.Ltmp0:
0x11: {  	s7 =	sadd.s32 s25, s2;
	[dreg:$0x6] =	wrdreg s0;
	(pc) =	sbr.rel .LBB2_1-.Ltmp0, $4  }
0x12: {  	s25 =	sshrl.u32 s26, $0x3;
	s26 =	simm.s32 $0x1;
	s0 =	simm.s32 $0x5  }
0x13: {  	s10 =	sadd.s32 $0x1000, s7;
	s11 =	sadd.s32 $0x2000, s7;
	s12 =	sadd.s32 $0x3000, s7  }
0x14: {  	s13 =	sadd.s32 $0x4000, s7;
	s14 =	sadd.s32 $0x5000, s7;
	s15 =	sadd.s32 $0x6000, s7  }
0x15: {  	v0 =	vimm.f32 $0.0e+00;
	s16 =	sadd.s32 $0x7000, s7;
	s17 =	sadd.s32 $0x8000, s7;
	s18 =	sadd.s32 $0x9000, s7  }
.LBB2_6:
0x16: {  	_ =	swait.ge [sflag:s28], $0x2000  }
0x17: {  	[sflag:s28] =	ssyncset.done $0x0  }
0x18: {  	[sflag:s28] =	ssyncadd.s32 $0xFFFFE000  }
0x19: {  	[spmem:s2] =	stream.indirect.scatter.add.f32 [tilespmem:s29], [sflag:$0x6], $0x40, s8, s21, $0xb8;
	[tilespmem:$0x1AF00] =	vst v63  }
0x1a: {  	_ =	swait.ge [sflag:s1], $0x2000  }
0x1b: {  	[sflag:s1] =	ssyncset.done $0x0  }
0x1c: {  	[sflag:s1] =	ssyncadd.s32 $0xFFFFE000  }
0x1d: {  	_ =	swait.ge [sflag:s0], $0x2000  }
0x1e: {  	[sflag:s0] =	ssyncset.done $0x0  }
0x1f: {  	[sflag:s0] =	ssyncadd.s32 $0xFFFFE000  }
0x20: {  	_ =	swait.ge [sflag:s31], $0x2000  }
0x21: {  	[sflag:s31] =	ssyncset.done $0x0  }
0x22: {  	s5 =	stileid.u32;
	[sflag:s31] =	ssyncadd.s32 $0xFFFFE000  }
0x23: {  	s5 =	sshll.u32 s5, $0x6;
	[bflag:$0x0] =	sbarrier.arrive $0xFFFF  }
0x24: {  	s5 =	sor.u32 $0x1C07, s5;
	s6 =	rddreg [dreg:$0x6]  }
0x25: {  	[hbm:s6], [sflag:s5] =	dma.local [spmem:s25], $0x1400  }
0x26: {  	_ =	swait.ge [sflag:s19], $0x1400  }
0x27: {  	s3 =	sadd.s32 $0x1, s3;
	s9 =	rddreg [dreg:$0x7]  }
0x28: {  	p0 =	sne.s32 s3, s9  }
.Ltmp1:
0x29: {  	_ = 	snop;
	(pc) =	sbr.rel @!p0 .LBB2_7-.Ltmp1, $3  }
0x2a: {  	_ =	sdelay $0x1  }
0x2b: {  	[sflag:s19] =	ssyncset.done $0x0  }
0x2c: {  	[sflag:s19] =	ssyncadd.s32 $0xFFFFEC00  }
.LBB2_1:
0x2d: {  	s6 =	simm.s32 $0x100;
	s5 =	simm.s32 $0x0  }
.LBB2_2:
0x2e: {  	p0 =	sne.s32 s6, $0x3F00;
	[tilespmem:s5+$0xFF30] =	vst v0;
	s8 =	smov.u32 s6;
	s6 =	sadd.s32 $0x100, s6  }
.Ltmp2:
0x2f: {  	[tilespmem:s5+$0xFF20] =	vst v0;
	(pc) =	sbr.rel @p0 .LBB2_2-.Ltmp2, $3  }
0x30: {  	[tilespmem:s5+$0xFF00] =	vst v0  }
0x31: {  	[tilespmem:s5+$0xFF10] =	vst v0;
	_ =	sdelay $0x1  }
0x32: {  	s5 =	sshra.s32 s8, $0x2  }
0x33: {  	[tilespmem:s5+$0xFF30] =	vst v0  }
0x34: {  	[tilespmem:s5+$0xFF20] =	vst v0  }
0x35: {  	[tilespmem:s5+$0xFF00] =	vst v0  }
0x36: {  	[tilespmem:s5+$0xFF10] =	vst v0;
	s5 =	simm.s32 $0x0;
	s6 =	rddreg [dreg:$0x4]  }
0x37: {  	[tilespmem:s5], [sflag:$0x7] =	stream.linear.gather [hbm4b:s6+s5], $0x4F80, $0x38;
	[tilespmem:$0x1AF00] =	vst v63  }
0x38: {  	_ =	swait.ge [sflag:s19], $0x4F80  }
0x39: {  	[sflag:s19] =	ssyncset.done $0x0  }
0x3a: {  	s8 =	rddreg [dreg:$0x5];
	[sflag:s19] =	ssyncadd.s32 $0xFFFFB080  }
0x3b: {  	[tilespmem:s20], [sflag:$0x7] =	stream.linear.gather [hbm4b:s8+s5], $0x4F80, $0x38;
	[tilespmem:$0x1AF00] =	vst v63  }
0x3c: {  	_ =	swait.ge [sflag:s19], $0x4F80  }
0x3d: {  	[sflag:s19] =	ssyncset.done $0x0  }
0x3e: {  	[sflag:s19] =	ssyncadd.s32 $0xFFFFB080  }
0x3f: {  	[tilespmem:s22], [sflag:$0x1] =	stream.indirect.gather [hbm4b:s4+s21], $0x40, s5, s21, $0xb8;
	[tilespmem:$0x1AF00] =	vst v63  }
0x40: {  	_ = 	snop  }
0x41: {  	[tilespmem:s23], [sflag:$0x2] =	stream.indirect.gather [hbm4b:s4+s21], $0x40, s21, s21, $0xb8;
	[tilespmem:$0x1AF00] =	vst v63  }
0x42: {  	_ = 	snop  }
0x43: {  	[spmem:s7] =	stream.linear.scatter [tilespmem:s24], [sflag:$0x7], $0x1000, $0x38;
	[tilespmem:$0x1AF00] =	vst v63  }
0x44: {  	_ =	swait.ge [sflag:s19], $0x1000  }
0x45: {  	[sflag:s19] =	ssyncset.done $0x0  }
0x46: {  	[sflag:s19] =	ssyncadd.s32 $0xFFFFF000  }
0x47: {  	[spmem:s10] =	stream.linear.scatter [tilespmem:s24], [sflag:$0x7], $0x1000, $0x38;
	[tilespmem:$0x1AF00] =	vst v63  }
0x48: {  	_ =	swait.ge [sflag:s19], $0x1000  }
0x49: {  	[sflag:s19] =	ssyncset.done $0x0  }
0x4a: {  	[sflag:s19] =	ssyncadd.s32 $0xFFFFF000  }
0x4b: {  	[spmem:s11] =	stream.linear.scatter [tilespmem:s24], [sflag:$0x7], $0x1000, $0x38;
	[tilespmem:$0x1AF00] =	vst v63  }
0x4c: {  	_ =	swait.ge [sflag:s19], $0x1000  }
0x4d: {  	[sflag:s19] =	ssyncset.done $0x0  }
0x4e: {  	[sflag:s19] =	ssyncadd.s32 $0xFFFFF000  }
0x4f: {  	[spmem:s12] =	stream.linear.scatter [tilespmem:s24], [sflag:$0x7], $0x1000, $0x38;
	[tilespmem:$0x1AF00] =	vst v63  }
0x50: {  	_ =	swait.ge [sflag:s19], $0x1000  }
0x51: {  	[sflag:s19] =	ssyncset.done $0x0  }
0x52: {  	[sflag:s19] =	ssyncadd.s32 $0xFFFFF000  }
0x53: {  	[spmem:s13] =	stream.linear.scatter [tilespmem:s24], [sflag:$0x7], $0x1000, $0x38;
	[tilespmem:$0x1AF00] =	vst v63  }
0x54: {  	_ =	swait.ge [sflag:s19], $0x1000  }
0x55: {  	[sflag:s19] =	ssyncset.done $0x0  }
0x56: {  	[sflag:s19] =	ssyncadd.s32 $0xFFFFF000  }
0x57: {  	[spmem:s14] =	stream.linear.scatter [tilespmem:s24], [sflag:$0x7], $0x1000, $0x38;
	[tilespmem:$0x1AF00] =	vst v63  }
0x58: {  	_ =	swait.ge [sflag:s19], $0x1000  }
0x59: {  	[sflag:s19] =	ssyncset.done $0x0  }
0x5a: {  	[sflag:s19] =	ssyncadd.s32 $0xFFFFF000  }
0x5b: {  	[spmem:s15] =	stream.linear.scatter [tilespmem:s24], [sflag:$0x7], $0x1000, $0x38;
	[tilespmem:$0x1AF00] =	vst v63  }
0x5c: {  	_ =	swait.ge [sflag:s19], $0x1000  }
0x5d: {  	[sflag:s19] =	ssyncset.done $0x0  }
0x5e: {  	[sflag:s19] =	ssyncadd.s32 $0xFFFFF000  }
0x5f: {  	[spmem:s16] =	stream.linear.scatter [tilespmem:s24], [sflag:$0x7], $0x1000, $0x38;
	[tilespmem:$0x1AF00] =	vst v63  }
0x60: {  	_ =	swait.ge [sflag:s19], $0x1000  }
0x61: {  	[sflag:s19] =	ssyncset.done $0x0  }
0x62: {  	[sflag:s19] =	ssyncadd.s32 $0xFFFFF000  }
0x63: {  	[spmem:s17] =	stream.linear.scatter [tilespmem:s24], [sflag:$0x7], $0x1000, $0x38;
	[tilespmem:$0x1AF00] =	vst v63  }
0x64: {  	_ =	swait.ge [sflag:s19], $0x1000  }
0x65: {  	[sflag:s19] =	ssyncset.done $0x0  }
0x66: {  	[sflag:s19] =	ssyncadd.s32 $0xFFFFF000  }
0x67: {  	[spmem:s18] =	stream.linear.scatter [tilespmem:s24], [sflag:$0x7], $0x1000, $0x38;
	[tilespmem:$0x1AF00] =	vst v63  }
0x68: {  	_ =	swait.ge [sflag:s19], $0x1000  }
0x69: {  	[sflag:s19] =	ssyncset.done $0x0  }
0x6a: {  	[sflag:s19] =	ssyncadd.s32 $0xFFFFF000  }
0x6b: {  	[bflag:$0x0] =	sbarrier.arrive $0xFFFF  }
0x6c: {  	_ =	swait.ge [sflag:s26], $0x2000  }
0x6d: {  	[sflag:s26] =	ssyncset.done $0x0  }
0x6e: {  	[sflag:s26] =	ssyncadd.s32 $0xFFFFE000  }
0x6f: {  	[spmem:s2] =	stream.indirect.scatter.add.f32 [tilespmem:s22], [sflag:$0x4], $0x40, s20, s21, $0xb8;
	[tilespmem:$0x1AF00] =	vst v63  }
0x70: {  	s9 =	simm.s32 $0x100  }
0x71: {  	[tilespmem:s29], [sflag:$0x3] =	stream.indirect.gather [hbm4b:s4+s21], $0x40, s9, s21, $0xb8;
	[tilespmem:$0x1AF00] =	vst v63  }
0x72: {  	_ =	swait.ge [sflag:s30], $0x2000  }
0x73: {  	[sflag:s30] =	ssyncset.done $0x0  }
0x74: {  	s8 =	simm.s32 $0x5000;
	[sflag:s30] =	ssyncadd.s32 $0xFFFFE000  }
0x75: {  	[spmem:s2] =	stream.indirect.scatter.add.f32 [tilespmem:s23], [sflag:$0x5], $0x40, s8, s21, $0xb8;
	[tilespmem:$0x1AF00] =	vst v63  }
0x76: {  	_ =	swait.ge [sflag:s1], $0x2000  }
0x77: {  	[sflag:s1] =	ssyncset.done $0x0  }
0x78: {  	s9 =	simm.s32 $0x180;
	[sflag:s1] =	ssyncadd.s32 $0xFFFFE000  }
0x79: {  	[tilespmem:s22], [sflag:$0x1] =	stream.indirect.gather [hbm4b:s4+s21], $0x40, s9, s21, $0xb8;
	[tilespmem:$0x1AF00] =	vst v63  }
0x7a: {  	_ =	swait.ge [sflag:s28], $0x2000  }
0x7b: {  	[sflag:s28] =	ssyncset.done $0x0  }
0x7c: {  	s8 =	simm.s32 $0x5080;
	[sflag:s28] =	ssyncadd.s32 $0xFFFFE000  }
0x7d: {  	[spmem:s2] =	stream.indirect.scatter.add.f32 [tilespmem:s29], [sflag:$0x6], $0x40, s8, s21, $0xb8;
	[tilespmem:$0x1AF00] =	vst v63  }
0x7e: {  	_ =	swait.ge [sflag:s0], $0x2000  }
0x7f: {  	[sflag:s0] =	ssyncset.done $0x0  }
0x80: {  	s9 =	simm.s32 $0x200;
	[sflag:s0] =	ssyncadd.s32 $0xFFFFE000  }
0x81: {  	[tilespmem:s23], [sflag:$0x2] =	stream.indirect.gather [hbm4b:s4+s21], $0x40, s9, s21, $0xb8;
	[tilespmem:$0x1AF00] =	vst v63  }
.LBB2_4:
0x82: {  	_ =	swait.ge [sflag:s26], $0x2000  }
0x83: {  	s6 =	sshra.s32 s5, $0x2;
	[sflag:s26] =	ssyncset.done $0x0  }
0x84: {  	s8 =	sadd.s32 $0x5100, s6;
	[sflag:s26] =	ssyncadd.s32 $0xFFFFE000  }
0x85: {  	[spmem:s2] =	stream.indirect.scatter.add.f32 [tilespmem:s22], [sflag:$0x4], $0x40, s8, s21, $0xb8;
	[tilespmem:$0x1AF00] =	vst v63  }
0x86: {  	_ =	swait.ge [sflag:s31], $0x2000  }
0x87: {  	[sflag:s31] =	ssyncset.done $0x0  }
0x88: {  	p0 =	seq.s32 s5, $0x13200;
	s9 =	sadd.s32 $0x280, s6;
	[sflag:s31] =	ssyncadd.s32 $0xFFFFE000  }
0x89: {  	[tilespmem:s29], [sflag:$0x3] =	stream.indirect.gather [hbm4b:s4+s21], $0x40, s9, s21, $0xb8;
	[tilespmem:$0x1AF00] =	vst v63  }
.Ltmp3:
0x8a: {  	_ = 	snop;
	(pc) =	sbr.rel @p0 .LBB2_6-.Ltmp3, $4  }
0x8b: {  	_ =	swait.ge [sflag:s30], $0x2000  }
0x8c: {  	[sflag:s30] =	ssyncset.done $0x0  }
0x8d: {  	s8 =	sadd.s32 $0x5200, s6;
	s9 =	sadd.s32 $0x5180, s6;
	[sflag:s30] =	ssyncadd.s32 $0xFFFFE000  }
0x8e: {  	[spmem:s2] =	stream.indirect.scatter.add.f32 [tilespmem:s23], [sflag:$0x5], $0x40, s9, s21, $0xb8;
	[tilespmem:$0x1AF00] =	vst v63  }
0x8f: {  	_ =	swait.ge [sflag:s1], $0x2000  }
0x90: {  	[sflag:s1] =	ssyncset.done $0x0  }
0x91: {  	s9 =	sadd.s32 $0x300, s6;
	[sflag:s1] =	ssyncadd.s32 $0xFFFFE000  }
0x92: {  	[tilespmem:s22], [sflag:$0x1] =	stream.indirect.gather [hbm4b:s4+s21], $0x40, s9, s21, $0xb8;
	[tilespmem:$0x1AF00] =	vst v63  }
0x93: {  	_ =	swait.ge [sflag:s28], $0x2000  }
0x94: {  	[sflag:s28] =	ssyncset.done $0x0  }
0x95: {  	[sflag:s28] =	ssyncadd.s32 $0xFFFFE000  }
0x96: {  	[spmem:s2] =	stream.indirect.scatter.add.f32 [tilespmem:s29], [sflag:$0x6], $0x40, s8, s21, $0xb8;
	[tilespmem:$0x1AF00] =	vst v63  }
.Ltmp4:
0x97: {  	_ = 	snop;
	(pc) =	sbr.rel .LBB2_4-.Ltmp4, $4  }
0x98: {  	_ =	swait.ge [sflag:s0], $0x2000  }
0x99: {  	[sflag:s0] =	ssyncset.done $0x0  }
0x9a: {  	s5 =	sadd.s32 $0x600, s5;
	s9 =	sadd.s32 $0x380, s6;
	[sflag:s0] =	ssyncadd.s32 $0xFFFFE000  }
0x9b: {  	[tilespmem:s23], [sflag:$0x2] =	stream.indirect.gather [hbm4b:s4+s21], $0x40, s9, s21, $0xb8;
	[tilespmem:$0x1AF00] =	vst v63  }
.LBB2_7:
0x9c: {  	_ =	sfence.sel $0x180000  }
0x9d: {  	[bflag:$0x0] =	sbarrier.arrive $0xFFFF  }
0x9e: {  	_ =	strace $0x9000004A  }
0x9f: {  	s0 =	stileid.u32;
	[bflag:$0x2] =	sbarrier.arrive $0xFFFF  }
0xa0: {  	p0 =	sne.s32 s0, $0x0;
	s0 =	rddreg [dreg:$0x3]  }
0xa1: {  	s0 =	sadd.s32 @!p0 $0x100000, s0  }
0xa2: {  	[sflag:s0] =	ssyncadd.tile.s32 @!p0 $0x1;
	_ =	shalt  }
.Lfunc_end2:
_tile_overlayer_lowered:
.L_overlay_start_2:
0xa3: {  	(tag) =	ssettag $0x2  }
0xa4: {  	s0 =	rddreg [dreg:$0x0];
	s2 =	stileid.u32  }
0xa5: {  	s1 =	rddreg [dreg:$0x1];
	p0 =	sne.s32 s2, $0x0  }
0xa6: {  	s3 =	rddreg [dreg:$0x2];
	[bflag:$0x3] =	sbarrier.arrive $0xFFFF;
	s2 =	simm.s32 @!p0 $0x1C07  }
0xa7: {  	[timem:s3], [sflag:s2] =	dma.local @!p0 [hbm:s0], s1  }
0xa8: {  	s0 =	simm.s32 @!p0 $0x7  }
0xa9: {  	_ =	swait.ge @!p0 [sflag:s0], s1  }
0xaa: {  	s1 =	ssub.s32 @!p0 $0x0, s1;
	[sflag:s0] =	ssyncset.done @!p0 $0x0  }
0xab: {  	[sflag:s0] =	ssyncadd.s32 @!p0 s1  }
0xac: {  	[bflag:$0x3] =	sbarrier.arrive $0xFFFF  }
0xad: {  	_ =	shalt  }

// kernel: kernel.16.cloned.1.call-start
scs
__scs_entry_jumppad:
0x0: {  	(pc) =	sbr.rel $0x88, $3  }
0x1: {  	(tag) =	ssettag $0x0;
	lr =	simm.s32 $0x1  }
0x2: {  	[smem:$0x3F99] =	sst lr;
	_ =	strace $0xD0000000  }
0x3: {  	_ = 	snop  }
0x4: {  	_ = 	snop  }
0x5: {  	_ = 	snop  }
0x6: {  	_ = 	snop  }
0x7: {  	_ = 	snop  }
__scs_overlays_trampoline_lowered:
0x8: {  	[smem:$0x3FA8] =	sst s0  }
0x9: {  	[smem:$0x3FA9] =	sst s1  }
0xa: {  	[smem:$0x3FAA] =	sst s2  }
0xb: {  	[smem:$0x3FAB] =	sst s3  }
0xc: {  	[smem:$0x3FAC] =	sst s4  }
0xd: {  	[smem:$0x3FAD] =	sst s5  }
0xe: {  	[smem:$0x3FAE] =	sst s6  }
0xf: {  	[smem:$0x3FAF] =	sst s7  }
0x10: {  	[smem:$0x3FB0] =	sst s8  }
0x11: {  	[smem:$0x3FB1] =	sst s9;
	s0 =	simm.s32 @!p0 $0x0  }
0x12: {  	s1 =	sld [smem:$0x3F97];
	s0 =	simm.s32 @p0 $0x1  }
0x13: {  	[smem:$0x3FB2] =	sst s0;
	s0 =	simm.s32 @!p1 $0x0  }
0x14: {  	s2 =	sld [smem:$0x3F96];
	s0 =	simm.s32 @p1 $0x1  }
0x15: {  	[smem:$0x3FB3] =	sst s0;
	s0 =	simm.s32 @!p2 $0x0  }
0x16: {  	s3 =	sld [smem:$0x3FDB];
	s0 =	simm.s32 @p2 $0x1  }
0x17: {  	s4 =	simm.s32 $0x1BF5;
	[smem:$0x3FB5] =	sst s0  }
0x18: {  	s0 =	sld [smem:$0x3F98];
	_ =	swait.ge [sflag:s4], $0x0  }
0x19: {  	s7 =	sld [smem:$0x3F99]  }
0x1a: {  	s8 =	sadd.s32 $0xFFFFE003, lr  }
0x1b: {  	s9 =	sadd.s32 $0xFFFFFEF7, lr;
	s5 =	simm.s32 $0xFFFFFFFF;
	p2 =	slt.u32 s8, $0xFFFFF086  }
0x1c: {  	p1 =	slt.u32 s9, $0xF7A;
	s5 =	simm.s32 @!p2 $0x0  }
0x1d: {  	s5 =	simm.s32 @p1 $0x1;
	p0 =	seq.s32 s7, s2  }
0x1e: {  	s7 =	smul.u32 @!p0 $0xF7A, s2;
	p2 =	seq.s32 @!p0 s5, $0x0  }
0x1f: {  	s9 =	smul.u32 $0xF7A, s1;
	s8 =	simm.s32 @!p0 $0x1BF5;
	p2 =	por !p2, p0  }
0x20: {  	[sflag:s8] =	ssyncset.s32 @!p0 $0xFFFFF086;
	s6 =	sadd.s32 @!p0 s3, s7;
	s7 =	simm.s32 @!p0 $0x108  }
0x21: {  	s3 =	sadd.s32 s3, s9;
	s6 =	sadd.s32 @!p0 $0x88, s6;
	s7 =	simm.s32 @p2 $0x1082  }
0x22: {  	[simem:s7], [sflag:s8] =	dma.local @!p0 [hbm:s6], $0xF7A  }
0x23: {  	s9 =	sor.u32 $0xD0000000, s2;
	s6 =	simm.s32 $0x108;
	_ =	swait.ge @!p0 [sflag:s8], $0x0  }
0x24: {  	s3 =	sadd.s32 $0x88, s3;
	s6 =	simm.s32 @!p1 $0x1082;
	[sflag:s4] =	ssyncset.s32 $0xFFFFF086  }
0x25: {  	[simem:s6], [sflag:s4] =	dma.local [hbm:s3], $0xF7A  }
0x26: {  	[smem:$0x3F99] =	sst s1;
	(tag) =	ssettag s2;
	_ =	strace s9  }
0x27: {  	s1 =	sld [smem:$0x3FA9]  }
0x28: {  	s2 =	sld [smem:$0x3FAA]  }
0x29: {  	s4 =	sld [smem:$0x3FAC]  }
0x2a: {  	p0 =	seq.s32 s5, $0x0;
	s5 =	sld [smem:$0x3FAD]  }
0x2b: {  	s6 =	sld [smem:$0x3FAE]  }
0x2c: {  	s7 =	sld [smem:$0x3FAF]  }
0x2d: {  	s3 =	simm.s32 $0x108;
	s8 =	sld [smem:$0x3FB0]  }
0x2e: {  	s3 =	simm.s32 @!p0 $0x1082;
	s9 =	sld [smem:$0x3FB1]  }
0x2f: {  	lr =	sadd.s32 s0, s3;
	s0 =	sld [smem:$0x3FA8]  }
0x30: {  	s3 =	sld [smem:$0x3FAB]  }
0x31: {  	[smem:$0x3FB4] =	sst s10  }
0x32: {  	s10 =	sld [smem:$0x3FB2];
	_ =	sdelay $0x3  }
0x33: {  	p0 =	seq.s32 s10, $0x1;
	s10 =	sld [smem:$0x3FB4];
	_ =	sdelay $0x3  }
0x34: {  	[smem:$0x3FB4] =	sst s10  }
0x35: {  	s10 =	sld [smem:$0x3FB3];
	_ =	sdelay $0x3  }
0x36: {  	p1 =	seq.s32 s10, $0x1;
	s10 =	sld [smem:$0x3FB4];
	_ =	sdelay $0x3  }
0x37: {  	[smem:$0x3FB4] =	sst s10  }
0x38: {  	s10 =	sld [smem:$0x3FB5]  }
0x39: {  	_ = 	snop;
	(pc) =	sbr.ind lr, $3  }
0x3a: {  	_ = 	snop  }
0x3b: {  	_ = 	snop  }
0x3c: {  	p2 =	seq.s32 s10, $0x1;
	s10 =	sld [smem:$0x3FB4]  }
0x3d: {  	_ =	shalt  }
0x3e: {  	_ =	shalt  }
0x3f: {  	_ =	shalt  }
0x40: {  	_ =	shalt  }
0x41: {  	_ =	shalt  }
0x42: {  	_ =	shalt  }
0x43: {  	_ =	shalt  }
0x44: {  	_ =	shalt  }
0x45: {  	_ =	shalt  }
0x46: {  	_ =	shalt  }
0x47: {  	_ =	shalt  }
0x48: {  	_ =	shalt  }
0x49: {  	_ =	shalt  }
0x4a: {  	_ =	shalt  }
0x4b: {  	_ =	shalt  }
0x4c: {  	_ =	shalt  }
0x4d: {  	_ =	shalt  }
0x4e: {  	_ =	shalt  }
0x4f: {  	_ =	shalt  }
0x50: {  	_ =	shalt  }
0x51: {  	_ =	shalt  }
0x52: {  	_ =	shalt  }
0x53: {  	_ =	shalt  }
0x54: {  	_ =	shalt  }
0x55: {  	_ =	shalt  }
0x56: {  	_ =	shalt  }
0x57: {  	_ =	shalt  }
0x58: {  	_ =	shalt  }
0x59: {  	_ =	shalt  }
0x5a: {  	_ =	shalt  }
0x5b: {  	_ =	shalt  }
0x5c: {  	_ =	shalt  }
0x5d: {  	_ =	shalt  }
0x5e: {  	_ =	shalt  }
0x5f: {  	_ =	shalt  }
0x60: {  	_ =	shalt  }
0x61: {  	_ =	shalt  }
0x62: {  	_ =	shalt  }
0x63: {  	_ =	shalt  }
0x64: {  	_ =	shalt  }
0x65: {  	_ =	shalt  }
0x66: {  	_ =	shalt  }
0x67: {  	_ =	shalt  }
0x68: {  	_ =	shalt  }
0x69: {  	_ =	shalt  }
0x6a: {  	_ =	shalt  }
0x6b: {  	_ =	shalt  }
0x6c: {  	_ =	shalt  }
0x6d: {  	_ =	shalt  }
0x6e: {  	_ =	shalt  }
0x6f: {  	_ =	shalt  }
0x70: {  	_ =	shalt  }
0x71: {  	_ =	shalt  }
0x72: {  	_ =	shalt  }
0x73: {  	_ =	shalt  }
0x74: {  	_ =	shalt  }
0x75: {  	_ =	shalt  }
0x76: {  	_ =	shalt  }
0x77: {  	_ =	shalt  }
0x78: {  	_ =	shalt  }
0x79: {  	_ =	shalt  }
0x7a: {  	_ =	shalt  }
0x7b: {  	_ =	shalt  }
0x7c: {  	_ =	shalt  }
0x7d: {  	_ =	shalt  }
0x7e: {  	_ =	shalt  }
0x7f: {  	_ =	shalt  }
0x80: {  	_ =	shalt  }
0x81: {  	_ =	shalt  }
0x82: {  	_ =	shalt  }
0x83: {  	_ =	shalt  }
0x84: {  	_ =	shalt  }
0x85: {  	_ =	shalt  }
0x86: {  	_ =	shalt  }
0x87: {  	_ =	shalt  }
.Lfunc_end0:
.L_simem_size_0:
called_computation.2_lowered:
.L_overlay_start_0:
0x88: {  	s2 =	sld [smem:$0x3FD9]  }
0x89: {  	s3 =	sld [smem:$0x3FFE];
	_ =	sdelay $0x1  }
0x8a: {  	s1 =	srdreg.scid  }
0x8b: {  	s0 =	sand.u32 $0x1, s1  }
0x8c: {  	s17 =	sshll.u32 s0, $0xA;
	s2 =	sadd.s32 s3, s2  }
0x8d: {  	s2 =	sadd.s32 s2, s17  }
0x8e: {  	[smem:$0x3FC0] =	sst s2  }
0x8f: {  	_ = 	snop  }
0x90: {  	s2 =	sld [smem:$0x3FD0];
	(tm) =	ssettm $0x1  }
0x91: {  	s18 =	sld [smem:$0x3FFB];
	_ =	sdelay $0x3  }
0x92: {  	_ =	strace s18  }
0x93: {  	s3 =	sld [smem:$0x3FFC];
	_ =	sdelay $0x3  }
0x94: {  	_ =	strace s3  }
0x95: {  	s3 =	sld [smem:$0x3FFD];
	_ =	sdelay $0x3  }
0x96: {  	_ =	strace s3  }
0x97: {  	_ =	strace $0x8FFFFFFF  }
0x98: {  	s19 =	sld [smem:$0x3FDB];
	_ =	sdelay $0x1  }
0x99: {  	s4 =	simm.s32 $_scs_section_size  }
0x9a: {  	s5 =	simm.s32 $_size__tile_overlayer_lowered;
	s6 =	simm.s32 $_tile_overlayer_lowered  }
0x9b: {  	s22 =	simm.s32 $0x1BFF;
	s21 =	sshll.u32 s6, $0x1;
	s3 =	sadd.s32 s4, s19  }
0x9c: {  	s7 =	simm.s32 $0x0;
	s20 =	sshll.u32 s5, $0x1;
	s5 =	sadd.s32 s21, s3  }
0x9d: {  	[timem:s7], [sflag:s22] =	dma.local [hbm:s5], s20  }
0x9e: {  	_ =	swait.ge [sflag:s22], s20  }
0x9f: {  	s4 =	ssub.s32 $0x0, s20;
	[sflag:s22] =	ssyncset.done $0x0  }
0xa0: {  	[sflag:s22] =	ssyncadd.s32 s4;
	_ =	sdelay $0x1  }
0xa1: {  	s23 =	simm.s32 $0x1B8B  }
0xa2: {  	_ =	swait.ge [sflag:s23], $0x1  }
0xa3: {  	[sflag:s23] =	ssyncset.done $0x0  }
0xa4: {  	s25 =	simm.s32 $0x1B8E;
	s24 =	sld [smem:$0x3FFE];
	[sflag:s23] =	ssyncadd.s32 $0xFFFFFFFF  }
0xa5: {  	s26 =	simm.s32 $execute0_lowered;
	[smem:$0x3FD2] =	sst s25  }
0xa6: {  	s5 =	sshll.u32 s26, $0x1;
	_ =	strace $0x8000004C;
	[dreg:$0x1] =	wrdreg $0xFFFFFFFF  }
0xa7: {  	s28 =	simm.s32 $_size_execute0_lowered;
	s3 =	sadd.s32 s3, s5;
	[dreg:$0x0] =	wrdreg $0x0  }
0xa8: {  	s5 =	sshll.u32 s28, $0x1;
	[dreg:$0x2] =	wrdreg s3  }
0xa9: {  	[dreg:$0x3] =	wrdreg s5  }
0xaa: {  	[dreg:$0x4] =	wrdreg $0xC0  }
0xab: {  	_ =	task [dreg:s7], $0x5FFFF  }
0xac: {  	[dreg:$0x1] =	wrdreg $0xFFFFFFFF  }
0xad: {  	[dreg:$0x0] =	wrdreg $0x60  }
0xae: {  	[dreg:$0x2] =	wrdreg s24  }
0xaf: {  	[dreg:$0x3] =	wrdreg s2  }
0xb0: {  	[dreg:$0x4] =	wrdreg $0x10F000  }
0xb1: {  	[dreg:$0x5] =	wrdreg $0x9  }
0xb2: {  	_ =	task.clear_ibuf [dreg:s7], $0x6FFFF;
	_ =	strace $0x9000004C  }
0xb3: {  	s29 =	simm.s32 $0x9;
	_ =	strace $0x8000004E  }
0xb4: {  	_ =	swait.ge [sflag:s29], $0x1  }
0xb5: {  	[sflag:s29] =	ssyncadd.s32 $0xFFFFFFFF  }
0xb6: {  	_ =	strace $0x9000004E  }
0xb7: {  	_ =	sfence  }
0xb8: {  	s30 =	sld [smem:$0x0];
	_ =	sdelay $0x2  }
0xb9: {  	s31 =	sshll.u32 s1, $0xD;
	s1 =	sshrl.u32 s1, $0x2  }
0xba: {  	s3 =	sand.u32 $0x4000, s31;
	s1 =	sadd.s32 s1, s30  }
0xbb: {  	s0 =	sor.u32 s3, s0;
	s1 =	sshll.u32 s1, $0x11  }
0xbc: {  	s0 =	sor.u32 s1, s0  }
0xbd: {  	s0 =	sadd.s32 $0x8F2B, s0  }
0xbe: {  	[sflag:s0] =	ssyncadd.remote.s32 $0x1  }
0xbf: {  	_ =	sfence.sel $0xFFFF  }
0xc0: {  	[dreg:$0x0] =	wrdreg $0xFFFFFFFF;
	(pc) =	sbr.abs _section_cstart, $3  }
0xc1: {  	[dreg:$0x1] =	wrdreg $0xFFFFFFFF  }
0xc2: {  	_ =	task.clear_ibuf [dreg:s7], $0x2FFFF;
	_ =	strace $0x9FFFFFFF  }
0xc3: {  	(tm) =	ssettm $0x7FFFFFFF  }
tec
execute0_lowered:
.L_overlay_start_1:
0x0: {  	(tag) =	ssettag $0x1  }
0x1: {  	s0 =	rddreg [dreg:$0x0];
	s1 =	srdreg.scid  }
0x2: {  	s11 =	stileid.u32;
	s5 =	rddreg [dreg:$0x1]  }
0x3: {  	s2 =	rddreg [dreg:$0x2];
	s3 =	simm.s32 $0x0;
	s6 =	smul.u32 $0x4F80, s11  }
0x4: {  	s21 =	simm.s32 $0x7;
	s23 =	simm.s32 $0x80;
	s8 =	smul.u32 $0xA000, s11  }
0x5: {  	s28 =	simm.s32 $0x1;
	s1 =	sand.u32 $0x1, s1;
	s11 =	smul.u32 $0x28000, s11  }
0x6: {  	s30 =	simm.s32 $0xDF00;
	s31 =	simm.s32 $0x2;
	s7 =	smul.u32 $0x4F800, s1  }
0x7: {  	[smem:$0x7FF] =	sst s3;
	s9 =	smul.u32 $0xA0000, s1;
	s1 =	ssub.s32 $0x2, s1  }
0x8: {  	s4 =	sadd.s32 $0x16A00, s0;
	_ =	strace $0x8000004D;
	s10 =	sshrl.u32 s1, $0x1  }
0x9: {  	s24 =	sshrl.u32 s11, $0x2;
	s26 =	sadd.s32 s8, s2;
	s11 =	simm.s32 $0x6  }
0xa: {  	s7 =	sadd.s32 s6, s7;
	s9 =	sadd.s32 s8, s9;
	s1 =	ssub.s32 s1, s10  }
0xb: {  	s6 =	sshrl.u32 s6, $0x3;
	[dreg:$0x7] =	wrdreg s26;
	s26 =	simm.s32 $0xFF00  }
0xc: {  	s7 =	sshrl.u32 s7, $0x3;
	s9 =	sshrl.u32 s9, $0x3;
	s5 =	sadd.s32 s5, s6  }
0xd: {  	s29 =	smax.u32 s1, $0x1;
	s7 =	sadd.s32 s7, s0;
	[dreg:$0x5] =	wrdreg s5  }
0xe: {  	s0 =	sadd.s32 s9, s0;
	[dreg:$0x9] =	wrdreg s29;
	s7 =	sadd.s32 $0x2C00, s7  }
0xf: {  	s6 =	simm.s32 $0x3;
	s25 =	sadd.s32 $0x12EA00, s0;
	[dreg:$0x4] =	wrdreg s7  }
0x10: {  	s9 =	simm.s32 $0x5;
	s0 =	sadd.s32 $0x156A00, s0;
	[dreg:$0x6] =	wrdreg s25  }
.Ltmp0:
0x11: {  	s7 =	sadd.s32 s24, s2;
	[dreg:$0x8] =	wrdreg s0;
	(pc) =	sbr.rel .LBB2_1-.Ltmp0, $4  }
0x12: {  	s24 =	simm.s32 $0x9F00;
	s25 =	simm.s32 $0xBF00;
	s0 =	simm.s32 $0x4  }
0x13: {  	s12 =	sadd.s32 $0x1000, s7;
	s13 =	sadd.s32 $0x2000, s7;
	s14 =	sadd.s32 $0x3000, s7  }
0x14: {  	s15 =	sadd.s32 $0x4000, s7;
	s16 =	sadd.s32 $0x5000, s7;
	s17 =	sadd.s32 $0x6000, s7  }
0x15: {  	v0 =	vimm.f32 $0.0e+00;
	s18 =	sadd.s32 $0x7000, s7;
	s19 =	sadd.s32 $0x8000, s7;
	s20 =	sadd.s32 $0x9000, s7  }
.LBB2_11:
0x16: {  	_ =	swait.ge [sflag:s6], $0x2000  }
0x17: {  	[sflag:s6] =	ssyncset.done $0x0  }
0x18: {  	[sflag:s6] =	ssyncadd.s32 $0xFFFFE000  }
0x19: {  	[spmem:s2] =	stream.indirect.scatter.add.f32 [tilespmem:s30], [sflag:$0x6], $0x40, s10, s23, $0xb8;
	[tilespmem:$0x1AF00] =	vst v63  }
0x1a: {  	_ =	swait.ge [sflag:s0], $0x2000  }
0x1b: {  	[sflag:s0] =	ssyncset.done $0x0  }
0x1c: {  	[sflag:s0] =	ssyncadd.s32 $0xFFFFE000  }
0x1d: {  	_ =	swait.ge [sflag:s9], $0x2000  }
0x1e: {  	[sflag:s9] =	ssyncset.done $0x0  }
0x1f: {  	[sflag:s9] =	ssyncadd.s32 $0xFFFFE000  }
0x20: {  	_ =	swait.ge [sflag:s11], $0x2000  }
0x21: {  	[sflag:s11] =	ssyncset.done $0x0  }
0x22: {  	[sflag:s11] =	ssyncadd.s32 $0xFFFFE000  }
0x23: {  	[bflag:$0x0] =	sbarrier.arrive $0xFFFF  }
0x24: {  	s5 =	rddreg [dreg:$0x8]  }
0x25: {  	[hbm:s5], [sflag:s29] =	dma.local [spmem:s1], $0x1400  }
0x26: {  	_ =	swait.ge [sflag:s21], $0x1400  }
0x27: {  	s3 =	sadd.s32 $0x1, s3;
	s29 =	rddreg [dreg:$0x9]  }
0x28: {  	p0 =	sne.s32 s3, s29  }
.Ltmp1:
0x29: {  	_ = 	snop;
	(pc) =	sbr.rel @!p0 .LBB2_12-.Ltmp1, $3  }
0x2a: {  	_ =	sdelay $0x1  }
0x2b: {  	[sflag:s21] =	ssyncset.done $0x0  }
0x2c: {  	[sflag:s21] =	ssyncadd.s32 $0xFFFFEC00  }
.LBB2_1:
0x2d: {  	s5 =	simm.s32 $0x100;
	s1 =	simm.s32 $0x0  }
.LBB2_2:
0x2e: {  	p0 =	sne.s32 s5, $0x3F00;
	[tilespmem:s1+$0xFF30] =	vst v0;
	s8 =	smov.u32 s5;
	s5 =	sadd.s32 $0x100, s5  }
.Ltmp2:
0x2f: {  	[tilespmem:s1+$0xFF20] =	vst v0;
	(pc) =	sbr.rel @p0 .LBB2_2-.Ltmp2, $3  }
0x30: {  	[tilespmem:s1+$0xFF00] =	vst v0  }
0x31: {  	[tilespmem:s1+$0xFF10] =	vst v0;
	_ =	sdelay $0x1  }
0x32: {  	s1 =	sshra.s32 s8, $0x2  }
0x33: {  	[tilespmem:s1+$0xFF30] =	vst v0  }
0x34: {  	[tilespmem:s1+$0xFF20] =	vst v0  }
0x35: {  	[tilespmem:s1+$0xFF00] =	vst v0  }
0x36: {  	[tilespmem:s1+$0xFF10] =	vst v0;
	s1 =	simm.s32 $0x0;
	s5 =	rddreg [dreg:$0x4]  }
0x37: {  	[tilespmem:s1], [sflag:$0x7] =	stream.linear.gather [hbm4b:s5+s1], $0x4F80, $0x38;
	[tilespmem:$0x1AF00] =	vst v63  }
0x38: {  	_ =	swait.ge [sflag:s21], $0x4F80  }
0x39: {  	[sflag:s21] =	ssyncset.done $0x0  }
0x3a: {  	s8 =	simm.s32 $0x4F80;
	s29 =	rddreg [dreg:$0x5];
	[sflag:s21] =	ssyncadd.s32 $0xFFFFB080  }
0x3b: {  	[tilespmem:s8], [sflag:$0x7] =	stream.linear.gather [hbm4b:s29+s1], $0x4F80, $0x38;
	[tilespmem:$0x1AF00] =	vst v63  }
0x3c: {  	_ =	swait.ge [sflag:s21], $0x4F80  }
0x3d: {  	[sflag:s21] =	ssyncset.done $0x0  }
0x3e: {  	[sflag:s21] =	ssyncadd.s32 $0xFFFFB080  }
0x3f: {  	[tilespmem:s24], [sflag:$0x1] =	stream.indirect.gather [hbm4b:s4+s23], $0x40, s1, s23, $0xb8;
	[tilespmem:$0x1AF00] =	vst v63  }
0x40: {  	_ = 	snop  }
0x41: {  	[tilespmem:s25], [sflag:$0x2] =	stream.indirect.gather [hbm4b:s4+s23], $0x40, s23, s23, $0xb8;
	[tilespmem:$0x1AF00] =	vst v63  }
0x42: {  	_ = 	snop  }
0x43: {  	[spmem:s7] =	stream.linear.scatter [tilespmem:s26], [sflag:$0x7], $0x1000, $0x38;
	[tilespmem:$0x1AF00] =	vst v63  }
0x44: {  	_ =	swait.ge [sflag:s21], $0x1000  }
0x45: {  	[sflag:s21] =	ssyncset.done $0x0  }
0x46: {  	[sflag:s21] =	ssyncadd.s32 $0xFFFFF000  }
0x47: {  	[spmem:s12] =	stream.linear.scatter [tilespmem:s26], [sflag:$0x7], $0x1000, $0x38;
	[tilespmem:$0x1AF00] =	vst v63  }
0x48: {  	_ =	swait.ge [sflag:s21], $0x1000  }
0x49: {  	[sflag:s21] =	ssyncset.done $0x0  }
0x4a: {  	[sflag:s21] =	ssyncadd.s32 $0xFFFFF000  }
0x4b: {  	[spmem:s13] =	stream.linear.scatter [tilespmem:s26], [sflag:$0x7], $0x1000, $0x38;
	[tilespmem:$0x1AF00] =	vst v63  }
0x4c: {  	_ =	swait.ge [sflag:s21], $0x1000  }
0x4d: {  	[sflag:s21] =	ssyncset.done $0x0  }
0x4e: {  	[sflag:s21] =	ssyncadd.s32 $0xFFFFF000  }
0x4f: {  	[spmem:s14] =	stream.linear.scatter [tilespmem:s26], [sflag:$0x7], $0x1000, $0x38;
	[tilespmem:$0x1AF00] =	vst v63  }
0x50: {  	_ =	swait.ge [sflag:s21], $0x1000  }
0x51: {  	[sflag:s21] =	ssyncset.done $0x0  }
0x52: {  	[sflag:s21] =	ssyncadd.s32 $0xFFFFF000  }
0x53: {  	[spmem:s15] =	stream.linear.scatter [tilespmem:s26], [sflag:$0x7], $0x1000, $0x38;
	[tilespmem:$0x1AF00] =	vst v63  }
0x54: {  	_ =	swait.ge [sflag:s21], $0x1000  }
0x55: {  	[sflag:s21] =	ssyncset.done $0x0  }
0x56: {  	[sflag:s21] =	ssyncadd.s32 $0xFFFFF000  }
0x57: {  	[spmem:s16] =	stream.linear.scatter [tilespmem:s26], [sflag:$0x7], $0x1000, $0x38;
	[tilespmem:$0x1AF00] =	vst v63  }
0x58: {  	_ =	swait.ge [sflag:s21], $0x1000  }
0x59: {  	[sflag:s21] =	ssyncset.done $0x0  }
0x5a: {  	[sflag:s21] =	ssyncadd.s32 $0xFFFFF000  }
0x5b: {  	[spmem:s17] =	stream.linear.scatter [tilespmem:s26], [sflag:$0x7], $0x1000, $0x38;
	[tilespmem:$0x1AF00] =	vst v63  }
0x5c: {  	_ =	swait.ge [sflag:s21], $0x1000  }
0x5d: {  	[sflag:s21] =	ssyncset.done $0x0  }
0x5e: {  	[sflag:s21] =	ssyncadd.s32 $0xFFFFF000  }
0x5f: {  	[spmem:s18] =	stream.linear.scatter [tilespmem:s26], [sflag:$0x7], $0x1000, $0x38;
	[tilespmem:$0x1AF00] =	vst v63  }
0x60: {  	_ =	swait.ge [sflag:s21], $0x1000  }
0x61: {  	[sflag:s21] =	ssyncset.done $0x0  }
0x62: {  	[sflag:s21] =	ssyncadd.s32 $0xFFFFF000  }
0x63: {  	[spmem:s19] =	stream.linear.scatter [tilespmem:s26], [sflag:$0x7], $0x1000, $0x38;
	[tilespmem:$0x1AF00] =	vst v63  }
0x64: {  	_ =	swait.ge [sflag:s21], $0x1000  }
0x65: {  	[sflag:s21] =	ssyncset.done $0x0  }
0x66: {  	[sflag:s21] =	ssyncadd.s32 $0xFFFFF000  }
0x67: {  	[spmem:s20] =	stream.linear.scatter [tilespmem:s26], [sflag:$0x7], $0x1000, $0x38;
	[tilespmem:$0x1AF00] =	vst v63  }
0x68: {  	_ =	swait.ge [sflag:s21], $0x1000  }
0x69: {  	[sflag:s21] =	ssyncset.done $0x0  }
0x6a: {  	[sflag:s21] =	ssyncadd.s32 $0xFFFFF000  }
0x6b: {  	[bflag:$0x0] =	sbarrier.arrive $0xFFFF  }
0x6c: {  	_ =	swait.ge [sflag:s28], $0x2000  }
0x6d: {  	[sflag:s28] =	ssyncset.done $0x0  }
0x6e: {  	[sflag:s28] =	ssyncadd.s32 $0xFFFFE000  }
0x6f: {  	[spmem:s2] =	stream.indirect.scatter.add.f32 [tilespmem:s24], [sflag:$0x4], $0x40, s8, s23, $0xb8;
	[tilespmem:$0x1AF00] =	vst v63  }
0x70: {  	s10 =	simm.s32 $0x100  }
0x71: {  	[tilespmem:s30], [sflag:$0x3] =	stream.indirect.gather [hbm4b:s4+s23], $0x40, s10, s23, $0xb8;
	[tilespmem:$0x1AF00] =	vst v63  }
0x72: {  	_ =	swait.ge [sflag:s31], $0x2000  }
0x73: {  	[sflag:s31] =	ssyncset.done $0x0  }
0x74: {  	s29 =	simm.s32 $0x5000;
	[sflag:s31] =	ssyncadd.s32 $0xFFFFE000  }
0x75: {  	[spmem:s2] =	stream.indirect.scatter.add.f32 [tilespmem:s25], [sflag:$0x5], $0x40, s29, s23, $0xb8;
	[tilespmem:$0x1AF00] =	vst v63  }
0x76: {  	_ =	swait.ge [sflag:s0], $0x2000  }
0x77: {  	[sflag:s0] =	ssyncset.done $0x0  }
0x78: {  	s8 =	simm.s32 $0x180;
	[sflag:s0] =	ssyncadd.s32 $0xFFFFE000  }
0x79: {  	[tilespmem:s24], [sflag:$0x1] =	stream.indirect.gather [hbm4b:s4+s23], $0x40, s8, s23, $0xb8;
	[tilespmem:$0x1AF00] =	vst v63  }
0x7a: {  	_ =	swait.ge [sflag:s6], $0x2000  }
0x7b: {  	[sflag:s6] =	ssyncset.done $0x0  }
0x7c: {  	s10 =	simm.s32 $0x5080;
	[sflag:s6] =	ssyncadd.s32 $0xFFFFE000  }
0x7d: {  	[spmem:s2] =	stream.indirect.scatter.add.f32 [tilespmem:s30], [sflag:$0x6], $0x40, s10, s23, $0xb8;
	[tilespmem:$0x1AF00] =	vst v63  }
0x7e: {  	_ =	swait.ge [sflag:s9], $0x2000  }
0x7f: {  	[sflag:s9] =	ssyncset.done $0x0  }
0x80: {  	s22 =	simm.s32 $0x4F80;
	s29 =	simm.s32 $0x200;
	[sflag:s9] =	ssyncadd.s32 $0xFFFFE000  }
0x81: {  	[tilespmem:s25], [sflag:$0x2] =	stream.indirect.gather [hbm4b:s4+s23], $0x40, s29, s23, $0xb8;
	[tilespmem:$0x1AF00] =	vst v63  }
.LBB2_4:
0x82: {  	_ =	swait.ge [sflag:s28], $0x2000  }
0x83: {  	s5 =	sshra.s32 s1, $0x2;
	[sflag:s28] =	ssyncset.done $0x0  }
0x84: {  	s8 =	sadd.s32 $0x5100, s5;
	[sflag:s28] =	ssyncadd.s32 $0xFFFFE000  }
0x85: {  	[spmem:s2] =	stream.indirect.scatter.add.f32 [tilespmem:s24], [sflag:$0x4], $0x40, s8, s23, $0xb8;
	[tilespmem:$0x1AF00] =	vst v63  }
0x86: {  	_ =	swait.ge [sflag:s11], $0x2000  }
0x87: {  	[sflag:s11] =	ssyncset.done $0x0  }
0x88: {  	p0 =	seq.s32 s1, $0x13200;
	s10 =	sadd.s32 $0x280, s5;
	[sflag:s11] =	ssyncadd.s32 $0xFFFFE000  }
0x89: {  	[tilespmem:s30], [sflag:$0x3] =	stream.indirect.gather [hbm4b:s4+s23], $0x40, s10, s23, $0xb8;
	[tilespmem:$0x1AF00] =	vst v63  }
.Ltmp3:
0x8a: {  	_ = 	snop;
	(pc) =	sbr.rel @p0 .LBB2_6-.Ltmp3, $4  }
0x8b: {  	_ =	swait.ge [sflag:s31], $0x2000  }
0x8c: {  	[sflag:s31] =	ssyncset.done $0x0  }
0x8d: {  	s29 =	sadd.s32 $0x5180, s5;
	s8 =	sadd.s32 $0x5200, s5;
	[sflag:s31] =	ssyncadd.s32 $0xFFFFE000  }
0x8e: {  	[spmem:s2] =	stream.indirect.scatter.add.f32 [tilespmem:s25], [sflag:$0x5], $0x40, s29, s23, $0xb8;
	[tilespmem:$0x1AF00] =	vst v63  }
0x8f: {  	_ =	swait.ge [sflag:s0], $0x2000  }
0x90: {  	[sflag:s0] =	ssyncset.done $0x0  }
0x91: {  	s10 =	sadd.s32 $0x300, s5;
	[sflag:s0] =	ssyncadd.s32 $0xFFFFE000  }
0x92: {  	[tilespmem:s24], [sflag:$0x1] =	stream.indirect.gather [hbm4b:s4+s23], $0x40, s10, s23, $0xb8;
	[tilespmem:$0x1AF00] =	vst v63  }
0x93: {  	_ =	swait.ge [sflag:s6], $0x2000  }
0x94: {  	[sflag:s6] =	ssyncset.done $0x0  }
0x95: {  	[sflag:s6] =	ssyncadd.s32 $0xFFFFE000  }
0x96: {  	[spmem:s2] =	stream.indirect.scatter.add.f32 [tilespmem:s30], [sflag:$0x6], $0x40, s8, s23, $0xb8;
	[tilespmem:$0x1AF00] =	vst v63  }
.Ltmp4:
0x97: {  	_ = 	snop;
	(pc) =	sbr.rel .LBB2_4-.Ltmp4, $4  }
0x98: {  	_ =	swait.ge [sflag:s9], $0x2000  }
0x99: {  	[sflag:s9] =	ssyncset.done $0x0  }
0x9a: {  	s29 =	sadd.s32 $0x380, s5;
	s1 =	sadd.s32 $0x600, s1;
	[sflag:s9] =	ssyncadd.s32 $0xFFFFE000  }
0x9b: {  	[tilespmem:s25], [sflag:$0x2] =	stream.indirect.gather [hbm4b:s4+s23], $0x40, s29, s23, $0xb8;
	[tilespmem:$0x1AF00] =	vst v63  }
.LBB2_6:
0x9c: {  	_ =	swait.ge [sflag:s6], $0x2000  }
0x9d: {  	[sflag:s6] =	ssyncset.done $0x0  }
0x9e: {  	[sflag:s6] =	ssyncadd.s32 $0xFFFFE000  }
0x9f: {  	[spmem:s2] =	stream.indirect.scatter.add.f32 [tilespmem:s30], [sflag:$0x6], $0x40, s8, s23, $0xb8;
	[tilespmem:$0x1AF00] =	vst v63  }
0xa0: {  	_ =	swait.ge [sflag:s0], $0x2000  }
0xa1: {  	[sflag:s0] =	ssyncset.done $0x0  }
0xa2: {  	[sflag:s0] =	ssyncadd.s32 $0xFFFFE000  }
0xa3: {  	_ =	swait.ge [sflag:s9], $0x2000  }
0xa4: {  	[sflag:s9] =	ssyncset.done $0x0  }
0xa5: {  	[sflag:s9] =	ssyncadd.s32 $0xFFFFE000  }
0xa6: {  	_ =	swait.ge [sflag:s11], $0x2000  }
0xa7: {  	[sflag:s11] =	ssyncset.done $0x0  }
0xa8: {  	[sflag:s11] =	ssyncadd.s32 $0xFFFFE000  }
0xa9: {  	s1 =	stileid.u32;
	[bflag:$0x0] =	sbarrier.arrive $0xFFFF  }
0xaa: {  	s1 =	sshll.u32 s1, $0x6;
	s10 =	rddreg [dreg:$0x7]  }
0xab: {  	s29 =	sor.u32 $0x1C07, s1;
	s5 =	rddreg [dreg:$0x6];
	s1 =	sshrl.u32 s10, $0x3  }
0xac: {  	[hbm:s5], [sflag:s29] =	dma.local [spmem:s1], $0x1400  }
0xad: {  	_ =	swait.ge [sflag:s21], $0x1400  }
0xae: {  	[sflag:s21] =	ssyncset.done $0x0  }
0xaf: {  	s5 =	simm.s32 $0x0;
	[sflag:s21] =	ssyncadd.s32 $0xFFFFEC00  }
0xb0: {  	v3 =	vld [tilespmem:s5+$0x0]  }
0xb1: {  	v5 =	vld [tilespmem:s5+$0x10]  }
0xb2: {  	v4 =	vld [tilespmem:s5+$0x20]  }
0xb3: {  	v2 =	vld [tilespmem:s5+$0x30]  }
0xb4: {  	v1 =	vld [tilespmem:s5+$0x40]  }
0xb5: {  	v6 =	vadd.s32 $0x5000, v3;
	v3 =	vld [tilespmem:s5+$0x50]  }
0xb6: {  	s8 =	simm.s32 $0x200;
	[tilespmem:s5+$0x0] =	vst v6;
	v6 =	vadd.s32 $0x5000, v5;
	v5 =	vld [tilespmem:s5+$0x60]  }
.LBB2_7:
0xb7: {  	s10 =	sshra.s32 s8, $0x2;
	p0 =	sne.s32 s8, $0x13C00;
	[tilespmem:s5+$0x10] =	vst v6;
	v4 =	vadd.s32 $0x5000, v4;
	v6 =	vld [tilespmem:s5+$0x70]  }
0xb8: {  	v7 =	vld [tilespmem:s10+$0x0];
	[tilespmem:s5+$0x20] =	vst v4;
	v2 =	vadd.s32 $0x5000, v2  }
0xb9: {  	v8 =	vld [tilespmem:s10+$0x10];
	[tilespmem:s5+$0x30] =	vst v2;
	v1 =	vadd.s32 $0x5000, v1  }
.Ltmp5:
0xba: {  	v4 =	vld [tilespmem:s10+$0x20];
	[tilespmem:s5+$0x40] =	vst v1;
	v1 =	vadd.s32 $0x5000, v3;
	(pc) =	sbr.rel @p0 .LBB2_7-.Ltmp5, $4  }
0xbb: {  	v2 =	vld [tilespmem:s10+$0x30];
	[tilespmem:s5+$0x50] =	vst v1;
	v3 =	vadd.s32 $0x5000, v5  }
0xbc: {  	v1 =	vld [tilespmem:s10+$0x40];
	[tilespmem:s5+$0x60] =	vst v3;
	v5 =	vadd.s32 $0x5000, v6  }
0xbd: {  	v6 =	vadd.s32 $0x5000, v7;
	v3 =	vld [tilespmem:s10+$0x50];
	[tilespmem:s5+$0x70] =	vst v5;
	s5 =	smov.u32 s10  }
0xbe: {  	s8 =	sadd.s32 $0x200, s8;
	[tilespmem:s5+$0x0] =	vst v6;
	v6 =	vadd.s32 $0x5000, v8;
	v5 =	vld [tilespmem:s5+$0x60]  }
0xbf: {  	[tilespmem:s5+$0x10] =	vst v6;
	v4 =	vadd.s32 $0x5000, v4;
	v63 =	vld [tilespmem:s5+$0x70]  }
0xc0: {  	[tilespmem:s5+$0x20] =	vst v4;
	v2 =	vadd.s32 $0x5000, v2  }
0xc1: {  	[tilespmem:s5+$0x30] =	vst v2;
	v1 =	vadd.s32 $0x5000, v1  }
0xc2: {  	[tilespmem:s5+$0x40] =	vst v1;
	v1 =	vadd.s32 $0x5000, v3  }
0xc3: {  	[tilespmem:s5+$0x50] =	vst v1;
	v1 =	vadd.s32 $0x5000, v5  }
0xc4: {  	[tilespmem:s5+$0x60] =	vst v1;
	v1 =	vadd.s32 $0x5000, v63  }
0xc5: {  	[tilespmem:s5+$0x70] =	vst v1;
	s5 =	simm.s32 $0x0  }
0xc6: {  	[tilespmem:s24], [sflag:$0x1] =	stream.indirect.gather [hbm4b:s4+s23], $0x40, s5, s23, $0xb8;
	[tilespmem:$0x1AF00] =	vst v63  }
0xc7: {  	_ = 	snop  }
0xc8: {  	[tilespmem:s25], [sflag:$0x2] =	stream.indirect.gather [hbm4b:s4+s23], $0x40, s23, s23, $0xb8;
	[tilespmem:$0x1AF00] =	vst v63  }
0xc9: {  	_ = 	snop  }
0xca: {  	[spmem:s7] =	stream.linear.scatter [tilespmem:s26], [sflag:$0x7], $0x1000, $0x38;
	[tilespmem:$0x1AF00] =	vst v63  }
0xcb: {  	_ =	swait.ge [sflag:s21], $0x1000  }
0xcc: {  	[sflag:s21] =	ssyncset.done $0x0  }
0xcd: {  	[sflag:s21] =	ssyncadd.s32 $0xFFFFF000  }
0xce: {  	[spmem:s12] =	stream.linear.scatter [tilespmem:s26], [sflag:$0x7], $0x1000, $0x38;
	[tilespmem:$0x1AF00] =	vst v63  }
0xcf: {  	_ =	swait.ge [sflag:s21], $0x1000  }
0xd0: {  	[sflag:s21] =	ssyncset.done $0x0  }
0xd1: {  	[sflag:s21] =	ssyncadd.s32 $0xFFFFF000  }
0xd2: {  	[spmem:s13] =	stream.linear.scatter [tilespmem:s26], [sflag:$0x7], $0x1000, $0x38;
	[tilespmem:$0x1AF00] =	vst v63  }
0xd3: {  	_ =	swait.ge [sflag:s21], $0x1000  }
0xd4: {  	[sflag:s21] =	ssyncset.done $0x0  }
0xd5: {  	[sflag:s21] =	ssyncadd.s32 $0xFFFFF000  }
0xd6: {  	[spmem:s14] =	stream.linear.scatter [tilespmem:s26], [sflag:$0x7], $0x1000, $0x38;
	[tilespmem:$0x1AF00] =	vst v63  }
0xd7: {  	_ =	swait.ge [sflag:s21], $0x1000  }
0xd8: {  	[sflag:s21] =	ssyncset.done $0x0  }
0xd9: {  	[sflag:s21] =	ssyncadd.s32 $0xFFFFF000  }
0xda: {  	[spmem:s15] =	stream.linear.scatter [tilespmem:s26], [sflag:$0x7], $0x1000, $0x38;
	[tilespmem:$0x1AF00] =	vst v63  }
0xdb: {  	_ =	swait.ge [sflag:s21], $0x1000  }
0xdc: {  	[sflag:s21] =	ssyncset.done $0x0  }
0xdd: {  	[sflag:s21] =	ssyncadd.s32 $0xFFFFF000  }
0xde: {  	[spmem:s16] =	stream.linear.scatter [tilespmem:s26], [sflag:$0x7], $0x1000, $0x38;
	[tilespmem:$0x1AF00] =	vst v63  }
0xdf: {  	_ =	swait.ge [sflag:s21], $0x1000  }
0xe0: {  	[sflag:s21] =	ssyncset.done $0x0  }
0xe1: {  	[sflag:s21] =	ssyncadd.s32 $0xFFFFF000  }
0xe2: {  	[spmem:s17] =	stream.linear.scatter [tilespmem:s26], [sflag:$0x7], $0x1000, $0x38;
	[tilespmem:$0x1AF00] =	vst v63  }
0xe3: {  	_ =	swait.ge [sflag:s21], $0x1000  }
0xe4: {  	[sflag:s21] =	ssyncset.done $0x0  }
0xe5: {  	[sflag:s21] =	ssyncadd.s32 $0xFFFFF000  }
0xe6: {  	[spmem:s18] =	stream.linear.scatter [tilespmem:s26], [sflag:$0x7], $0x1000, $0x38;
	[tilespmem:$0x1AF00] =	vst v63  }
0xe7: {  	_ =	swait.ge [sflag:s21], $0x1000  }
0xe8: {  	[sflag:s21] =	ssyncset.done $0x0  }
0xe9: {  	[sflag:s21] =	ssyncadd.s32 $0xFFFFF000  }
0xea: {  	[spmem:s19] =	stream.linear.scatter [tilespmem:s26], [sflag:$0x7], $0x1000, $0x38;
	[tilespmem:$0x1AF00] =	vst v63  }
0xeb: {  	_ =	swait.ge [sflag:s21], $0x1000  }
0xec: {  	[sflag:s21] =	ssyncset.done $0x0  }
0xed: {  	[sflag:s21] =	ssyncadd.s32 $0xFFFFF000  }
0xee: {  	[spmem:s20] =	stream.linear.scatter [tilespmem:s26], [sflag:$0x7], $0x1000, $0x38;
	[tilespmem:$0x1AF00] =	vst v63  }
0xef: {  	_ =	swait.ge [sflag:s21], $0x1000  }
0xf0: {  	[sflag:s21] =	ssyncset.done $0x0  }
0xf1: {  	[sflag:s21] =	ssyncadd.s32 $0xFFFFF000  }
0xf2: {  	[bflag:$0x0] =	sbarrier.arrive $0xFFFF  }
0xf3: {  	_ =	swait.ge [sflag:s28], $0x2000  }
0xf4: {  	[sflag:s28] =	ssyncset.done $0x0  }
0xf5: {  	[sflag:s28] =	ssyncadd.s32 $0xFFFFE000  }
0xf6: {  	[spmem:s2] =	stream.indirect.scatter.add.f32 [tilespmem:s24], [sflag:$0x4], $0x40, s22, s23, $0xb8;
	[tilespmem:$0x1AF00] =	vst v63  }
0xf7: {  	s8 =	simm.s32 $0x100  }
0xf8: {  	[tilespmem:s30], [sflag:$0x3] =	stream.indirect.gather [hbm4b:s4+s23], $0x40, s8, s23, $0xb8;
	[tilespmem:$0x1AF00] =	vst v63  }
0xf9: {  	_ =	swait.ge [sflag:s31], $0x2000  }
0xfa: {  	[sflag:s31] =	ssyncset.done $0x0  }
0xfb: {  	s10 =	simm.s32 $0x5000;
	[sflag:s31] =	ssyncadd.s32 $0xFFFFE000  }
0xfc: {  	[spmem:s2] =	stream.indirect.scatter.add.f32 [tilespmem:s25], [sflag:$0x5], $0x40, s10, s23, $0xb8;
	[tilespmem:$0x1AF00] =	vst v63  }
0xfd: {  	_ =	swait.ge [sflag:s0], $0x2000  }
0xfe: {  	[sflag:s0] =	ssyncset.done $0x0  }
0xff: {  	s22 =	simm.s32 $0x180;
	[sflag:s0] =	ssyncadd.s32 $0xFFFFE000  }
0x100: {  	[tilespmem:s24], [sflag:$0x1] =	stream.indirect.gather [hbm4b:s4+s23], $0x40, s22, s23, $0xb8;
	[tilespmem:$0x1AF00] =	vst v63  }
0x101: {  	_ =	swait.ge [sflag:s6], $0x2000  }
0x102: {  	[sflag:s6] =	ssyncset.done $0x0  }
0x103: {  	s10 =	simm.s32 $0x5080;
	[sflag:s6] =	ssyncadd.s32 $0xFFFFE000  }
0x104: {  	[spmem:s2] =	stream.indirect.scatter.add.f32 [tilespmem:s30], [sflag:$0x6], $0x40, s10, s23, $0xb8;
	[tilespmem:$0x1AF00] =	vst v63  }
0x105: {  	_ =	swait.ge [sflag:s9], $0x2000  }
0x106: {  	[sflag:s9] =	ssyncset.done $0x0  }
0x107: {  	s22 =	simm.s32 $0x200;
	[sflag:s9] =	ssyncadd.s32 $0xFFFFE000  }
0x108: {  	[tilespmem:s25], [sflag:$0x2] =	stream.indirect.gather [hbm4b:s4+s23], $0x40, s22, s23, $0xb8;
	[tilespmem:$0x1AF00] =	vst v63  }
.LBB2_9:
0x109: {  	_ =	swait.ge [sflag:s28], $0x2000  }
0x10a: {  	s8 =	sshra.s32 s5, $0x2;
	[sflag:s28] =	ssyncset.done $0x0  }
0x10b: {  	s10 =	sadd.s32 $0x5100, s8;
	[sflag:s28] =	ssyncadd.s32 $0xFFFFE000  }
0x10c: {  	[spmem:s2] =	stream.indirect.scatter.add.f32 [tilespmem:s24], [sflag:$0x4], $0x40, s10, s23, $0xb8;
	[tilespmem:$0x1AF00] =	vst v63  }
0x10d: {  	_ =	swait.ge [sflag:s11], $0x2000  }
0x10e: {  	[sflag:s11] =	ssyncset.done $0x0  }
0x10f: {  	p0 =	seq.s32 s5, $0x13200;
	s22 =	sadd.s32 $0x280, s8;
	[sflag:s11] =	ssyncadd.s32 $0xFFFFE000  }
0x110: {  	[tilespmem:s30], [sflag:$0x3] =	stream.indirect.gather [hbm4b:s4+s23], $0x40, s22, s23, $0xb8;
	[tilespmem:$0x1AF00] =	vst v63  }
.Ltmp6:
0x111: {  	_ = 	snop;
	(pc) =	sbr.rel @p0 .LBB2_11-.Ltmp6, $4  }
0x112: {  	_ =	swait.ge [sflag:s31], $0x2000  }
0x113: {  	[sflag:s31] =	ssyncset.done $0x0  }
0x114: {  	s10 =	sadd.s32 $0x5200, s8;
	s22 =	sadd.s32 $0x5180, s8;
	[sflag:s31] =	ssyncadd.s32 $0xFFFFE000  }
0x115: {  	[spmem:s2] =	stream.indirect.scatter.add.f32 [tilespmem:s25], [sflag:$0x5], $0x40, s22, s23, $0xb8;
	[tilespmem:$0x1AF00] =	vst v63  }
0x116: {  	_ =	swait.ge [sflag:s0], $0x2000  }
0x117: {  	[sflag:s0] =	ssyncset.done $0x0  }
0x118: {  	s22 =	sadd.s32 $0x300, s8;
	[sflag:s0] =	ssyncadd.s32 $0xFFFFE000  }
0x119: {  	[tilespmem:s24], [sflag:$0x1] =	stream.indirect.gather [hbm4b:s4+s23], $0x40, s22, s23, $0xb8;
	[tilespmem:$0x1AF00] =	vst v63  }
0x11a: {  	_ =	swait.ge [sflag:s6], $0x2000  }
0x11b: {  	[sflag:s6] =	ssyncset.done $0x0  }
0x11c: {  	[sflag:s6] =	ssyncadd.s32 $0xFFFFE000  }
0x11d: {  	[spmem:s2] =	stream.indirect.scatter.add.f32 [tilespmem:s30], [sflag:$0x6], $0x40, s10, s23, $0xb8;
	[tilespmem:$0x1AF00] =	vst v63  }
.Ltmp7:
0x11e: {  	_ = 	snop;
	(pc) =	sbr.rel .LBB2_9-.Ltmp7, $4  }
0x11f: {  	_ =	swait.ge [sflag:s9], $0x2000  }
0x120: {  	[sflag:s9] =	ssyncset.done $0x0  }
0x121: {  	s5 =	sadd.s32 $0x600, s5;
	s22 =	sadd.s32 $0x380, s8;
	[sflag:s9] =	ssyncadd.s32 $0xFFFFE000  }
0x122: {  	[tilespmem:s25], [sflag:$0x2] =	stream.indirect.gather [hbm4b:s4+s23], $0x40, s22, s23, $0xb8;
	[tilespmem:$0x1AF00] =	vst v63  }
.LBB2_12:
0x123: {  	_ =	sfence.sel $0x180000  }
0x124: {  	[bflag:$0x0] =	sbarrier.arrive $0xFFFF  }
0x125: {  	_ =	strace $0x9000004D  }
0x126: {  	s0 =	stileid.u32;
	[bflag:$0x2] =	sbarrier.arrive $0xFFFF  }
0x127: {  	p0 =	sne.s32 s0, $0x0;
	s0 =	rddreg [dreg:$0x3]  }
0x128: {  	s0 =	sadd.s32 @!p0 $0x100000, s0  }
0x129: {  	[sflag:s0] =	ssyncadd.tile.s32 @!p0 $0x1;
	_ =	shalt  }
.Lfunc_end2:
_tile_overlayer_lowered:
.L_overlay_start_2:
0x12a: {  	(tag) =	ssettag $0x2  }
0x12b: {  	s0 =	rddreg [dreg:$0x0];
	s2 =	stileid.u32  }
0x12c: {  	s1 =	rddreg [dreg:$0x1];
	p0 =	sne.s32 s2, $0x0  }
0x12d: {  	s3 =	rddreg [dreg:$0x2];
	[bflag:$0x3] =	sbarrier.arrive $0xFFFF;
	s2 =	simm.s32 @!p0 $0x1C07  }
0x12e: {  	[timem:s3], [sflag:s2] =	dma.local @!p0 [hbm:s0], s1  }
0x12f: {  	s0 =	simm.s32 @!p0 $0x7  }
0x130: {  	_ =	swait.ge @!p0 [sflag:s0], s1  }
0x131: {  	s1 =	ssub.s32 @!p0 $0x0, s1;
	[sflag:s0] =	ssyncset.done @!p0 $0x0  }
0x132: {  	[sflag:s0] =	ssyncadd.s32 @!p0 s1  }
0x133: {  	[bflag:$0x3] =	sbarrier.arrive $0xFFFF  }
0x134: {  	_ =	shalt  }

// kernel: kernel.19.cloned.1.call-start
scs
__scs_entry_jumppad:
0x0: {  	(pc) =	sbr.rel $0x88, $3  }
0x1: {  	(tag) =	ssettag $0x0;
	lr =	simm.s32 $0x1  }
0x2: {  	[smem:$0x3F99] =	sst lr;
	_ =	strace $0xD0000000  }
0x3: {  	_ = 	snop  }
0x4: {  	_ = 	snop  }
0x5: {  	_ = 	snop  }
0x6: {  	_ = 	snop  }
0x7: {  	_ = 	snop  }
__scs_overlays_trampoline_lowered:
0x8: {  	[smem:$0x3FA8] =	sst s0  }
0x9: {  	[smem:$0x3FA9] =	sst s1  }
0xa: {  	[smem:$0x3FAA] =	sst s2  }
0xb: {  	[smem:$0x3FAB] =	sst s3  }
0xc: {  	[smem:$0x3FAC] =	sst s4  }
0xd: {  	[smem:$0x3FAD] =	sst s5  }
0xe: {  	[smem:$0x3FAE] =	sst s6  }
0xf: {  	[smem:$0x3FAF] =	sst s7  }
0x10: {  	[smem:$0x3FB0] =	sst s8  }
0x11: {  	[smem:$0x3FB1] =	sst s9;
	s0 =	simm.s32 @!p0 $0x0  }
0x12: {  	s1 =	sld [smem:$0x3F97];
	s0 =	simm.s32 @p0 $0x1  }
0x13: {  	[smem:$0x3FB2] =	sst s0;
	s0 =	simm.s32 @!p1 $0x0  }
0x14: {  	s2 =	sld [smem:$0x3F96];
	s0 =	simm.s32 @p1 $0x1  }
0x15: {  	[smem:$0x3FB3] =	sst s0;
	s0 =	simm.s32 @!p2 $0x0  }
0x16: {  	s3 =	sld [smem:$0x3FDB];
	s0 =	simm.s32 @p2 $0x1  }
0x17: {  	s4 =	simm.s32 $0x1BF5;
	[smem:$0x3FB5] =	sst s0  }
0x18: {  	s0 =	sld [smem:$0x3F98];
	_ =	swait.ge [sflag:s4], $0x0  }
0x19: {  	s7 =	sld [smem:$0x3F99]  }
0x1a: {  	s8 =	sadd.s32 $0xFFFFE003, lr  }
0x1b: {  	s9 =	sadd.s32 $0xFFFFFEF7, lr;
	s5 =	simm.s32 $0xFFFFFFFF;
	p2 =	slt.u32 s8, $0xFFFFF086  }
0x1c: {  	p1 =	slt.u32 s9, $0xF7A;
	s5 =	simm.s32 @!p2 $0x0  }
0x1d: {  	s5 =	simm.s32 @p1 $0x1;
	p0 =	seq.s32 s7, s2  }
0x1e: {  	s7 =	smul.u32 @!p0 $0xF7A, s2;
	p2 =	seq.s32 @!p0 s5, $0x0  }
0x1f: {  	s9 =	smul.u32 $0xF7A, s1;
	s8 =	simm.s32 @!p0 $0x1BF5;
	p2 =	por !p2, p0  }
0x20: {  	[sflag:s8] =	ssyncset.s32 @!p0 $0xFFFFF086;
	s6 =	sadd.s32 @!p0 s3, s7;
	s7 =	simm.s32 @!p0 $0x108  }
0x21: {  	s3 =	sadd.s32 s3, s9;
	s6 =	sadd.s32 @!p0 $0x88, s6;
	s7 =	simm.s32 @p2 $0x1082  }
0x22: {  	[simem:s7], [sflag:s8] =	dma.local @!p0 [hbm:s6], $0xF7A  }
0x23: {  	s9 =	sor.u32 $0xD0000000, s2;
	s6 =	simm.s32 $0x108;
	_ =	swait.ge @!p0 [sflag:s8], $0x0  }
0x24: {  	s3 =	sadd.s32 $0x88, s3;
	s6 =	simm.s32 @!p1 $0x1082;
	[sflag:s4] =	ssyncset.s32 $0xFFFFF086  }
0x25: {  	[simem:s6], [sflag:s4] =	dma.local [hbm:s3], $0xF7A  }
0x26: {  	[smem:$0x3F99] =	sst s1;
	(tag) =	ssettag s2;
	_ =	strace s9  }
0x27: {  	s1 =	sld [smem:$0x3FA9]  }
0x28: {  	s2 =	sld [smem:$0x3FAA]  }
0x29: {  	s4 =	sld [smem:$0x3FAC]  }
0x2a: {  	p0 =	seq.s32 s5, $0x0;
	s5 =	sld [smem:$0x3FAD]  }
0x2b: {  	s6 =	sld [smem:$0x3FAE]  }
0x2c: {  	s7 =	sld [smem:$0x3FAF]  }
0x2d: {  	s3 =	simm.s32 $0x108;
	s8 =	sld [smem:$0x3FB0]  }
0x2e: {  	s3 =	simm.s32 @!p0 $0x1082;
	s9 =	sld [smem:$0x3FB1]  }
0x2f: {  	lr =	sadd.s32 s0, s3;
	s0 =	sld [smem:$0x3FA8]  }
0x30: {  	s3 =	sld [smem:$0x3FAB]  }
0x31: {  	[smem:$0x3FB4] =	sst s10  }
0x32: {  	s10 =	sld [smem:$0x3FB2];
	_ =	sdelay $0x3  }
0x33: {  	p0 =	seq.s32 s10, $0x1;
	s10 =	sld [smem:$0x3FB4];
	_ =	sdelay $0x3  }
0x34: {  	[smem:$0x3FB4] =	sst s10  }
0x35: {  	s10 =	sld [smem:$0x3FB3];
	_ =	sdelay $0x3  }
0x36: {  	p1 =	seq.s32 s10, $0x1;
	s10 =	sld [smem:$0x3FB4];
	_ =	sdelay $0x3  }
0x37: {  	[smem:$0x3FB4] =	sst s10  }
0x38: {  	s10 =	sld [smem:$0x3FB5]  }
0x39: {  	_ = 	snop;
	(pc) =	sbr.ind lr, $3  }
0x3a: {  	_ = 	snop  }
0x3b: {  	_ = 	snop  }
0x3c: {  	p2 =	seq.s32 s10, $0x1;
	s10 =	sld [smem:$0x3FB4]  }
0x3d: {  	_ =	shalt  }
0x3e: {  	_ =	shalt  }
0x3f: {  	_ =	shalt  }
0x40: {  	_ =	shalt  }
0x41: {  	_ =	shalt  }
0x42: {  	_ =	shalt  }
0x43: {  	_ =	shalt  }
0x44: {  	_ =	shalt  }
0x45: {  	_ =	shalt  }
0x46: {  	_ =	shalt  }
0x47: {  	_ =	shalt  }
0x48: {  	_ =	shalt  }
0x49: {  	_ =	shalt  }
0x4a: {  	_ =	shalt  }
0x4b: {  	_ =	shalt  }
0x4c: {  	_ =	shalt  }
0x4d: {  	_ =	shalt  }
0x4e: {  	_ =	shalt  }
0x4f: {  	_ =	shalt  }
0x50: {  	_ =	shalt  }
0x51: {  	_ =	shalt  }
0x52: {  	_ =	shalt  }
0x53: {  	_ =	shalt  }
0x54: {  	_ =	shalt  }
0x55: {  	_ =	shalt  }
0x56: {  	_ =	shalt  }
0x57: {  	_ =	shalt  }
0x58: {  	_ =	shalt  }
0x59: {  	_ =	shalt  }
0x5a: {  	_ =	shalt  }
0x5b: {  	_ =	shalt  }
0x5c: {  	_ =	shalt  }
0x5d: {  	_ =	shalt  }
0x5e: {  	_ =	shalt  }
0x5f: {  	_ =	shalt  }
0x60: {  	_ =	shalt  }
0x61: {  	_ =	shalt  }
0x62: {  	_ =	shalt  }
0x63: {  	_ =	shalt  }
0x64: {  	_ =	shalt  }
0x65: {  	_ =	shalt  }
0x66: {  	_ =	shalt  }
0x67: {  	_ =	shalt  }
0x68: {  	_ =	shalt  }
0x69: {  	_ =	shalt  }
0x6a: {  	_ =	shalt  }
0x6b: {  	_ =	shalt  }
0x6c: {  	_ =	shalt  }
0x6d: {  	_ =	shalt  }
0x6e: {  	_ =	shalt  }
0x6f: {  	_ =	shalt  }
0x70: {  	_ =	shalt  }
0x71: {  	_ =	shalt  }
0x72: {  	_ =	shalt  }
0x73: {  	_ =	shalt  }
0x74: {  	_ =	shalt  }
0x75: {  	_ =	shalt  }
0x76: {  	_ =	shalt  }
0x77: {  	_ =	shalt  }
0x78: {  	_ =	shalt  }
0x79: {  	_ =	shalt  }
0x7a: {  	_ =	shalt  }
0x7b: {  	_ =	shalt  }
0x7c: {  	_ =	shalt  }
0x7d: {  	_ =	shalt  }
0x7e: {  	_ =	shalt  }
0x7f: {  	_ =	shalt  }
0x80: {  	_ =	shalt  }
0x81: {  	_ =	shalt  }
0x82: {  	_ =	shalt  }
0x83: {  	_ =	shalt  }
0x84: {  	_ =	shalt  }
0x85: {  	_ =	shalt  }
0x86: {  	_ =	shalt  }
0x87: {  	_ =	shalt  }
.Lfunc_end0:
.L_simem_size_0:
called_computation.3_lowered:
.L_overlay_start_0:
0x88: {  	s2 =	sld [smem:$0x3FD9]  }
0x89: {  	s3 =	sld [smem:$0x3FFE];
	_ =	sdelay $0x1  }
0x8a: {  	s1 =	srdreg.scid  }
0x8b: {  	s0 =	sand.u32 $0x1, s1  }
0x8c: {  	s17 =	sshll.u32 s0, $0xA;
	s2 =	sadd.s32 s3, s2  }
0x8d: {  	s2 =	sadd.s32 s2, s17  }
0x8e: {  	[smem:$0x3FC0] =	sst s2  }
0x8f: {  	_ = 	snop  }
0x90: {  	s2 =	sld [smem:$0x3FD0];
	(tm) =	ssettm $0x1  }
0x91: {  	s18 =	sld [smem:$0x3FFB];
	_ =	sdelay $0x3  }
0x92: {  	_ =	strace s18  }
0x93: {  	s3 =	sld [smem:$0x3FFC];
	_ =	sdelay $0x3  }
0x94: {  	_ =	strace s3  }
0x95: {  	s3 =	sld [smem:$0x3FFD];
	_ =	sdelay $0x3  }
0x96: {  	_ =	strace s3  }
0x97: {  	_ =	strace $0x8FFFFFFF  }
0x98: {  	s19 =	sld [smem:$0x3FDB];
	_ =	sdelay $0x1  }
0x99: {  	s4 =	simm.s32 $_scs_section_size  }
0x9a: {  	s5 =	simm.s32 $_size__tile_overlayer_lowered;
	s6 =	simm.s32 $_tile_overlayer_lowered  }
0x9b: {  	s22 =	simm.s32 $0x1BFF;
	s21 =	sshll.u32 s6, $0x1;
	s3 =	sadd.s32 s4, s19  }
0x9c: {  	s7 =	simm.s32 $0x0;
	s20 =	sshll.u32 s5, $0x1;
	s5 =	sadd.s32 s21, s3  }
0x9d: {  	[timem:s7], [sflag:s22] =	dma.local [hbm:s5], s20  }
0x9e: {  	_ =	swait.ge [sflag:s22], s20  }
0x9f: {  	s4 =	ssub.s32 $0x0, s20;
	[sflag:s22] =	ssyncset.done $0x0  }
0xa0: {  	[sflag:s22] =	ssyncadd.s32 s4;
	_ =	sdelay $0x1  }
0xa1: {  	s23 =	simm.s32 $0x1B8B  }
0xa2: {  	_ =	swait.ge [sflag:s23], $0x1  }
0xa3: {  	[sflag:s23] =	ssyncset.done $0x0  }
0xa4: {  	s25 =	simm.s32 $0x1B8E;
	s24 =	sld [smem:$0x3FFE];
	[sflag:s23] =	ssyncadd.s32 $0xFFFFFFFF  }
0xa5: {  	s26 =	simm.s32 $execute0_lowered;
	[smem:$0x3FD2] =	sst s25  }
0xa6: {  	s5 =	sshll.u32 s26, $0x1;
	_ =	strace $0x8000004F;
	[dreg:$0x1] =	wrdreg $0xFFFFFFFF  }
0xa7: {  	s28 =	simm.s32 $_size_execute0_lowered;
	s3 =	sadd.s32 s3, s5;
	[dreg:$0x0] =	wrdreg $0x0  }
0xa8: {  	s5 =	sshll.u32 s28, $0x1;
	[dreg:$0x2] =	wrdreg s3  }
0xa9: {  	[dreg:$0x3] =	wrdreg s5  }
0xaa: {  	[dreg:$0x4] =	wrdreg $0xC0  }
0xab: {  	_ =	task [dreg:s7], $0x5FFFF  }
0xac: {  	[dreg:$0x1] =	wrdreg $0xFFFFFFFF  }
0xad: {  	[dreg:$0x0] =	wrdreg $0x60  }
0xae: {  	[dreg:$0x2] =	wrdreg s24  }
0xaf: {  	[dreg:$0x3] =	wrdreg s2  }
0xb0: {  	[dreg:$0x4] =	wrdreg $0xD7000  }
0xb1: {  	[dreg:$0x5] =	wrdreg $0x9  }
0xb2: {  	_ =	task.clear_ibuf [dreg:s7], $0x6FFFF;
	_ =	strace $0x9000004F  }
0xb3: {  	s29 =	simm.s32 $0x9;
	_ =	strace $0x80000051  }
0xb4: {  	_ =	swait.ge [sflag:s29], $0x1  }
0xb5: {  	[sflag:s29] =	ssyncadd.s32 $0xFFFFFFFF  }
0xb6: {  	_ =	strace $0x90000051  }
0xb7: {  	_ =	sfence  }
0xb8: {  	s30 =	sld [smem:$0x0];
	_ =	sdelay $0x2  }
0xb9: {  	s31 =	sshll.u32 s1, $0xD;
	s1 =	sshrl.u32 s1, $0x2  }
0xba: {  	s3 =	sand.u32 $0x4000, s31;
	s1 =	sadd.s32 s1, s30  }
0xbb: {  	s0 =	sor.u32 s3, s0;
	s1 =	sshll.u32 s1, $0x11  }
0xbc: {  	s0 =	sor.u32 s1, s0  }
0xbd: {  	s0 =	sadd.s32 $0x8F2B, s0  }
0xbe: {  	[sflag:s0] =	ssyncadd.remote.s32 $0x1  }
0xbf: {  	_ =	sfence.sel $0xFFFF  }
0xc0: {  	[dreg:$0x0] =	wrdreg $0xFFFFFFFF;
	(pc) =	sbr.abs _section_cstart, $3  }
0xc1: {  	[dreg:$0x1] =	wrdreg $0xFFFFFFFF  }
0xc2: {  	_ =	task.clear_ibuf [dreg:s7], $0x2FFFF;
	_ =	strace $0x9FFFFFFF  }
0xc3: {  	(tm) =	ssettm $0x7FFFFFFF  }
tec
execute0_lowered:
.L_overlay_start_1:
0x0: {  	(tag) =	ssettag $0x1  }
0x1: {  	s0 =	rddreg [dreg:$0x0]  }
0x2: {  	s1 =	srdreg.scid;
	s5 =	rddreg [dreg:$0x1]  }
0x3: {  	s11 =	stileid.u32;
	s2 =	rddreg [dreg:$0x2];
	s3 =	simm.s32 $0x0  }
0x4: {  	s19 =	simm.s32 $0x7;
	s20 =	simm.s32 $0x4F80;
	s21 =	simm.s32 $0x80  }
0x5: {  	s22 =	simm.s32 $0x9F00;
	s23 =	simm.s32 $0xAF00;
	s6 =	smul.u32 $0x4F80, s11  }
0x6: {  	s24 =	simm.s32 $0xCF00;
	s29 =	simm.s32 $0xBF00;
	s9 =	smul.u32 $0x5000, s11  }
0x7: {  	s30 =	simm.s32 $0x2;
	s1 =	sand.u32 $0x1, s1;
	s11 =	smul.u32 $0x14000, s11  }
0x8: {  	s28 =	simm.s32 $0x3;
	s31 =	simm.s32 $0x6;
	s7 =	smul.u32 $0x4F800, s1  }
0x9: {  	[smem:$0x7FF] =	sst s3;
	s8 =	smul.u32 $0x50000, s1;
	s1 =	ssub.s32 $0x2, s1  }
0xa: {  	s4 =	sadd.s32 $0x66A00, s0;
	_ =	strace $0x80000050;
	s10 =	sshrl.u32 s1, $0x1  }
0xb: {  	s25 =	sshrl.u32 s11, $0x2;
	s26 =	sadd.s32 s9, s2;
	s7 =	sadd.s32 s6, s7  }
0xc: {  	s8 =	sadd.s32 s9, s8;
	s1 =	ssub.s32 s1, s10;
	s6 =	sshrl.u32 s6, $0x3  }
0xd: {  	s7 =	sshrl.u32 s7, $0x3;
	s8 =	sshrl.u32 s8, $0x3;
	s5 =	sadd.s32 s5, s6  }
0xe: {  	s1 =	smax.u32 s1, $0x1;
	s7 =	sadd.s32 s7, s0;
	[dreg:$0x5] =	wrdreg s5  }
0xf: {  	s0 =	sadd.s32 s8, s0;
	[dreg:$0x7] =	wrdreg s1;
	s7 =	sadd.s32 $0x2C00, s7  }
0x10: {  	s1 =	simm.s32 $0x4;
	s0 =	sadd.s32 $0x7AA00, s0;
	[dreg:$0x4] =	wrdreg s7  }
.Ltmp0:
0x11: {  	s7 =	sadd.s32 s25, s2;
	[dreg:$0x6] =	wrdreg s0;
	(pc) =	sbr.rel .LBB2_1-.Ltmp0, $4  }
0x12: {  	s25 =	sshrl.u32 s26, $0x3;
	s26 =	simm.s32 $0x1;
	s0 =	simm.s32 $0x5  }
0x13: {  	s10 =	sadd.s32 $0x800, s7;
	s11 =	sadd.s32 $0x1000, s7;
	s12 =	sadd.s32 $0x1800, s7  }
0x14: {  	s13 =	sadd.s32 $0x2000, s7;
	s14 =	sadd.s32 $0x2800, s7;
	s15 =	sadd.s32 $0x3000, s7  }
0x15: {  	v0 =	vimm.f32 $0.0e+00;
	s16 =	sadd.s32 $0x3800, s7;
	s17 =	sadd.s32 $0x4000, s7;
	s18 =	sadd.s32 $0x4800, s7  }
.LBB2_6:
0x16: {  	_ =	swait.ge [sflag:s28], $0x1000  }
0x17: {  	[sflag:s28] =	ssyncset.done $0x0  }
0x18: {  	[sflag:s28] =	ssyncadd.s32 $0xFFFFF000  }
0x19: {  	[spmem:s2] =	stream.indirect.scatter.add.f32 [tilespmem:s29], [sflag:$0x6], $0x20, s8, s21, $0xb8;
	[tilespmem:$0x12700] =	vst v63  }
0x1a: {  	_ =	swait.ge [sflag:s1], $0x1000  }
0x1b: {  	[sflag:s1] =	ssyncset.done $0x0  }
0x1c: {  	[sflag:s1] =	ssyncadd.s32 $0xFFFFF000  }
0x1d: {  	_ =	swait.ge [sflag:s0], $0x1000  }
0x1e: {  	[sflag:s0] =	ssyncset.done $0x0  }
0x1f: {  	[sflag:s0] =	ssyncadd.s32 $0xFFFFF000  }
0x20: {  	_ =	swait.ge [sflag:s31], $0x1000  }
0x21: {  	[sflag:s31] =	ssyncset.done $0x0  }
0x22: {  	s5 =	stileid.u32;
	[sflag:s31] =	ssyncadd.s32 $0xFFFFF000  }
0x23: {  	s5 =	sshll.u32 s5, $0x6;
	[bflag:$0x0] =	sbarrier.arrive $0xFFFF  }
0x24: {  	s5 =	sor.u32 $0x1C07, s5;
	s6 =	rddreg [dreg:$0x6]  }
0x25: {  	[hbm:s6], [sflag:s5] =	dma.local [spmem:s25], $0xA00  }
0x26: {  	_ =	swait.ge [sflag:s19], $0xA00  }
0x27: {  	s3 =	sadd.s32 $0x1, s3;
	s9 =	rddreg [dreg:$0x7]  }
0x28: {  	p0 =	sne.s32 s3, s9  }
.Ltmp1:
0x29: {  	_ = 	snop;
	(pc) =	sbr.rel @!p0 .LBB2_7-.Ltmp1, $3  }
0x2a: {  	_ =	sdelay $0x1  }
0x2b: {  	[sflag:s19] =	ssyncset.done $0x0  }
0x2c: {  	[sflag:s19] =	ssyncadd.s32 $0xFFFFF600  }
.LBB2_1:
0x2d: {  	s5 =	simm.s32 $0x80;
	s6 =	simm.s32 $0x0  }
.LBB2_2:
0x2e: {  	p0 =	sne.s32 s5, $0x1F80;
	[tilespmem:s6+$0xCF00] =	vst v0;
	s8 =	smov.u32 s5;
	s5 =	sadd.s32 $0x80, s5  }
.Ltmp2:
0x2f: {  	[tilespmem:s6+$0xCF10] =	vst v0;
	(pc) =	sbr.rel @p0 .LBB2_2-.Ltmp2, $2  }
0x30: {  	_ =	sdelay $0x2  }
0x31: {  	s6 =	sshra.s32 s8, $0x2  }
0x32: {  	[tilespmem:s6+$0xCF00] =	vst v0  }
0x33: {  	[tilespmem:s6+$0xCF10] =	vst v0;
	s5 =	simm.s32 $0x0;
	s9 =	rddreg [dreg:$0x4]  }
0x34: {  	[tilespmem:s5], [sflag:$0x7] =	stream.linear.gather [hbm4b:s9+s5], $0x4F80, $0x38;
	[tilespmem:$0x12700] =	vst v63  }
0x35: {  	_ =	swait.ge [sflag:s19], $0x4F80  }
0x36: {  	[sflag:s19] =	ssyncset.done $0x0  }
0x37: {  	s8 =	rddreg [dreg:$0x5];
	[sflag:s19] =	ssyncadd.s32 $0xFFFFB080  }
0x38: {  	[tilespmem:s20], [sflag:$0x7] =	stream.linear.gather [hbm4b:s8+s5], $0x4F80, $0x38;
	[tilespmem:$0x12700] =	vst v63  }
0x39: {  	_ =	swait.ge [sflag:s19], $0x4F80  }
0x3a: {  	[sflag:s19] =	ssyncset.done $0x0  }
0x3b: {  	[sflag:s19] =	ssyncadd.s32 $0xFFFFB080  }
0x3c: {  	[tilespmem:s22], [sflag:$0x1] =	stream.indirect.gather [hbm4b:s4+s21], $0x20, s5, s21, $0xb8;
	[tilespmem:$0x12700] =	vst v63  }
0x3d: {  	_ = 	snop  }
0x3e: {  	[tilespmem:s23], [sflag:$0x2] =	stream.indirect.gather [hbm4b:s4+s21], $0x20, s21, s21, $0xb8;
	[tilespmem:$0x12700] =	vst v63  }
0x3f: {  	_ = 	snop  }
0x40: {  	[spmem:s7] =	stream.linear.scatter [tilespmem:s24], [sflag:$0x7], $0x800, $0x38;
	[tilespmem:$0x12700] =	vst v63  }
0x41: {  	_ =	swait.ge [sflag:s19], $0x800  }
0x42: {  	[sflag:s19] =	ssyncset.done $0x0  }
0x43: {  	[sflag:s19] =	ssyncadd.s32 $0xFFFFF800  }
0x44: {  	[spmem:s10] =	stream.linear.scatter [tilespmem:s24], [sflag:$0x7], $0x800, $0x38;
	[tilespmem:$0x12700] =	vst v63  }
0x45: {  	_ =	swait.ge [sflag:s19], $0x800  }
0x46: {  	[sflag:s19] =	ssyncset.done $0x0  }
0x47: {  	[sflag:s19] =	ssyncadd.s32 $0xFFFFF800  }
0x48: {  	[spmem:s11] =	stream.linear.scatter [tilespmem:s24], [sflag:$0x7], $0x800, $0x38;
	[tilespmem:$0x12700] =	vst v63  }
0x49: {  	_ =	swait.ge [sflag:s19], $0x800  }
0x4a: {  	[sflag:s19] =	ssyncset.done $0x0  }
0x4b: {  	[sflag:s19] =	ssyncadd.s32 $0xFFFFF800  }
0x4c: {  	[spmem:s12] =	stream.linear.scatter [tilespmem:s24], [sflag:$0x7], $0x800, $0x38;
	[tilespmem:$0x12700] =	vst v63  }
0x4d: {  	_ =	swait.ge [sflag:s19], $0x800  }
0x4e: {  	[sflag:s19] =	ssyncset.done $0x0  }
0x4f: {  	[sflag:s19] =	ssyncadd.s32 $0xFFFFF800  }
0x50: {  	[spmem:s13] =	stream.linear.scatter [tilespmem:s24], [sflag:$0x7], $0x800, $0x38;
	[tilespmem:$0x12700] =	vst v63  }
0x51: {  	_ =	swait.ge [sflag:s19], $0x800  }
0x52: {  	[sflag:s19] =	ssyncset.done $0x0  }
0x53: {  	[sflag:s19] =	ssyncadd.s32 $0xFFFFF800  }
0x54: {  	[spmem:s14] =	stream.linear.scatter [tilespmem:s24], [sflag:$0x7], $0x800, $0x38;
	[tilespmem:$0x12700] =	vst v63  }
0x55: {  	_ =	swait.ge [sflag:s19], $0x800  }
0x56: {  	[sflag:s19] =	ssyncset.done $0x0  }
0x57: {  	[sflag:s19] =	ssyncadd.s32 $0xFFFFF800  }
0x58: {  	[spmem:s15] =	stream.linear.scatter [tilespmem:s24], [sflag:$0x7], $0x800, $0x38;
	[tilespmem:$0x12700] =	vst v63  }
0x59: {  	_ =	swait.ge [sflag:s19], $0x800  }
0x5a: {  	[sflag:s19] =	ssyncset.done $0x0  }
0x5b: {  	[sflag:s19] =	ssyncadd.s32 $0xFFFFF800  }
0x5c: {  	[spmem:s16] =	stream.linear.scatter [tilespmem:s24], [sflag:$0x7], $0x800, $0x38;
	[tilespmem:$0x12700] =	vst v63  }
0x5d: {  	_ =	swait.ge [sflag:s19], $0x800  }
0x5e: {  	[sflag:s19] =	ssyncset.done $0x0  }
0x5f: {  	[sflag:s19] =	ssyncadd.s32 $0xFFFFF800  }
0x60: {  	[spmem:s17] =	stream.linear.scatter [tilespmem:s24], [sflag:$0x7], $0x800, $0x38;
	[tilespmem:$0x12700] =	vst v63  }
0x61: {  	_ =	swait.ge [sflag:s19], $0x800  }
0x62: {  	[sflag:s19] =	ssyncset.done $0x0  }
0x63: {  	[sflag:s19] =	ssyncadd.s32 $0xFFFFF800  }
0x64: {  	[spmem:s18] =	stream.linear.scatter [tilespmem:s24], [sflag:$0x7], $0x800, $0x38;
	[tilespmem:$0x12700] =	vst v63  }
0x65: {  	_ =	swait.ge [sflag:s19], $0x800  }
0x66: {  	[sflag:s19] =	ssyncset.done $0x0  }
0x67: {  	[sflag:s19] =	ssyncadd.s32 $0xFFFFF800  }
0x68: {  	[bflag:$0x0] =	sbarrier.arrive $0xFFFF  }
0x69: {  	_ =	swait.ge [sflag:s26], $0x1000  }
0x6a: {  	[sflag:s26] =	ssyncset.done $0x0  }
0x6b: {  	[sflag:s26] =	ssyncadd.s32 $0xFFFFF000  }
0x6c: {  	[spmem:s2] =	stream.indirect.scatter.add.f32 [tilespmem:s22], [sflag:$0x4], $0x20, s20, s21, $0xb8;
	[tilespmem:$0x12700] =	vst v63  }
0x6d: {  	s9 =	simm.s32 $0x100  }
0x6e: {  	[tilespmem:s29], [sflag:$0x3] =	stream.indirect.gather [hbm4b:s4+s21], $0x20, s9, s21, $0xb8;
	[tilespmem:$0x12700] =	vst v63  }
0x6f: {  	_ =	swait.ge [sflag:s30], $0x1000  }
0x70: {  	[sflag:s30] =	ssyncset.done $0x0  }
0x71: {  	s8 =	simm.s32 $0x5000;
	[sflag:s30] =	ssyncadd.s32 $0xFFFFF000  }
0x72: {  	[spmem:s2] =	stream.indirect.scatter.add.f32 [tilespmem:s23], [sflag:$0x5], $0x20, s8, s21, $0xb8;
	[tilespmem:$0x12700] =	vst v63  }
0x73: {  	_ =	swait.ge [sflag:s1], $0x1000  }
0x74: {  	[sflag:s1] =	ssyncset.done $0x0  }
0x75: {  	s9 =	simm.s32 $0x180;
	[sflag:s1] =	ssyncadd.s32 $0xFFFFF000  }
0x76: {  	[tilespmem:s22], [sflag:$0x1] =	stream.indirect.gather [hbm4b:s4+s21], $0x20, s9, s21, $0xb8;
	[tilespmem:$0x12700] =	vst v63  }
0x77: {  	_ =	swait.ge [sflag:s28], $0x1000  }
0x78: {  	[sflag:s28] =	ssyncset.done $0x0  }
0x79: {  	s8 =	simm.s32 $0x5080;
	[sflag:s28] =	ssyncadd.s32 $0xFFFFF000  }
0x7a: {  	[spmem:s2] =	stream.indirect.scatter.add.f32 [tilespmem:s29], [sflag:$0x6], $0x20, s8, s21, $0xb8;
	[tilespmem:$0x12700] =	vst v63  }
0x7b: {  	_ =	swait.ge [sflag:s0], $0x1000  }
0x7c: {  	[sflag:s0] =	ssyncset.done $0x0  }
0x7d: {  	s9 =	simm.s32 $0x200;
	[sflag:s0] =	ssyncadd.s32 $0xFFFFF000  }
0x7e: {  	[tilespmem:s23], [sflag:$0x2] =	stream.indirect.gather [hbm4b:s4+s21], $0x20, s9, s21, $0xb8;
	[tilespmem:$0x12700] =	vst v63  }
.LBB2_4:
0x7f: {  	_ =	swait.ge [sflag:s26], $0x1000  }
0x80: {  	s6 =	sshra.s32 s5, $0x2;
	[sflag:s26] =	ssyncset.done $0x0  }
0x81: {  	s8 =	sadd.s32 $0x5100, s6;
	[sflag:s26] =	ssyncadd.s32 $0xFFFFF000  }
0x82: {  	[spmem:s2] =	stream.indirect.scatter.add.f32 [tilespmem:s22], [sflag:$0x4], $0x20, s8, s21, $0xb8;
	[tilespmem:$0x12700] =	vst v63  }
0x83: {  	_ =	swait.ge [sflag:s31], $0x1000  }
0x84: {  	[sflag:s31] =	ssyncset.done $0x0  }
0x85: {  	p0 =	seq.s32 s5, $0x13200;
	s9 =	sadd.s32 $0x280, s6;
	[sflag:s31] =	ssyncadd.s32 $0xFFFFF000  }
0x86: {  	[tilespmem:s29], [sflag:$0x3] =	stream.indirect.gather [hbm4b:s4+s21], $0x20, s9, s21, $0xb8;
	[tilespmem:$0x12700] =	vst v63  }
.Ltmp3:
0x87: {  	_ = 	snop;
	(pc) =	sbr.rel @p0 .LBB2_6-.Ltmp3, $4  }
0x88: {  	_ =	swait.ge [sflag:s30], $0x1000  }
0x89: {  	[sflag:s30] =	ssyncset.done $0x0  }
0x8a: {  	s8 =	sadd.s32 $0x5200, s6;
	s9 =	sadd.s32 $0x5180, s6;
	[sflag:s30] =	ssyncadd.s32 $0xFFFFF000  }
0x8b: {  	[spmem:s2] =	stream.indirect.scatter.add.f32 [tilespmem:s23], [sflag:$0x5], $0x20, s9, s21, $0xb8;
	[tilespmem:$0x12700] =	vst v63  }
0x8c: {  	_ =	swait.ge [sflag:s1], $0x1000  }
0x8d: {  	[sflag:s1] =	ssyncset.done $0x0  }
0x8e: {  	s9 =	sadd.s32 $0x300, s6;
	[sflag:s1] =	ssyncadd.s32 $0xFFFFF000  }
0x8f: {  	[tilespmem:s22], [sflag:$0x1] =	stream.indirect.gather [hbm4b:s4+s21], $0x20, s9, s21, $0xb8;
	[tilespmem:$0x12700] =	vst v63  }
0x90: {  	_ =	swait.ge [sflag:s28], $0x1000  }
0x91: {  	[sflag:s28] =	ssyncset.done $0x0  }
0x92: {  	[sflag:s28] =	ssyncadd.s32 $0xFFFFF000  }
0x93: {  	[spmem:s2] =	stream.indirect.scatter.add.f32 [tilespmem:s29], [sflag:$0x6], $0x20, s8, s21, $0xb8;
	[tilespmem:$0x12700] =	vst v63  }
.Ltmp4:
0x94: {  	_ = 	snop;
	(pc) =	sbr.rel .LBB2_4-.Ltmp4, $4  }
0x95: {  	_ =	swait.ge [sflag:s0], $0x1000  }
0x96: {  	[sflag:s0] =	ssyncset.done $0x0  }
0x97: {  	s5 =	sadd.s32 $0x600, s5;
	s9 =	sadd.s32 $0x380, s6;
	[sflag:s0] =	ssyncadd.s32 $0xFFFFF000  }
0x98: {  	[tilespmem:s23], [sflag:$0x2] =	stream.indirect.gather [hbm4b:s4+s21], $0x20, s9, s21, $0xb8;
	[tilespmem:$0x12700] =	vst v63  }
.LBB2_7:
0x99: {  	_ =	sfence.sel $0x180000  }
0x9a: {  	[bflag:$0x0] =	sbarrier.arrive $0xFFFF  }
0x9b: {  	_ =	strace $0x90000050  }
0x9c: {  	s0 =	stileid.u32;
	[bflag:$0x2] =	sbarrier.arrive $0xFFFF  }
0x9d: {  	p0 =	sne.s32 s0, $0x0;
	s0 =	rddreg [dreg:$0x3]  }
0x9e: {  	s0 =	sadd.s32 @!p0 $0x100000, s0  }
0x9f: {  	[sflag:s0] =	ssyncadd.tile.s32 @!p0 $0x1;
	_ =	shalt  }
.Lfunc_end2:
_tile_overlayer_lowered:
.L_overlay_start_2:
0xa0: {  	(tag) =	ssettag $0x2  }
0xa1: {  	s0 =	rddreg [dreg:$0x0];
	s2 =	stileid.u32  }
0xa2: {  	s1 =	rddreg [dreg:$0x1];
	p0 =	sne.s32 s2, $0x0  }
0xa3: {  	s3 =	rddreg [dreg:$0x2];
	[bflag:$0x3] =	sbarrier.arrive $0xFFFF;
	s2 =	simm.s32 @!p0 $0x1C07  }
0xa4: {  	[timem:s3], [sflag:s2] =	dma.local @!p0 [hbm:s0], s1  }
0xa5: {  	s0 =	simm.s32 @!p0 $0x7  }
0xa6: {  	_ =	swait.ge @!p0 [sflag:s0], s1  }
0xa7: {  	s1 =	ssub.s32 @!p0 $0x0, s1;
	[sflag:s0] =	ssyncset.done @!p0 $0x0  }
0xa8: {  	[sflag:s0] =	ssyncadd.s32 @!p0 s1  }
0xa9: {  	[bflag:$0x3] =	sbarrier.arrive $0xFFFF  }
0xaa: {  	_ =	shalt  }

</sc_bundles>
